<compile_context>
chip_gen: v7x
topology: tpu7x:2x2x1
jax: 0.10.2.dev20260603
libtpu: 0.0.44.dev20260713+nightly
codegen_flags: <defaults>
</compile_context>

<pallas_src>
import functools

import jax
import jax.numpy as jnp
from jax import lax
from jax.experimental import pallas as pl
from jax.experimental.pallas import tpu as pltpu
from jax.experimental.pallas import tpu_sc as plsc

LANES = 16
NUM_CORES = 2
NUM_SUBCORES = 16
NUM_WORKERS = NUM_CORES * NUM_SUBCORES


def _make_embed(batch: int, seq: int, hidden: int, vocab: int):
    assert hidden % NUM_WORKERS == 0
    fpw = hidden // NUM_WORKERS
    assert seq % LANES == 0
    tail = max(vocab % 128, 1)

    mesh = plsc.VectorSubcoreMesh(core_axis_name="c", subcore_axis_name="s")

    @functools.partial(
        pl.kernel,
        mesh=mesh,
        compiler_params=pltpu.CompilerParams(needs_layout_passes=False),
        out_type=jax.ShapeDtypeStruct((batch, hidden, seq), jnp.float32),
        scratch_types=[
            pltpu.VMEM((batch, seq), jnp.int32),
            pltpu.VMEM((vocab,), jnp.float32),
            pltpu.VMEM((seq,), jnp.float32),
            pltpu.VMEM((batch, seq), jnp.float32),
            pltpu.VMEM((8, tail), jnp.float32),
            pltpu.SemaphoreType.DMA,
            pltpu.SemaphoreType.DMA,
            pltpu.SemaphoreType.DMA,
        ],
    )
    def embed(x_hbm, tbl_hbm, pos_hbm, out_hbm, x_v, row_v, pos_v, seg_v,
              tail_v, row_sem, pos_sem, out_sem):
        wid = lax.axis_index("s") * NUM_CORES + lax.axis_index("c")
        n_chunk = 8
        vtail = vocab % 128
        vocab_al = vocab - vtail
        chunk = (vocab_al // n_chunk // 128) * 128
        bounds = [i * chunk for i in range(n_chunk)] + [vocab_al]
        for j in range(fpw):
            feat = wid * fpw + j
            row_ref = tbl_hbm.at[feat]
            row_cps = [
                pltpu.async_copy(
                    row_ref.at[pl.ds(bounds[i], bounds[i + 1] - bounds[i])],
                    row_v.at[pl.ds(bounds[i], bounds[i + 1] - bounds[i])],
                    row_sem,
                )
                for i in range(n_chunk)
            ]
            if vtail:
                ftile = pl.multiple_of((feat // 8) * 8, 8)
                row_cps.append(
                    pltpu.async_copy(
                        tbl_hbm.at[pl.ds(ftile, 8), pl.ds(vocab_al, vtail)],
                        tail_v,
                        row_sem,
                    )
                )
            pos_cp = pltpu.async_copy(pos_hbm.at[feat], pos_v, pos_sem)
            if j == 0:
                pltpu.sync_copy(x_hbm, x_v)
            if j > 0:
                for b in range(batch):
                    out_cps[b].wait()
            pos_cp.wait()
            for cp in row_cps:
                cp.wait()
            if vtail:
                frow = feat % 8
                for k in range(vtail // LANES):
                    row_v[pl.ds(vocab_al + k * LANES, LANES)] = tail_v[
                        frow, pl.ds(k * LANES, LANES)
                    ]
            @plsc.parallel_loop(0, seq // LANES, unroll=8)
            def _(k):
                sl = pl.ds(k * LANES, LANES)
                posv = pos_v[sl]
                for b in range(batch):
                    vals = plsc.load_gather(row_v, [x_v[b, sl]])
                    seg_v[b, sl] = vals + posv
            out_cps = [
                pltpu.async_copy(seg_v.at[b], out_hbm.at[b, feat], out_sem)
                for b in range(batch)
            ]
        for b in range(batch):
            out_cps[b].wait()

    return embed


def kernel(x, token_embedding, position_embedding):
    batch, seq = x.shape
    vocab, hidden = token_embedding.shape
    fn = _make_embed(batch, seq, hidden, vocab)
    out = fn(x.astype(jnp.int32), token_embedding.T, position_embedding.T)
    return out.transpose(0, 2, 1)

# --- scband reference (transcript-rebuilt; emitter-appended) ---
"""Pipeline reference for scband-embeddings-979252543829 (READ-ONLY COPY).

The authoritative reference and input builder live on the scoring server;
editing this copy changes nothing except your own understanding.
"""

import jax, jax.numpy as jnp
import numpy as np

VOCAB = 100000
HIDDEN = 64
MAX_LEN = 2048
BATCH = 4
SEQ = 2048


def setup_inputs(seed: int = 0) -> dict:
    key = jax.random.key(seed)
    k1, k2, k3 = jax.random.split(key, 3)
    x = jax.random.randint(k1, (BATCH, SEQ), 0, VOCAB, dtype=jnp.int64 if jax.config.jax_enable_x64 else jnp.int32)
    token_embedding = jax.random.normal(k2, (VOCAB, HIDDEN), dtype=jnp.float32) * 0.02
    position_embedding = jax.random.normal(k3, (MAX_LEN, HIDDEN), dtype=jnp.float32) * 0.02
    return {"x": x, "token_embedding": token_embedding, "position_embedding": position_embedding}


def reference(x, token_embedding, position_embedding):
    # positions = arange(seq_len)[None, :]
    seq_len = x.shape[1]
    positions = jnp.arange(seq_len)[None, :]
    tok = jnp.take(token_embedding, x, axis=0)            # [B, S, H] gather
    pos = jnp.take(position_embedding, positions, axis=0)  # [1, S, H] gather
    return tok + pos

if __name__ == "__main__":
    import jax
    _d = setup_inputs()
    print(jax.jit(kernel)(*tuple(_d.values())))

</pallas_src>

<mosaic_0001>
#map = affine_map<(d0, d1) -> (0, 0)>
#map1 = affine_map<(d0, d1) -> (0, 0, 0)>
module attributes {stable_mosaic.version = 14 : i64} {
  func.func @embed(%arg0: i32, %arg1: i32, %arg2: memref<4x2048xi32, #tpu.memory_space<hbm>>, %arg3: memref<64x100000xf32, #tpu.memory_space<hbm>>, %arg4: memref<64x2048xf32, #tpu.memory_space<hbm>>, %arg5: memref<4x64x2048xf32, #tpu.memory_space<hbm>>, %arg6: memref<4x2048xi32, #tpu.memory_space<vmem>>, %arg7: memref<100000xf32, #tpu.memory_space<vmem>>, %arg8: memref<2048xf32, #tpu.memory_space<vmem>>, %arg9: memref<4x2048xf32, #tpu.memory_space<vmem>>, %arg10: memref<8x32xf32, #tpu.memory_space<vmem>>, %arg11: memref<!tpu.dma_semaphore, #tpu.memory_space<semaphore_mem>>, %arg12: memref<!tpu.dma_semaphore, #tpu.memory_space<semaphore_mem>>, %arg13: memref<!tpu.dma_semaphore, #tpu.memory_space<semaphore_mem>>) attributes {dimension_semantics = [#tpu.dimension_semantics<core_parallel>, #tpu.dimension_semantics<subcore_parallel>], iteration_bounds = array<i64: 2, 16>, scalar_prefetch = 0 : i64, scratch_operands = 8 : i64, tpu.core_type = #tpu.core_type<sc_vector_subcore>, window_params = [{transform_indices = #map}, {transform_indices = #map}, {transform_indices = #map}, {transform_indices = #map1}]} {
    %mul3A = arith.constant 2 : i32
    %mul3A_0 = arith.muli %arg1, %mul3A : i32
    %add3A = arith.addi %mul3A_0, %arg0 : i32
    %mul3A_1 = arith.constant 2 : i32
    %mul3A_2 = arith.muli %add3A, %mul3A_1 : i32
    %add3A_3 = arith.constant 0 : i32
    %add3A_4 = arith.addi %mul3A_2, %add3A_3 : i32
    %dma_start3A = arith.constant 0 : i32
    %dma_start3A_5 = tpu.memref_slice %arg7[%dma_start3A] : memref<100000xf32, #tpu.memory_space<vmem>> -> memref<12416xf32, #tpu.memory_space<vmem>>
    %dma_start3A_6 = arith.constant 0 : i32
    %dma_start3A_7 = tpu.memref_slice %arg3[%add3A_4, %dma_start3A_6] : memref<64x100000xf32, #tpu.memory_space<hbm>> -> memref<1x100000xf32, #tpu.memory_space<hbm>>
    %dma_start3A_8 = tpu.memref_squeeze %dma_start3A_7 : memref<1x100000xf32, #tpu.memory_space<hbm>> -> memref<100000xf32, #tpu.memory_space<hbm>>
    %dma_start3A_9 = arith.constant 0 : i32
    %dma_start3A_10 = tpu.memref_slice %dma_start3A_8[%dma_start3A_9] : memref<100000xf32, #tpu.memory_space<hbm>> -> memref<12416xf32, #tpu.memory_space<hbm>>
    %dma_start3A_11 = arith.constant 0 : i32
    %dma_start3A_12 = tpu.memref_slice %arg7[%dma_start3A_11] : memref<100000xf32, #tpu.memory_space<vmem>> -> memref<12416xf32, #tpu.memory_space<vmem>>
    %dma_start3A_13 = arith.constant 0 : i32
    %dma_start3A_14 = tpu.memref_slice %arg3[%add3A_4, %dma_start3A_13] : memref<64x100000xf32, #tpu.memory_space<hbm>> -> memref<1x100000xf32, #tpu.memory_space<hbm>>
    %dma_start3A_15 = tpu.memref_squeeze %dma_start3A_14 : memref<1x100000xf32, #tpu.memory_space<hbm>> -> memref<100000xf32, #tpu.memory_space<hbm>>
    %dma_start3A_16 = arith.constant 0 : i32
    %dma_start3A_17 = tpu.memref_slice %dma_start3A_15[%dma_start3A_16] : memref<100000xf32, #tpu.memory_space<hbm>> -> memref<12416xf32, #tpu.memory_space<hbm>>
    tpu.enqueue_dma source(%dma_start3A_17 : memref<12416xf32, #tpu.memory_space<hbm>>) target(%dma_start3A_12 : memref<12416xf32, #tpu.memory_space<vmem>>) target_semaphore(%arg11 : memref<!tpu.dma_semaphore, #tpu.memory_space<semaphore_mem>>)
    %dma_start3A_18 = arith.constant 12416 : i32
    %dma_start3A_19 = tpu.memref_slice %arg7[%dma_start3A_18] : memref<100000xf32, #tpu.memory_space<vmem>> -> memref<12416xf32, #tpu.memory_space<vmem>>
    %dma_start3A_20 = arith.constant 0 : i32
    %dma_start3A_21 = tpu.memref_slice %arg3[%add3A_4, %dma_start3A_20] : memref<64x100000xf32, #tpu.memory_space<hbm>> -> memref<1x100000xf32, #tpu.memory_space<hbm>>
    %dma_start3A_22 = tpu.memref_squeeze %dma_start3A_21 : memref<1x100000xf32, #tpu.memory_space<hbm>> -> memref<100000xf32, #tpu.memory_space<hbm>>
    %dma_start3A_23 = arith.constant 12416 : i32
    %dma_start3A_24 = tpu.memref_slice %dma_start3A_22[%dma_start3A_23] : memref<100000xf32, #tpu.memory_space<hbm>> -> memref<12416xf32, #tpu.memory_space<hbm>>
    %dma_start3A_25 = arith.constant 12416 : i32
    %dma_start3A_26 = tpu.memref_slice %arg7[%dma_start3A_25] : memref<100000xf32, #tpu.memory_space<vmem>> -> memref<12416xf32, #tpu.memory_space<vmem>>
    %dma_start3A_27 = arith.constant 0 : i32
    %dma_start3A_28 = tpu.memref_slice %arg3[%add3A_4, %dma_start3A_27] : memref<64x100000xf32, #tpu.memory_space<hbm>> -> memref<1x100000xf32, #tpu.memory_space<hbm>>
    %dma_start3A_29 = tpu.memref_squeeze %dma_start3A_28 : memref<1x100000xf32, #tpu.memory_space<hbm>> -> memref<100000xf32, #tpu.memory_space<hbm>>
    %dma_start3A_30 = arith.constant 12416 : i32
    %dma_start3A_31 = tpu.memref_slice %dma_start3A_29[%dma_start3A_30] : memref<100000xf32, #tpu.memory_space<hbm>> -> memref<12416xf32, #tpu.memory_space<hbm>>
    tpu.enqueue_dma source(%dma_start3A_31 : memref<12416xf32, #tpu.memory_space<hbm>>) target(%dma_start3A_26 : memref<12416xf32, #tpu.memory_space<vmem>>) target_semaphore(%arg11 : memref<!tpu.dma_semaphore, #tpu.memory_space<semaphore_mem>>)
    %dma_start3A_32 = arith.constant 24832 : i32
    %dma_start3A_33 = tpu.memref_slice %arg7[%dma_start3A_32] : memref<100000xf32, #tpu.memory_space<vmem>> -> memref<12416xf32, #tpu.memory_space<vmem>>
    %dma_start3A_34 = arith.constant 0 : i32
    %dma_start3A_35 = tpu.memref_slice %arg3[%add3A_4, %dma_start3A_34] : memref<64x100000xf32, #tpu.memory_space<hbm>> -> memref<1x100000xf32, #tpu.memory_space<hbm>>
    %dma_start3A_36 = tpu.memref_squeeze %dma_start3A_35 : memref<1x100000xf32, #tpu.memory_space<hbm>> -> memref<100000xf32, #tpu.memory_space<hbm>>
    %dma_start3A_37 = arith.constant 24832 : i32
    %dma_start3A_38 = tpu.memref_slice %dma_start3A_36[%dma_start3A_37] : memref<100000xf32, #tpu.memory_space<hbm>> -> memref<12416xf32, #tpu.memory_space<hbm>>
    %dma_start3A_39 = arith.constant 24832 : i32
    %dma_start3A_40 = tpu.memref_slice %arg7[%dma_start3A_39] : memref<100000xf32, #tpu.memory_space<vmem>> -> memref<12416xf32, #tpu.memory_space<vmem>>
    %dma_start3A_41 = arith.constant 0 : i32
    %dma_start3A_42 = tpu.memref_slice %arg3[%add3A_4, %dma_start3A_41] : memref<64x100000xf32, #tpu.memory_space<hbm>> -> memref<1x100000xf32, #tpu.memory_space<hbm>>
    %dma_start3A_43 = tpu.memref_squeeze %dma_start3A_42 : memref<1x100000xf32, #tpu.memory_space<hbm>> -> memref<100000xf32, #tpu.memory_space<hbm>>
    %dma_start3A_44 = arith.constant 24832 : i32
    %dma_start3A_45 = tpu.memref_slice %dma_start3A_43[%dma_start3A_44] : memref<100000xf32, #tpu.memory_space<hbm>> -> memref<12416xf32, #tpu.memory_space<hbm>>
    tpu.enqueue_dma source(%dma_start3A_45 : memref<12416xf32, #tpu.memory_space<hbm>>) target(%dma_start3A_40 : memref<12416xf32, #tpu.memory_space<vmem>>) target_semaphore(%arg11 : memref<!tpu.dma_semaphore, #tpu.memory_space<semaphore_mem>>)
    %dma_start3A_46 = arith.constant 37248 : i32
    %dma_start3A_47 = tpu.memref_slice %arg7[%dma_start3A_46] : memref<100000xf32, #tpu.memory_space<vmem>> -> memref<12416xf32, #tpu.memory_space<vmem>>
    %dma_start3A_48 = arith.constant 0 : i32
    %dma_start3A_49 = tpu.memref_slice %arg3[%add3A_4, %dma_start3A_48] : memref<64x100000xf32, #tpu.memory_space<hbm>> -> memref<1x100000xf32, #tpu.memory_space<hbm>>
    %dma_start3A_50 = tpu.memref_squeeze %dma_start3A_49 : memref<1x100000xf32, #tpu.memory_space<hbm>> -> memref<100000xf32, #tpu.memory_space<hbm>>
    %dma_start3A_51 = arith.constant 37248 : i32
    %dma_start3A_52 = tpu.memref_slice %dma_start3A_50[%dma_start3A_51] : memref<100000xf32, #tpu.memory_space<hbm>> -> memref<12416xf32, #tpu.memory_space<hbm>>
    %dma_start3A_53 = arith.constant 37248 : i32
    %dma_start3A_54 = tpu.memref_slice %arg7[%dma_start3A_53] : memref<100000xf32, #tpu.memory_space<vmem>> -> memref<12416xf32, #tpu.memory_space<vmem>>
    %dma_start3A_55 = arith.constant 0 : i32
    %dma_start3A_56 = tpu.memref_slice %arg3[%add3A_4, %dma_start3A_55] : memref<64x100000xf32, #tpu.memory_space<hbm>> -> memref<1x100000xf32, #tpu.memory_space<hbm>>
    %dma_start3A_57 = tpu.memref_squeeze %dma_start3A_56 : memref<1x100000xf32, #tpu.memory_space<hbm>> -> memref<100000xf32, #tpu.memory_space<hbm>>
    %dma_start3A_58 = arith.constant 37248 : i32
    %dma_start3A_59 = tpu.memref_slice %dma_start3A_57[%dma_start3A_58] : memref<100000xf32, #tpu.memory_space<hbm>> -> memref<12416xf32, #tpu.memory_space<hbm>>
    tpu.enqueue_dma source(%dma_start3A_59 : memref<12416xf32, #tpu.memory_space<hbm>>) target(%dma_start3A_54 : memref<12416xf32, #tpu.memory_space<vmem>>) target_semaphore(%arg11 : memref<!tpu.dma_semaphore, #tpu.memory_space<semaphore_mem>>)
    %dma_start3A_60 = arith.constant 49664 : i32
    %dma_start3A_61 = tpu.memref_slice %arg7[%dma_start3A_60] : memref<100000xf32, #tpu.memory_space<vmem>> -> memref<12416xf32, #tpu.memory_space<vmem>>
    %dma_start3A_62 = arith.constant 0 : i32
    %dma_start3A_63 = tpu.memref_slice %arg3[%add3A_4, %dma_start3A_62] : memref<64x100000xf32, #tpu.memory_space<hbm>> -> memref<1x100000xf32, #tpu.memory_space<hbm>>
    %dma_start3A_64 = tpu.memref_squeeze %dma_start3A_63 : memref<1x100000xf32, #tpu.memory_space<hbm>> -> memref<100000xf32, #tpu.memory_space<hbm>>
    %dma_start3A_65 = arith.constant 49664 : i32
    %dma_start3A_66 = tpu.memref_slice %dma_start3A_64[%dma_start3A_65] : memref<100000xf32, #tpu.memory_space<hbm>> -> memref<12416xf32, #tpu.memory_space<hbm>>
    %dma_start3A_67 = arith.constant 49664 : i32
    %dma_start3A_68 = tpu.memref_slice %arg7[%dma_start3A_67] : memref<100000xf32, #tpu.memory_space<vmem>> -> memref<12416xf32, #tpu.memory_space<vmem>>
    %dma_start3A_69 = arith.constant 0 : i32
    %dma_start3A_70 = tpu.memref_slice %arg3[%add3A_4, %dma_start3A_69] : memref<64x100000xf32, #tpu.memory_space<hbm>> -> memref<1x100000xf32, #tpu.memory_space<hbm>>
    %dma_start3A_71 = tpu.memref_squeeze %dma_start3A_70 : memref<1x100000xf32, #tpu.memory_space<hbm>> -> memref<100000xf32, #tpu.memory_space<hbm>>
    %dma_start3A_72 = arith.constant 49664 : i32
    %dma_start3A_73 = tpu.memref_slice %dma_start3A_71[%dma_start3A_72] : memref<100000xf32, #tpu.memory_space<hbm>> -> memref<12416xf32, #tpu.memory_space<hbm>>
    tpu.enqueue_dma source(%dma_start3A_73 : memref<12416xf32, #tpu.memory_space<hbm>>) target(%dma_start3A_68 : memref<12416xf32, #tpu.memory_space<vmem>>) target_semaphore(%arg11 : memref<!tpu.dma_semaphore, #tpu.memory_space<semaphore_mem>>)
    %dma_start3A_74 = arith.constant 62080 : i32
    %dma_start3A_75 = tpu.memref_slice %arg7[%dma_start3A_74] : memref<100000xf32, #tpu.memory_space<vmem>> -> memref<12416xf32, #tpu.memory_space<vmem>>
    %dma_start3A_76 = arith.constant 0 : i32
    %dma_start3A_77 = tpu.memref_slice %arg3[%add3A_4, %dma_start3A_76] : memref<64x100000xf32, #tpu.memory_space<hbm>> -> memref<1x100000xf32, #tpu.memory_space<hbm>>
    %dma_start3A_78 = tpu.memref_squeeze %dma_start3A_77 : memref<1x100000xf32, #tpu.memory_space<hbm>> -> memref<100000xf32, #tpu.memory_space<hbm>>
    %dma_start3A_79 = arith.constant 62080 : i32
    %dma_start3A_80 = tpu.memref_slice %dma_start3A_78[%dma_start3A_79] : memref<100000xf32, #tpu.memory_space<hbm>> -> memref<12416xf32, #tpu.memory_space<hbm>>
    %dma_start3A_81 = arith.constant 62080 : i32
    %dma_start3A_82 = tpu.memref_slice %arg7[%dma_start3A_81] : memref<100000xf32, #tpu.memory_space<vmem>> -> memref<12416xf32, #tpu.memory_space<vmem>>
    %dma_start3A_83 = arith.constant 0 : i32
    %dma_start3A_84 = tpu.memref_slice %arg3[%add3A_4, %dma_start3A_83] : memref<64x100000xf32, #tpu.memory_space<hbm>> -> memref<1x100000xf32, #tpu.memory_space<hbm>>
    %dma_start3A_85 = tpu.memref_squeeze %dma_start3A_84 : memref<1x100000xf32, #tpu.memory_space<hbm>> -> memref<100000xf32, #tpu.memory_space<hbm>>
    %dma_start3A_86 = arith.constant 62080 : i32
    %dma_start3A_87 = tpu.memref_slice %dma_start3A_85[%dma_start3A_86] : memref<100000xf32, #tpu.memory_space<hbm>> -> memref<12416xf32, #tpu.memory_space<hbm>>
    tpu.enqueue_dma source(%dma_start3A_87 : memref<12416xf32, #tpu.memory_space<hbm>>) target(%dma_start3A_82 : memref<12416xf32, #tpu.memory_space<vmem>>) target_semaphore(%arg11 : memref<!tpu.dma_semaphore, #tpu.memory_space<semaphore_mem>>)
    %dma_start3A_88 = arith.constant 74496 : i32
    %dma_start3A_89 = tpu.memref_slice %arg7[%dma_start3A_88] : memref<100000xf32, #tpu.memory_space<vmem>> -> memref<12416xf32, #tpu.memory_space<vmem>>
    %dma_start3A_90 = arith.constant 0 : i32
    %dma_start3A_91 = tpu.memref_slice %arg3[%add3A_4, %dma_start3A_90] : memref<64x100000xf32, #tpu.memory_space<hbm>> -> memref<1x100000xf32, #tpu.memory_space<hbm>>
    %dma_start3A_92 = tpu.memref_squeeze %dma_start3A_91 : memref<1x100000xf32, #tpu.memory_space<hbm>> -> memref<100000xf32, #tpu.memory_space<hbm>>
    %dma_start3A_93 = arith.constant 74496 : i32
    %dma_start3A_94 = tpu.memref_slice %dma_start3A_92[%dma_start3A_93] : memref<100000xf32, #tpu.memory_space<hbm>> -> memref<12416xf32, #tpu.memory_space<hbm>>
    %dma_start3A_95 = arith.constant 74496 : i32
    %dma_start3A_96 = tpu.memref_slice %arg7[%dma_start3A_95] : memref<100000xf32, #tpu.memory_space<vmem>> -> memref<12416xf32, #tpu.memory_space<vmem>>
    %dma_start3A_97 = arith.constant 0 : i32
    %dma_start3A_98 = tpu.memref_slice %arg3[%add3A_4, %dma_start3A_97] : memref<64x100000xf32, #tpu.memory_space<hbm>> -> memref<1x100000xf32, #tpu.memory_space<hbm>>
    %dma_start3A_99 = tpu.memref_squeeze %dma_start3A_98 : memref<1x100000xf32, #tpu.memory_space<hbm>> -> memref<100000xf32, #tpu.memory_space<hbm>>
    %dma_start3A_100 = arith.constant 74496 : i32
    %dma_start3A_101 = tpu.memref_slice %dma_start3A_99[%dma_start3A_100] : memref<100000xf32, #tpu.memory_space<hbm>> -> memref<12416xf32, #tpu.memory_space<hbm>>
    tpu.enqueue_dma source(%dma_start3A_101 : memref<12416xf32, #tpu.memory_space<hbm>>) target(%dma_start3A_96 : memref<12416xf32, #tpu.memory_space<vmem>>) target_semaphore(%arg11 : memref<!tpu.dma_semaphore, #tpu.memory_space<semaphore_mem>>)
    %dma_start3A_102 = arith.constant 86912 : i32
    %dma_start3A_103 = tpu.memref_slice %arg7[%dma_start3A_102] : memref<100000xf32, #tpu.memory_space<vmem>> -> memref<13056xf32, #tpu.memory_space<vmem>>
    %dma_start3A_104 = arith.constant 0 : i32
    %dma_start3A_105 = tpu.memref_slice %arg3[%add3A_4, %dma_start3A_104] : memref<64x100000xf32, #tpu.memory_space<hbm>> -> memref<1x100000xf32, #tpu.memory_space<hbm>>
    %dma_start3A_106 = tpu.memref_squeeze %dma_start3A_105 : memref<1x100000xf32, #tpu.memory_space<hbm>> -> memref<100000xf32, #tpu.memory_space<hbm>>
    %dma_start3A_107 = arith.constant 86912 : i32
    %dma_start3A_108 = tpu.memref_slice %dma_start3A_106[%dma_start3A_107] : memref<100000xf32, #tpu.memory_space<hbm>> -> memref<13056xf32, #tpu.memory_space<hbm>>
    %dma_start3A_109 = arith.constant 86912 : i32
    %dma_start3A_110 = tpu.memref_slice %arg7[%dma_start3A_109] : memref<100000xf32, #tpu.memory_space<vmem>> -> memref<13056xf32, #tpu.memory_space<vmem>>
    %dma_start3A_111 = arith.constant 0 : i32
    %dma_start3A_112 = tpu.memref_slice %arg3[%add3A_4, %dma_start3A_111] : memref<64x100000xf32, #tpu.memory_space<hbm>> -> memref<1x100000xf32, #tpu.memory_space<hbm>>
    %dma_start3A_113 = tpu.memref_squeeze %dma_start3A_112 : memref<1x100000xf32, #tpu.memory_space<hbm>> -> memref<100000xf32, #tpu.memory_space<hbm>>
    %dma_start3A_114 = arith.constant 86912 : i32
    %dma_start3A_115 = tpu.memref_slice %dma_start3A_113[%dma_start3A_114] : memref<100000xf32, #tpu.memory_space<hbm>> -> memref<13056xf32, #tpu.memory_space<hbm>>
    tpu.enqueue_dma source(%dma_start3A_115 : memref<13056xf32, #tpu.memory_space<hbm>>) target(%dma_start3A_110 : memref<13056xf32, #tpu.memory_space<vmem>>) target_semaphore(%arg11 : memref<!tpu.dma_semaphore, #tpu.memory_space<semaphore_mem>>)
    %jit3A = arith.constant 8 : i32
    %div3A = arith.divsi %add3A_4, %jit3A : i32
    %sign3A = arith.constant 0 : i32
    %sign3A_116 = arith.cmpi sgt, %add3A_4, %sign3A : i32
    %sign3A_117 = arith.extui %sign3A_116 : i1 to i32
    %sign3A_118 = arith.constant 0 : i32
    %sign3A_119 = arith.cmpi slt, %add3A_4, %sign3A_118 : i32
    %sign3A_120 = arith.extui %sign3A_119 : i1 to i32
    %sign3A_121 = arith.subi %sign3A_117, %sign3A_120 : i32
    %sign3A_122 = arith.constant 0 : i32
    %sign3A_123 = arith.cmpi sgt, %jit3A, %sign3A_122 : i32
    %sign3A_124 = arith.extui %sign3A_123 : i1 to i32
    %sign3A_125 = arith.constant 0 : i32
    %sign3A_126 = arith.cmpi slt, %jit3A, %sign3A_125 : i32
    %sign3A_127 = arith.extui %sign3A_126 : i1 to i32
    %sign3A_128 = arith.subi %sign3A_124, %sign3A_127 : i32
    %ne3A = arith.cmpi ne, %sign3A_121, %sign3A_128 : i32
    %rem3A = arith.remsi %add3A_4, %jit3A : i32
    %ne3A_129 = arith.constant 0 : i32
    %ne3A_130 = arith.cmpi ne, %rem3A, %ne3A_129 : i32
    %and3A = arith.andi %ne3A, %ne3A_130 : i1
    %sub3A = arith.constant 1 : i32
    %sub3A_131 = arith.subi %div3A, %sub3A : i32
    %select_n3A = arith.select %and3A, %sub3A_131, %div3A : i32
    %mul3A_132 = arith.constant 8 : i32
    %mul3A_133 = arith.muli %select_n3A, %mul3A_132 : i32
    %multiple_of3A = tpu.assume_multiple %mul3A_133, 8 : i32
    %dma_start3A_134 = arith.constant 99968 : i32
    %dma_start3A_135 = tpu.memref_slice %arg3[%multiple_of3A, %dma_start3A_134] : memref<64x100000xf32, #tpu.memory_space<hbm>> -> memref<8x32xf32, #tpu.memory_space<hbm>>
    %dma_start3A_136 = arith.constant 99968 : i32
    %dma_start3A_137 = tpu.memref_slice %arg3[%multiple_of3A, %dma_start3A_136] : memref<64x100000xf32, #tpu.memory_space<hbm>> -> memref<8x32xf32, #tpu.memory_space<hbm>>
    tpu.enqueue_dma source(%dma_start3A_137 : memref<8x32xf32, #tpu.memory_space<hbm>>) target(%arg10 : memref<8x32xf32, #tpu.memory_space<vmem>>) target_semaphore(%arg11 : memref<!tpu.dma_semaphore, #tpu.memory_space<semaphore_mem>>)
    %dma_start3A_138 = arith.constant 0 : i32
    %dma_start3A_139 = tpu.memref_slice %arg4[%add3A_4, %dma_start3A_138] : memref<64x2048xf32, #tpu.memory_space<hbm>> -> memref<1x2048xf32, #tpu.memory_space<hbm>>
    %dma_start3A_140 = tpu.memref_squeeze %dma_start3A_139 : memref<1x2048xf32, #tpu.memory_space<hbm>> -> memref<2048xf32, #tpu.memory_space<hbm>>
    %dma_start3A_141 = arith.constant 0 : i32
    %dma_start3A_142 = tpu.memref_slice %arg4[%add3A_4, %dma_start3A_141] : memref<64x2048xf32, #tpu.memory_space<hbm>> -> memref<1x2048xf32, #tpu.memory_space<hbm>>
    %dma_start3A_143 = tpu.memref_squeeze %dma_start3A_142 : memref<1x2048xf32, #tpu.memory_space<hbm>> -> memref<2048xf32, #tpu.memory_space<hbm>>
    tpu.enqueue_dma source(%dma_start3A_143 : memref<2048xf32, #tpu.memory_space<hbm>>) target(%arg8 : memref<2048xf32, #tpu.memory_space<vmem>>) target_semaphore(%arg12 : memref<!tpu.dma_semaphore, #tpu.memory_space<semaphore_mem>>)
    "tpu.region"() ({
      %run_scoped3A = tpu.sem_alloc : memref<!tpu.dma_semaphore, #tpu.memory_space<semaphore_mem>>
      tpu.enqueue_dma source(%arg2 : memref<4x2048xi32, #tpu.memory_space<hbm>>) target(%arg6 : memref<4x2048xi32, #tpu.memory_space<vmem>>) target_semaphore(%run_scoped3A : memref<!tpu.dma_semaphore, #tpu.memory_space<semaphore_mem>>)
      tpu.wait_dma2 semaphore(%run_scoped3A : memref<!tpu.dma_semaphore, #tpu.memory_space<semaphore_mem>>) src(%arg2 : memref<4x2048xi32, #tpu.memory_space<hbm>>) dst(%arg6 : memref<4x2048xi32, #tpu.memory_space<vmem>>)
      tpu.yield
    }) : () -> ()
    %dma_wait3A = arith.constant 0 : i32
    %dma_wait3A_144 = tpu.memref_slice %arg4[%add3A_4, %dma_wait3A] : memref<64x2048xf32, #tpu.memory_space<hbm>> -> memref<1x2048xf32, #tpu.memory_space<hbm>>
    %dma_wait3A_145 = tpu.memref_squeeze %dma_wait3A_144 : memref<1x2048xf32, #tpu.memory_space<hbm>> -> memref<2048xf32, #tpu.memory_space<hbm>>
    %dma_wait3A_146 = arith.constant 0 : i32
    %dma_wait3A_147 = tpu.memref_slice %arg4[%add3A_4, %dma_wait3A_146] : memref<64x2048xf32, #tpu.memory_space<hbm>> -> memref<1x2048xf32, #tpu.memory_space<hbm>>
    %dma_wait3A_148 = tpu.memref_squeeze %dma_wait3A_147 : memref<1x2048xf32, #tpu.memory_space<hbm>> -> memref<2048xf32, #tpu.memory_space<hbm>>
    tpu.wait_dma2 semaphore(%arg12 : memref<!tpu.dma_semaphore, #tpu.memory_space<semaphore_mem>>) src(%dma_wait3A_148 : memref<2048xf32, #tpu.memory_space<hbm>>) dst(%arg8 : memref<2048xf32, #tpu.memory_space<vmem>>)
    %dma_wait3A_149 = arith.constant 0 : i32
    %dma_wait3A_150 = tpu.memref_slice %arg7[%dma_wait3A_149] : memref<100000xf32, #tpu.memory_space<vmem>> -> memref<12416xf32, #tpu.memory_space<vmem>>
    %dma_wait3A_151 = arith.constant 0 : i32
    %dma_wait3A_152 = tpu.memref_slice %arg3[%add3A_4, %dma_wait3A_151] : memref<64x100000xf32, #tpu.memory_space<hbm>> -> memref<1x100000xf32, #tpu.memory_space<hbm>>
    %dma_wait3A_153 = tpu.memref_squeeze %dma_wait3A_152 : memref<1x100000xf32, #tpu.memory_space<hbm>> -> memref<100000xf32, #tpu.memory_space<hbm>>
    %dma_wait3A_154 = arith.constant 0 : i32
    %dma_wait3A_155 = tpu.memref_slice %dma_wait3A_153[%dma_wait3A_154] : memref<100000xf32, #tpu.memory_space<hbm>> -> memref<12416xf32, #tpu.memory_space<hbm>>
    %dma_wait3A_156 = arith.constant 0 : i32
    %dma_wait3A_157 = tpu.memref_slice %arg7[%dma_wait3A_156] : memref<100000xf32, #tpu.memory_space<vmem>> -> memref<12416xf32, #tpu.memory_space<vmem>>
    %dma_wait3A_158 = arith.constant 0 : i32
    %dma_wait3A_159 = tpu.memref_slice %arg3[%add3A_4, %dma_wait3A_158] : memref<64x100000xf32, #tpu.memory_space<hbm>> -> memref<1x100000xf32, #tpu.memory_space<hbm>>
    %dma_wait3A_160 = tpu.memref_squeeze %dma_wait3A_159 : memref<1x100000xf32, #tpu.memory_space<hbm>> -> memref<100000xf32, #tpu.memory_space<hbm>>
    %dma_wait3A_161 = arith.constant 0 : i32
    %dma_wait3A_162 = tpu.memref_slice %dma_wait3A_160[%dma_wait3A_161] : memref<100000xf32, #tpu.memory_space<hbm>> -> memref<12416xf32, #tpu.memory_space<hbm>>
    tpu.wait_dma2 semaphore(%arg11 : memref<!tpu.dma_semaphore, #tpu.memory_space<semaphore_mem>>) src(%dma_wait3A_162 : memref<12416xf32, #tpu.memory_space<hbm>>) dst(%dma_wait3A_157 : memref<12416xf32, #tpu.memory_space<vmem>>)
    %dma_wait3A_163 = arith.constant 12416 : i32
    %dma_wait3A_164 = tpu.memref_slice %arg7[%dma_wait3A_163] : memref<100000xf32, #tpu.memory_space<vmem>> -> memref<12416xf32, #tpu.memory_space<vmem>>
    %dma_wait3A_165 = arith.constant 0 : i32
    %dma_wait3A_166 = tpu.memref_slice %arg3[%add3A_4, %dma_wait3A_165] : memref<64x100000xf32, #tpu.memory_space<hbm>> -> memref<1x100000xf32, #tpu.memory_space<hbm>>
    %dma_wait3A_167 = tpu.memref_squeeze %dma_wait3A_166 : memref<1x100000xf32, #tpu.memory_space<hbm>> -> memref<100000xf32, #tpu.memory_space<hbm>>
    %dma_wait3A_168 = arith.constant 12416 : i32
    %dma_wait3A_169 = tpu.memref_slice %dma_wait3A_167[%dma_wait3A_168] : memref<100000xf32, #tpu.memory_space<hbm>> -> memref<12416xf32, #tpu.memory_space<hbm>>
    %dma_wait3A_170 = arith.constant 12416 : i32
    %dma_wait3A_171 = tpu.memref_slice %arg7[%dma_wait3A_170] : memref<100000xf32, #tpu.memory_space<vmem>> -> memref<12416xf32, #tpu.memory_space<vmem>>
    %dma_wait3A_172 = arith.constant 0 : i32
    %dma_wait3A_173 = tpu.memref_slice %arg3[%add3A_4, %dma_wait3A_172] : memref<64x100000xf32, #tpu.memory_space<hbm>> -> memref<1x100000xf32, #tpu.memory_space<hbm>>
    %dma_wait3A_174 = tpu.memref_squeeze %dma_wait3A_173 : memref<1x100000xf32, #tpu.memory_space<hbm>> -> memref<100000xf32, #tpu.memory_space<hbm>>
    %dma_wait3A_175 = arith.constant 12416 : i32
    %dma_wait3A_176 = tpu.memref_slice %dma_wait3A_174[%dma_wait3A_175] : memref<100000xf32, #tpu.memory_space<hbm>> -> memref<12416xf32, #tpu.memory_space<hbm>>
    tpu.wait_dma2 semaphore(%arg11 : memref<!tpu.dma_semaphore, #tpu.memory_space<semaphore_mem>>) src(%dma_wait3A_176 : memref<12416xf32, #tpu.memory_space<hbm>>) dst(%dma_wait3A_171 : memref<12416xf32, #tpu.memory_space<vmem>>)
    %dma_wait3A_177 = arith.constant 24832 : i32
    %dma_wait3A_178 = tpu.memref_slice %arg7[%dma_wait3A_177] : memref<100000xf32, #tpu.memory_space<vmem>> -> memref<12416xf32, #tpu.memory_space<vmem>>
    %dma_wait3A_179 = arith.constant 0 : i32
    %dma_wait3A_180 = tpu.memref_slice %arg3[%add3A_4, %dma_wait3A_179] : memref<64x100000xf32, #tpu.memory_space<hbm>> -> memref<1x100000xf32, #tpu.memory_space<hbm>>
    %dma_wait3A_181 = tpu.memref_squeeze %dma_wait3A_180 : memref<1x100000xf32, #tpu.memory_space<hbm>> -> memref<100000xf32, #tpu.memory_space<hbm>>
    %dma_wait3A_182 = arith.constant 24832 : i32
    %dma_wait3A_183 = tpu.memref_slice %dma_wait3A_181[%dma_wait3A_182] : memref<100000xf32, #tpu.memory_space<hbm>> -> memref<12416xf32, #tpu.memory_space<hbm>>
    %dma_wait3A_184 = arith.constant 24832 : i32
    %dma_wait3A_185 = tpu.memref_slice %arg7[%dma_wait3A_184] : memref<100000xf32, #tpu.memory_space<vmem>> -> memref<12416xf32, #tpu.memory_space<vmem>>
    %dma_wait3A_186 = arith.constant 0 : i32
    %dma_wait3A_187 = tpu.memref_slice %arg3[%add3A_4, %dma_wait3A_186] : memref<64x100000xf32, #tpu.memory_space<hbm>> -> memref<1x100000xf32, #tpu.memory_space<hbm>>
    %dma_wait3A_188 = tpu.memref_squeeze %dma_wait3A_187 : memref<1x100000xf32, #tpu.memory_space<hbm>> -> memref<100000xf32, #tpu.memory_space<hbm>>
    %dma_wait3A_189 = arith.constant 24832 : i32
    %dma_wait3A_190 = tpu.memref_slice %dma_wait3A_188[%dma_wait3A_189] : memref<100000xf32, #tpu.memory_space<hbm>> -> memref<12416xf32, #tpu.memory_space<hbm>>
    tpu.wait_dma2 semaphore(%arg11 : memref<!tpu.dma_semaphore, #tpu.memory_space<semaphore_mem>>) src(%dma_wait3A_190 : memref<12416xf32, #tpu.memory_space<hbm>>) dst(%dma_wait3A_185 : memref<12416xf32, #tpu.memory_space<vmem>>)
    %dma_wait3A_191 = arith.constant 37248 : i32
    %dma_wait3A_192 = tpu.memref_slice %arg7[%dma_wait3A_191] : memref<100000xf32, #tpu.memory_space<vmem>> -> memref<12416xf32, #tpu.memory_space<vmem>>
    %dma_wait3A_193 = arith.constant 0 : i32
    %dma_wait3A_194 = tpu.memref_slice %arg3[%add3A_4, %dma_wait3A_193] : memref<64x100000xf32, #tpu.memory_space<hbm>> -> memref<1x100000xf32, #tpu.memory_space<hbm>>
    %dma_wait3A_195 = tpu.memref_squeeze %dma_wait3A_194 : memref<1x100000xf32, #tpu.memory_space<hbm>> -> memref<100000xf32, #tpu.memory_space<hbm>>
    %dma_wait3A_196 = arith.constant 37248 : i32
    %dma_wait3A_197 = tpu.memref_slice %dma_wait3A_195[%dma_wait3A_196] : memref<100000xf32, #tpu.memory_space<hbm>> -> memref<12416xf32, #tpu.memory_space<hbm>>
    %dma_wait3A_198 = arith.constant 37248 : i32
    %dma_wait3A_199 = tpu.memref_slice %arg7[%dma_wait3A_198] : memref<100000xf32, #tpu.memory_space<vmem>> -> memref<12416xf32, #tpu.memory_space<vmem>>
    %dma_wait3A_200 = arith.constant 0 : i32
    %dma_wait3A_201 = tpu.memref_slice %arg3[%add3A_4, %dma_wait3A_200] : memref<64x100000xf32, #tpu.memory_space<hbm>> -> memref<1x100000xf32, #tpu.memory_space<hbm>>
    %dma_wait3A_202 = tpu.memref_squeeze %dma_wait3A_201 : memref<1x100000xf32, #tpu.memory_space<hbm>> -> memref<100000xf32, #tpu.memory_space<hbm>>
    %dma_wait3A_203 = arith.constant 37248 : i32
    %dma_wait3A_204 = tpu.memref_slice %dma_wait3A_202[%dma_wait3A_203] : memref<100000xf32, #tpu.memory_space<hbm>> -> memref<12416xf32, #tpu.memory_space<hbm>>
    tpu.wait_dma2 semaphore(%arg11 : memref<!tpu.dma_semaphore, #tpu.memory_space<semaphore_mem>>) src(%dma_wait3A_204 : memref<12416xf32, #tpu.memory_space<hbm>>) dst(%dma_wait3A_199 : memref<12416xf32, #tpu.memory_space<vmem>>)
    %dma_wait3A_205 = arith.constant 49664 : i32
    %dma_wait3A_206 = tpu.memref_slice %arg7[%dma_wait3A_205] : memref<100000xf32, #tpu.memory_space<vmem>> -> memref<12416xf32, #tpu.memory_space<vmem>>
    %dma_wait3A_207 = arith.constant 0 : i32
    %dma_wait3A_208 = tpu.memref_slice %arg3[%add3A_4, %dma_wait3A_207] : memref<64x100000xf32, #tpu.memory_space<hbm>> -> memref<1x100000xf32, #tpu.memory_space<hbm>>
    %dma_wait3A_209 = tpu.memref_squeeze %dma_wait3A_208 : memref<1x100000xf32, #tpu.memory_space<hbm>> -> memref<100000xf32, #tpu.memory_space<hbm>>
    %dma_wait3A_210 = arith.constant 49664 : i32
    %dma_wait3A_211 = tpu.memref_slice %dma_wait3A_209[%dma_wait3A_210] : memref<100000xf32, #tpu.memory_space<hbm>> -> memref<12416xf32, #tpu.memory_space<hbm>>
    %dma_wait3A_212 = arith.constant 49664 : i32
    %dma_wait3A_213 = tpu.memref_slice %arg7[%dma_wait3A_212] : memref<100000xf32, #tpu.memory_space<vmem>> -> memref<12416xf32, #tpu.memory_space<vmem>>
    %dma_wait3A_214 = arith.constant 0 : i32
    %dma_wait3A_215 = tpu.memref_slice %arg3[%add3A_4, %dma_wait3A_214] : memref<64x100000xf32, #tpu.memory_space<hbm>> -> memref<1x100000xf32, #tpu.memory_space<hbm>>
    %dma_wait3A_216 = tpu.memref_squeeze %dma_wait3A_215 : memref<1x100000xf32, #tpu.memory_space<hbm>> -> memref<100000xf32, #tpu.memory_space<hbm>>
    %dma_wait3A_217 = arith.constant 49664 : i32
    %dma_wait3A_218 = tpu.memref_slice %dma_wait3A_216[%dma_wait3A_217] : memref<100000xf32, #tpu.memory_space<hbm>> -> memref<12416xf32, #tpu.memory_space<hbm>>
    tpu.wait_dma2 semaphore(%arg11 : memref<!tpu.dma_semaphore, #tpu.memory_space<semaphore_mem>>) src(%dma_wait3A_218 : memref<12416xf32, #tpu.memory_space<hbm>>) dst(%dma_wait3A_213 : memref<12416xf32, #tpu.memory_space<vmem>>)
    %dma_wait3A_219 = arith.constant 62080 : i32
    %dma_wait3A_220 = tpu.memref_slice %arg7[%dma_wait3A_219] : memref<100000xf32, #tpu.memory_space<vmem>> -> memref<12416xf32, #tpu.memory_space<vmem>>
    %dma_wait3A_221 = arith.constant 0 : i32
    %dma_wait3A_222 = tpu.memref_slice %arg3[%add3A_4, %dma_wait3A_221] : memref<64x100000xf32, #tpu.memory_space<hbm>> -> memref<1x100000xf32, #tpu.memory_space<hbm>>
    %dma_wait3A_223 = tpu.memref_squeeze %dma_wait3A_222 : memref<1x100000xf32, #tpu.memory_space<hbm>> -> memref<100000xf32, #tpu.memory_space<hbm>>
    %dma_wait3A_224 = arith.constant 62080 : i32
    %dma_wait3A_225 = tpu.memref_slice %dma_wait3A_223[%dma_wait3A_224] : memref<100000xf32, #tpu.memory_space<hbm>> -> memref<12416xf32, #tpu.memory_space<hbm>>
    %dma_wait3A_226 = arith.constant 62080 : i32
    %dma_wait3A_227 = tpu.memref_slice %arg7[%dma_wait3A_226] : memref<100000xf32, #tpu.memory_space<vmem>> -> memref<12416xf32, #tpu.memory_space<vmem>>
    %dma_wait3A_228 = arith.constant 0 : i32
    %dma_wait3A_229 = tpu.memref_slice %arg3[%add3A_4, %dma_wait3A_228] : memref<64x100000xf32, #tpu.memory_space<hbm>> -> memref<1x100000xf32, #tpu.memory_space<hbm>>
    %dma_wait3A_230 = tpu.memref_squeeze %dma_wait3A_229 : memref<1x100000xf32, #tpu.memory_space<hbm>> -> memref<100000xf32, #tpu.memory_space<hbm>>
    %dma_wait3A_231 = arith.constant 62080 : i32
    %dma_wait3A_232 = tpu.memref_slice %dma_wait3A_230[%dma_wait3A_231] : memref<100000xf32, #tpu.memory_space<hbm>> -> memref<12416xf32, #tpu.memory_space<hbm>>
    tpu.wait_dma2 semaphore(%arg11 : memref<!tpu.dma_semaphore, #tpu.memory_space<semaphore_mem>>) src(%dma_wait3A_232 : memref<12416xf32, #tpu.memory_space<hbm>>) dst(%dma_wait3A_227 : memref<12416xf32, #tpu.memory_space<vmem>>)
    %dma_wait3A_233 = arith.constant 74496 : i32
    %dma_wait3A_234 = tpu.memref_slice %arg7[%dma_wait3A_233] : memref<100000xf32, #tpu.memory_space<vmem>> -> memref<12416xf32, #tpu.memory_space<vmem>>
    %dma_wait3A_235 = arith.constant 0 : i32
    %dma_wait3A_236 = tpu.memref_slice %arg3[%add3A_4, %dma_wait3A_235] : memref<64x100000xf32, #tpu.memory_space<hbm>> -> memref<1x100000xf32, #tpu.memory_space<hbm>>
    %dma_wait3A_237 = tpu.memref_squeeze %dma_wait3A_236 : memref<1x100000xf32, #tpu.memory_space<hbm>> -> memref<100000xf32, #tpu.memory_space<hbm>>
    %dma_wait3A_238 = arith.constant 74496 : i32
    %dma_wait3A_239 = tpu.memref_slice %dma_wait3A_237[%dma_wait3A_238] : memref<100000xf32, #tpu.memory_space<hbm>> -> memref<12416xf32, #tpu.memory_space<hbm>>
    %dma_wait3A_240 = arith.constant 74496 : i32
    %dma_wait3A_241 = tpu.memref_slice %arg7[%dma_wait3A_240] : memref<100000xf32, #tpu.memory_space<vmem>> -> memref<12416xf32, #tpu.memory_space<vmem>>
    %dma_wait3A_242 = arith.constant 0 : i32
    %dma_wait3A_243 = tpu.memref_slice %arg3[%add3A_4, %dma_wait3A_242] : memref<64x100000xf32, #tpu.memory_space<hbm>> -> memref<1x100000xf32, #tpu.memory_space<hbm>>
    %dma_wait3A_244 = tpu.memref_squeeze %dma_wait3A_243 : memref<1x100000xf32, #tpu.memory_space<hbm>> -> memref<100000xf32, #tpu.memory_space<hbm>>
    %dma_wait3A_245 = arith.constant 74496 : i32
    %dma_wait3A_246 = tpu.memref_slice %dma_wait3A_244[%dma_wait3A_245] : memref<100000xf32, #tpu.memory_space<hbm>> -> memref<12416xf32, #tpu.memory_space<hbm>>
    tpu.wait_dma2 semaphore(%arg11 : memref<!tpu.dma_semaphore, #tpu.memory_space<semaphore_mem>>) src(%dma_wait3A_246 : memref<12416xf32, #tpu.memory_space<hbm>>) dst(%dma_wait3A_241 : memref<12416xf32, #tpu.memory_space<vmem>>)
    %dma_wait3A_247 = arith.constant 86912 : i32
    %dma_wait3A_248 = tpu.memref_slice %arg7[%dma_wait3A_247] : memref<100000xf32, #tpu.memory_space<vmem>> -> memref<13056xf32, #tpu.memory_space<vmem>>
    %dma_wait3A_249 = arith.constant 0 : i32
    %dma_wait3A_250 = tpu.memref_slice %arg3[%add3A_4, %dma_wait3A_249] : memref<64x100000xf32, #tpu.memory_space<hbm>> -> memref<1x100000xf32, #tpu.memory_space<hbm>>
    %dma_wait3A_251 = tpu.memref_squeeze %dma_wait3A_250 : memref<1x100000xf32, #tpu.memory_space<hbm>> -> memref<100000xf32, #tpu.memory_space<hbm>>
    %dma_wait3A_252 = arith.constant 86912 : i32
    %dma_wait3A_253 = tpu.memref_slice %dma_wait3A_251[%dma_wait3A_252] : memref<100000xf32, #tpu.memory_space<hbm>> -> memref<13056xf32, #tpu.memory_space<hbm>>
    %dma_wait3A_254 = arith.constant 86912 : i32
    %dma_wait3A_255 = tpu.memref_slice %arg7[%dma_wait3A_254] : memref<100000xf32, #tpu.memory_space<vmem>> -> memref<13056xf32, #tpu.memory_space<vmem>>
    %dma_wait3A_256 = arith.constant 0 : i32
    %dma_wait3A_257 = tpu.memref_slice %arg3[%add3A_4, %dma_wait3A_256] : memref<64x100000xf32, #tpu.memory_space<hbm>> -> memref<1x100000xf32, #tpu.memory_space<hbm>>
    %dma_wait3A_258 = tpu.memref_squeeze %dma_wait3A_257 : memref<1x100000xf32, #tpu.memory_space<hbm>> -> memref<100000xf32, #tpu.memory_space<hbm>>
    %dma_wait3A_259 = arith.constant 86912 : i32
    %dma_wait3A_260 = tpu.memref_slice %dma_wait3A_258[%dma_wait3A_259] : memref<100000xf32, #tpu.memory_space<hbm>> -> memref<13056xf32, #tpu.memory_space<hbm>>
    tpu.wait_dma2 semaphore(%arg11 : memref<!tpu.dma_semaphore, #tpu.memory_space<semaphore_mem>>) src(%dma_wait3A_260 : memref<13056xf32, #tpu.memory_space<hbm>>) dst(%dma_wait3A_255 : memref<13056xf32, #tpu.memory_space<vmem>>)
    %dma_wait3A_261 = arith.constant 99968 : i32
    %dma_wait3A_262 = tpu.memref_slice %arg3[%multiple_of3A, %dma_wait3A_261] : memref<64x100000xf32, #tpu.memory_space<hbm>> -> memref<8x32xf32, #tpu.memory_space<hbm>>
    %dma_wait3A_263 = arith.constant 99968 : i32
    %dma_wait3A_264 = tpu.memref_slice %arg3[%multiple_of3A, %dma_wait3A_263] : memref<64x100000xf32, #tpu.memory_space<hbm>> -> memref<8x32xf32, #tpu.memory_space<hbm>>
    tpu.wait_dma2 semaphore(%arg11 : memref<!tpu.dma_semaphore, #tpu.memory_space<semaphore_mem>>) src(%dma_wait3A_264 : memref<8x32xf32, #tpu.memory_space<hbm>>) dst(%arg10 : memref<8x32xf32, #tpu.memory_space<vmem>>)
    %jit3A_265 = arith.constant 8 : i32
    %eq3A = arith.constant 0 : i32
    %eq3A_266 = arith.cmpi eq, %jit3A_265, %eq3A : i32
    %jit3A_267 = arith.constant 1 : i32
    %select_n3A_268 = arith.select %eq3A_266, %jit3A_267, %jit3A_265 : i32
    %rem3A_269 = arith.remsi %add3A_4, %select_n3A_268 : i32
    %ne3A_270 = arith.constant 0 : i32
    %ne3A_271 = arith.cmpi ne, %rem3A_269, %ne3A_270 : i32
    %lt3A = arith.constant 0 : i32
    %lt3A_272 = arith.cmpi slt, %rem3A_269, %lt3A : i32
    %lt3A_273 = arith.constant 0 : i32
    %lt3A_274 = arith.cmpi slt, %select_n3A_268, %lt3A_273 : i32
    %ne3A_275 = arith.xori %lt3A_272, %lt3A_274 : i1
    %and3A_276 = arith.andi %ne3A_275, %ne3A_271 : i1
    %add3A_277 = arith.addi %rem3A_269, %select_n3A_268 : i32
    %select_n3A_278 = arith.select %and3A_276, %add3A_277, %rem3A_269 : i32
    %get3A = arith.index_cast %select_n3A_278 : i32 to index
    %get3A_279 = arith.constant 0 : index
    %get3A_280 = tpu.vector_load %arg10[%get3A, %get3A_279] {strides = array<i32>} : memref<8x32xf32, #tpu.memory_space<vmem>>, vector<16xf32>,
    %swap3A = arith.constant 99968 : index
    %swap3A_281 = tpu.vector_load %arg7[%swap3A] {strides = array<i32>} : memref<100000xf32, #tpu.memory_space<vmem>>, vector<16xf32>,
    tpu.vector_store %arg7[%swap3A], %get3A_280 {strides = array<i32>} : memref<100000xf32, #tpu.memory_space<vmem>>, vector<16xf32>,
    %get3A_282 = arith.index_cast %select_n3A_278 : i32 to index
    %get3A_283 = arith.constant 16 : index
    %get3A_284 = tpu.vector_load %arg10[%get3A_282, %get3A_283] {strides = array<i32>} : memref<8x32xf32, #tpu.memory_space<vmem>>, vector<16xf32>,
    %swap3A_285 = arith.constant 99984 : index
    %swap3A_286 = tpu.vector_load %arg7[%swap3A_285] {strides = array<i32>} : memref<100000xf32, #tpu.memory_space<vmem>>, vector<16xf32>,
    tpu.vector_store %arg7[%swap3A_285], %get3A_284 {strides = array<i32>} : memref<100000xf32, #tpu.memory_space<vmem>>, vector<16xf32>,
    %parallel_loop3A = arith.constant 0 : i32
    %parallel_loop3A_287 = arith.constant 128 : i32
    %parallel_loop3A_288 = arith.constant 1 : i32
    scf.for %parallel_loop3A_817 = %parallel_loop3A to %parallel_loop3A_287 step %parallel_loop3A_288  : i32 {
      %parallel_loop3A_818 = arith.constant 16 : i32
      %parallel_loop3A_819 = arith.muli %parallel_loop3A_817, %parallel_loop3A_818 : i32
      %parallel_loop3A_820 = arith.index_cast %parallel_loop3A_819 : i32 to index
      %parallel_loop3A_821 = tpu.vector_load %arg8[%parallel_loop3A_820] {strides = array<i32>} : memref<2048xf32, #tpu.memory_space<vmem>>, vector<16xf32>,
      %parallel_loop3A_822 = arith.constant 0 : i32
      %parallel_loop3A_823 = arith.index_cast %parallel_loop3A_822 : i32 to index
      %parallel_loop3A_824 = arith.index_cast %parallel_loop3A_819 : i32 to index
      %parallel_loop3A_825 = tpu.vector_load %arg6[%parallel_loop3A_823, %parallel_loop3A_824] {strides = array<i32>} : memref<4x2048xi32, #tpu.memory_space<vmem>>, vector<16xi32>,
      %parallel_loop3A_826 = tpu.vector_load_idx %arg7[%parallel_loop3A_825] : memref<100000xf32, #tpu.memory_space<vmem>>[vector<16xi32>], vector<16xf32>,
      %parallel_loop3A_827 = arith.addf %parallel_loop3A_826, %parallel_loop3A_821 : vector<16xf32>
      %parallel_loop3A_828 = arith.constant 0 : i32
      %parallel_loop3A_829 = arith.index_cast %parallel_loop3A_828 : i32 to index
      %parallel_loop3A_830 = arith.index_cast %parallel_loop3A_819 : i32 to index
      %parallel_loop3A_831 = tpu.vector_load %arg9[%parallel_loop3A_829, %parallel_loop3A_830] {strides = array<i32>} : memref<4x2048xf32, #tpu.memory_space<vmem>>, vector<16xf32>,
      tpu.vector_store %arg9[%parallel_loop3A_829, %parallel_loop3A_830], %parallel_loop3A_827 {strides = array<i32>} : memref<4x2048xf32, #tpu.memory_space<vmem>>, vector<16xf32>,
      %parallel_loop3A_832 = arith.constant 1 : i32
      %parallel_loop3A_833 = arith.index_cast %parallel_loop3A_832 : i32 to index
      %parallel_loop3A_834 = arith.index_cast %parallel_loop3A_819 : i32 to index
      %parallel_loop3A_835 = tpu.vector_load %arg6[%parallel_loop3A_833, %parallel_loop3A_834] {strides = array<i32>} : memref<4x2048xi32, #tpu.memory_space<vmem>>, vector<16xi32>,
      %parallel_loop3A_836 = tpu.vector_load_idx %arg7[%parallel_loop3A_835] : memref<100000xf32, #tpu.memory_space<vmem>>[vector<16xi32>], vector<16xf32>,
      %parallel_loop3A_837 = arith.addf %parallel_loop3A_836, %parallel_loop3A_821 : vector<16xf32>
      %parallel_loop3A_838 = arith.constant 1 : i32
      %parallel_loop3A_839 = arith.index_cast %parallel_loop3A_838 : i32 to index
      %parallel_loop3A_840 = arith.index_cast %parallel_loop3A_819 : i32 to index
      %parallel_loop3A_841 = tpu.vector_load %arg9[%parallel_loop3A_839, %parallel_loop3A_840] {strides = array<i32>} : memref<4x2048xf32, #tpu.memory_space<vmem>>, vector<16xf32>,
      tpu.vector_store %arg9[%parallel_loop3A_839, %parallel_loop3A_840], %parallel_loop3A_837 {strides = array<i32>} : memref<4x2048xf32, #tpu.memory_space<vmem>>, vector<16xf32>,
      %parallel_loop3A_842 = arith.constant 2 : i32
      %parallel_loop3A_843 = arith.index_cast %parallel_loop3A_842 : i32 to index
      %parallel_loop3A_844 = arith.index_cast %parallel_loop3A_819 : i32 to index
      %parallel_loop3A_845 = tpu.vector_load %arg6[%parallel_loop3A_843, %parallel_loop3A_844] {strides = array<i32>} : memref<4x2048xi32, #tpu.memory_space<vmem>>, vector<16xi32>,
      %parallel_loop3A_846 = tpu.vector_load_idx %arg7[%parallel_loop3A_845] : memref<100000xf32, #tpu.memory_space<vmem>>[vector<16xi32>], vector<16xf32>,
      %parallel_loop3A_847 = arith.addf %parallel_loop3A_846, %parallel_loop3A_821 : vector<16xf32>
      %parallel_loop3A_848 = arith.constant 2 : i32
      %parallel_loop3A_849 = arith.index_cast %parallel_loop3A_848 : i32 to index
      %parallel_loop3A_850 = arith.index_cast %parallel_loop3A_819 : i32 to index
      %parallel_loop3A_851 = tpu.vector_load %arg9[%parallel_loop3A_849, %parallel_loop3A_850] {strides = array<i32>} : memref<4x2048xf32, #tpu.memory_space<vmem>>, vector<16xf32>,
      tpu.vector_store %arg9[%parallel_loop3A_849, %parallel_loop3A_850], %parallel_loop3A_847 {strides = array<i32>} : memref<4x2048xf32, #tpu.memory_space<vmem>>, vector<16xf32>,
      %parallel_loop3A_852 = arith.constant 3 : i32
      %parallel_loop3A_853 = arith.index_cast %parallel_loop3A_852 : i32 to index
      %parallel_loop3A_854 = arith.index_cast %parallel_loop3A_819 : i32 to index
      %parallel_loop3A_855 = tpu.vector_load %arg6[%parallel_loop3A_853, %parallel_loop3A_854] {strides = array<i32>} : memref<4x2048xi32, #tpu.memory_space<vmem>>, vector<16xi32>,
      %parallel_loop3A_856 = tpu.vector_load_idx %arg7[%parallel_loop3A_855] : memref<100000xf32, #tpu.memory_space<vmem>>[vector<16xi32>], vector<16xf32>,
      %parallel_loop3A_857 = arith.addf %parallel_loop3A_856, %parallel_loop3A_821 : vector<16xf32>
      %parallel_loop3A_858 = arith.constant 3 : i32
      %parallel_loop3A_859 = arith.index_cast %parallel_loop3A_858 : i32 to index
      %parallel_loop3A_860 = arith.index_cast %parallel_loop3A_819 : i32 to index
      %parallel_loop3A_861 = tpu.vector_load %arg9[%parallel_loop3A_859, %parallel_loop3A_860] {strides = array<i32>} : memref<4x2048xf32, #tpu.memory_space<vmem>>, vector<16xf32>,
      tpu.vector_store %arg9[%parallel_loop3A_859, %parallel_loop3A_860], %parallel_loop3A_857 {strides = array<i32>} : memref<4x2048xf32, #tpu.memory_space<vmem>>, vector<16xf32>,
    } {sc.loop_unroll_factor = 8 : i64, sc.parallel_access}
    %dma_start3A_289 = arith.constant 0 : i32
    %dma_start3A_290 = arith.constant 0 : i32
    %dma_start3A_291 = arith.constant 0 : i32
    %dma_start3A_292 = tpu.memref_slice %arg9[%dma_start3A_289, %dma_start3A_291] : memref<4x2048xf32, #tpu.memory_space<vmem>> -> memref<1x2048xf32, #tpu.memory_space<vmem>>
    %dma_start3A_293 = tpu.memref_squeeze %dma_start3A_292 : memref<1x2048xf32, #tpu.memory_space<vmem>> -> memref<2048xf32, #tpu.memory_space<vmem>>
    %dma_start3A_294 = arith.constant 0 : i32
    %dma_start3A_295 = tpu.memref_slice %arg5[%dma_start3A_290, %add3A_4, %dma_start3A_294] : memref<4x64x2048xf32, #tpu.memory_space<hbm>> -> memref<1x1x2048xf32, #tpu.memory_space<hbm>>
    %dma_start3A_296 = tpu.memref_squeeze %dma_start3A_295 : memref<1x1x2048xf32, #tpu.memory_space<hbm>> -> memref<2048xf32, #tpu.memory_space<hbm>>
    %dma_start3A_297 = arith.constant 0 : i32
    %dma_start3A_298 = tpu.memref_slice %arg5[%dma_start3A_290, %add3A_4, %dma_start3A_297] : memref<4x64x2048xf32, #tpu.memory_space<hbm>> -> memref<1x1x2048xf32, #tpu.memory_space<hbm>>
    %dma_start3A_299 = tpu.memref_squeeze %dma_start3A_298 : memref<1x1x2048xf32, #tpu.memory_space<hbm>> -> memref<2048xf32, #tpu.memory_space<hbm>>
    %dma_start3A_300 = arith.constant 0 : i32
    %dma_start3A_301 = tpu.memref_slice %arg9[%dma_start3A_289, %dma_start3A_300] : memref<4x2048xf32, #tpu.memory_space<vmem>> -> memref<1x2048xf32, #tpu.memory_space<vmem>>
    %dma_start3A_302 = tpu.memref_squeeze %dma_start3A_301 : memref<1x2048xf32, #tpu.memory_space<vmem>> -> memref<2048xf32, #tpu.memory_space<vmem>>
    tpu.enqueue_dma source(%dma_start3A_302 : memref<2048xf32, #tpu.memory_space<vmem>>) target(%dma_start3A_299 : memref<2048xf32, #tpu.memory_space<hbm>>) target_semaphore(%arg13 : memref<!tpu.dma_semaphore, #tpu.memory_space<semaphore_mem>>)
    %dma_start3A_303 = arith.constant 1 : i32
    %dma_start3A_304 = arith.constant 1 : i32
    %dma_start3A_305 = arith.constant 0 : i32
    %dma_start3A_306 = tpu.memref_slice %arg9[%dma_start3A_303, %dma_start3A_305] : memref<4x2048xf32, #tpu.memory_space<vmem>> -> memref<1x2048xf32, #tpu.memory_space<vmem>>
    %dma_start3A_307 = tpu.memref_squeeze %dma_start3A_306 : memref<1x2048xf32, #tpu.memory_space<vmem>> -> memref<2048xf32, #tpu.memory_space<vmem>>
    %dma_start3A_308 = arith.constant 0 : i32
    %dma_start3A_309 = tpu.memref_slice %arg5[%dma_start3A_304, %add3A_4, %dma_start3A_308] : memref<4x64x2048xf32, #tpu.memory_space<hbm>> -> memref<1x1x2048xf32, #tpu.memory_space<hbm>>
    %dma_start3A_310 = tpu.memref_squeeze %dma_start3A_309 : memref<1x1x2048xf32, #tpu.memory_space<hbm>> -> memref<2048xf32, #tpu.memory_space<hbm>>
    %dma_start3A_311 = arith.constant 0 : i32
    %dma_start3A_312 = tpu.memref_slice %arg5[%dma_start3A_304, %add3A_4, %dma_start3A_311] : memref<4x64x2048xf32, #tpu.memory_space<hbm>> -> memref<1x1x2048xf32, #tpu.memory_space<hbm>>
    %dma_start3A_313 = tpu.memref_squeeze %dma_start3A_312 : memref<1x1x2048xf32, #tpu.memory_space<hbm>> -> memref<2048xf32, #tpu.memory_space<hbm>>
    %dma_start3A_314 = arith.constant 0 : i32
    %dma_start3A_315 = tpu.memref_slice %arg9[%dma_start3A_303, %dma_start3A_314] : memref<4x2048xf32, #tpu.memory_space<vmem>> -> memref<1x2048xf32, #tpu.memory_space<vmem>>
    %dma_start3A_316 = tpu.memref_squeeze %dma_start3A_315 : memref<1x2048xf32, #tpu.memory_space<vmem>> -> memref<2048xf32, #tpu.memory_space<vmem>>
    tpu.enqueue_dma source(%dma_start3A_316 : memref<2048xf32, #tpu.memory_space<vmem>>) target(%dma_start3A_313 : memref<2048xf32, #tpu.memory_space<hbm>>) target_semaphore(%arg13 : memref<!tpu.dma_semaphore, #tpu.memory_space<semaphore_mem>>)
    %dma_start3A_317 = arith.constant 2 : i32
    %dma_start3A_318 = arith.constant 2 : i32
    %dma_start3A_319 = arith.constant 0 : i32
    %dma_start3A_320 = tpu.memref_slice %arg9[%dma_start3A_317, %dma_start3A_319] : memref<4x2048xf32, #tpu.memory_space<vmem>> -> memref<1x2048xf32, #tpu.memory_space<vmem>>
    %dma_start3A_321 = tpu.memref_squeeze %dma_start3A_320 : memref<1x2048xf32, #tpu.memory_space<vmem>> -> memref<2048xf32, #tpu.memory_space<vmem>>
    %dma_start3A_322 = arith.constant 0 : i32
    %dma_start3A_323 = tpu.memref_slice %arg5[%dma_start3A_318, %add3A_4, %dma_start3A_322] : memref<4x64x2048xf32, #tpu.memory_space<hbm>> -> memref<1x1x2048xf32, #tpu.memory_space<hbm>>
    %dma_start3A_324 = tpu.memref_squeeze %dma_start3A_323 : memref<1x1x2048xf32, #tpu.memory_space<hbm>> -> memref<2048xf32, #tpu.memory_space<hbm>>
    %dma_start3A_325 = arith.constant 0 : i32
    %dma_start3A_326 = tpu.memref_slice %arg5[%dma_start3A_318, %add3A_4, %dma_start3A_325] : memref<4x64x2048xf32, #tpu.memory_space<hbm>> -> memref<1x1x2048xf32, #tpu.memory_space<hbm>>
    %dma_start3A_327 = tpu.memref_squeeze %dma_start3A_326 : memref<1x1x2048xf32, #tpu.memory_space<hbm>> -> memref<2048xf32, #tpu.memory_space<hbm>>
    %dma_start3A_328 = arith.constant 0 : i32
    %dma_start3A_329 = tpu.memref_slice %arg9[%dma_start3A_317, %dma_start3A_328] : memref<4x2048xf32, #tpu.memory_space<vmem>> -> memref<1x2048xf32, #tpu.memory_space<vmem>>
    %dma_start3A_330 = tpu.memref_squeeze %dma_start3A_329 : memref<1x2048xf32, #tpu.memory_space<vmem>> -> memref<2048xf32, #tpu.memory_space<vmem>>
    tpu.enqueue_dma source(%dma_start3A_330 : memref<2048xf32, #tpu.memory_space<vmem>>) target(%dma_start3A_327 : memref<2048xf32, #tpu.memory_space<hbm>>) target_semaphore(%arg13 : memref<!tpu.dma_semaphore, #tpu.memory_space<semaphore_mem>>)
    %dma_start3A_331 = arith.constant 3 : i32
    %dma_start3A_332 = arith.constant 3 : i32
    %dma_start3A_333 = arith.constant 0 : i32
    %dma_start3A_334 = tpu.memref_slice %arg9[%dma_start3A_331, %dma_start3A_333] : memref<4x2048xf32, #tpu.memory_space<vmem>> -> memref<1x2048xf32, #tpu.memory_space<vmem>>
    %dma_start3A_335 = tpu.memref_squeeze %dma_start3A_334 : memref<1x2048xf32, #tpu.memory_space<vmem>> -> memref<2048xf32, #tpu.memory_space<vmem>>
    %dma_start3A_336 = arith.constant 0 : i32
    %dma_start3A_337 = tpu.memref_slice %arg5[%dma_start3A_332, %add3A_4, %dma_start3A_336] : memref<4x64x2048xf32, #tpu.memory_space<hbm>> -> memref<1x1x2048xf32, #tpu.memory_space<hbm>>
    %dma_start3A_338 = tpu.memref_squeeze %dma_start3A_337 : memref<1x1x2048xf32, #tpu.memory_space<hbm>> -> memref<2048xf32, #tpu.memory_space<hbm>>
    %dma_start3A_339 = arith.constant 0 : i32
    %dma_start3A_340 = tpu.memref_slice %arg5[%dma_start3A_332, %add3A_4, %dma_start3A_339] : memref<4x64x2048xf32, #tpu.memory_space<hbm>> -> memref<1x1x2048xf32, #tpu.memory_space<hbm>>
    %dma_start3A_341 = tpu.memref_squeeze %dma_start3A_340 : memref<1x1x2048xf32, #tpu.memory_space<hbm>> -> memref<2048xf32, #tpu.memory_space<hbm>>
    %dma_start3A_342 = arith.constant 0 : i32
    %dma_start3A_343 = tpu.memref_slice %arg9[%dma_start3A_331, %dma_start3A_342] : memref<4x2048xf32, #tpu.memory_space<vmem>> -> memref<1x2048xf32, #tpu.memory_space<vmem>>
    %dma_start3A_344 = tpu.memref_squeeze %dma_start3A_343 : memref<1x2048xf32, #tpu.memory_space<vmem>> -> memref<2048xf32, #tpu.memory_space<vmem>>
    tpu.enqueue_dma source(%dma_start3A_344 : memref<2048xf32, #tpu.memory_space<vmem>>) target(%dma_start3A_341 : memref<2048xf32, #tpu.memory_space<hbm>>) target_semaphore(%arg13 : memref<!tpu.dma_semaphore, #tpu.memory_space<semaphore_mem>>)
    %mul3A_345 = arith.constant 2 : i32
    %mul3A_346 = arith.muli %add3A, %mul3A_345 : i32
    %add3A_347 = arith.constant 1 : i32
    %add3A_348 = arith.addi %mul3A_346, %add3A_347 : i32
    %dma_start3A_349 = arith.constant 0 : i32
    %dma_start3A_350 = tpu.memref_slice %arg7[%dma_start3A_349] : memref<100000xf32, #tpu.memory_space<vmem>> -> memref<12416xf32, #tpu.memory_space<vmem>>
    %dma_start3A_351 = arith.constant 0 : i32
    %dma_start3A_352 = tpu.memref_slice %arg3[%add3A_348, %dma_start3A_351] : memref<64x100000xf32, #tpu.memory_space<hbm>> -> memref<1x100000xf32, #tpu.memory_space<hbm>>
    %dma_start3A_353 = tpu.memref_squeeze %dma_start3A_352 : memref<1x100000xf32, #tpu.memory_space<hbm>> -> memref<100000xf32, #tpu.memory_space<hbm>>
    %dma_start3A_354 = arith.constant 0 : i32
    %dma_start3A_355 = tpu.memref_slice %dma_start3A_353[%dma_start3A_354] : memref<100000xf32, #tpu.memory_space<hbm>> -> memref<12416xf32, #tpu.memory_space<hbm>>
    %dma_start3A_356 = arith.constant 0 : i32
    %dma_start3A_357 = tpu.memref_slice %arg7[%dma_start3A_356] : memref<100000xf32, #tpu.memory_space<vmem>> -> memref<12416xf32, #tpu.memory_space<vmem>>
    %dma_start3A_358 = arith.constant 0 : i32
    %dma_start3A_359 = tpu.memref_slice %arg3[%add3A_348, %dma_start3A_358] : memref<64x100000xf32, #tpu.memory_space<hbm>> -> memref<1x100000xf32, #tpu.memory_space<hbm>>
    %dma_start3A_360 = tpu.memref_squeeze %dma_start3A_359 : memref<1x100000xf32, #tpu.memory_space<hbm>> -> memref<100000xf32, #tpu.memory_space<hbm>>
    %dma_start3A_361 = arith.constant 0 : i32
    %dma_start3A_362 = tpu.memref_slice %dma_start3A_360[%dma_start3A_361] : memref<100000xf32, #tpu.memory_space<hbm>> -> memref<12416xf32, #tpu.memory_space<hbm>>
    tpu.enqueue_dma source(%dma_start3A_362 : memref<12416xf32, #tpu.memory_space<hbm>>) target(%dma_start3A_357 : memref<12416xf32, #tpu.memory_space<vmem>>) target_semaphore(%arg11 : memref<!tpu.dma_semaphore, #tpu.memory_space<semaphore_mem>>)
    %dma_start3A_363 = arith.constant 12416 : i32
    %dma_start3A_364 = tpu.memref_slice %arg7[%dma_start3A_363] : memref<100000xf32, #tpu.memory_space<vmem>> -> memref<12416xf32, #tpu.memory_space<vmem>>
    %dma_start3A_365 = arith.constant 0 : i32
    %dma_start3A_366 = tpu.memref_slice %arg3[%add3A_348, %dma_start3A_365] : memref<64x100000xf32, #tpu.memory_space<hbm>> -> memref<1x100000xf32, #tpu.memory_space<hbm>>
    %dma_start3A_367 = tpu.memref_squeeze %dma_start3A_366 : memref<1x100000xf32, #tpu.memory_space<hbm>> -> memref<100000xf32, #tpu.memory_space<hbm>>
    %dma_start3A_368 = arith.constant 12416 : i32
    %dma_start3A_369 = tpu.memref_slice %dma_start3A_367[%dma_start3A_368] : memref<100000xf32, #tpu.memory_space<hbm>> -> memref<12416xf32, #tpu.memory_space<hbm>>
    %dma_start3A_370 = arith.constant 12416 : i32
    %dma_start3A_371 = tpu.memref_slice %arg7[%dma_start3A_370] : memref<100000xf32, #tpu.memory_space<vmem>> -> memref<12416xf32, #tpu.memory_space<vmem>>
    %dma_start3A_372 = arith.constant 0 : i32
    %dma_start3A_373 = tpu.memref_slice %arg3[%add3A_348, %dma_start3A_372] : memref<64x100000xf32, #tpu.memory_space<hbm>> -> memref<1x100000xf32, #tpu.memory_space<hbm>>
    %dma_start3A_374 = tpu.memref_squeeze %dma_start3A_373 : memref<1x100000xf32, #tpu.memory_space<hbm>> -> memref<100000xf32, #tpu.memory_space<hbm>>
    %dma_start3A_375 = arith.constant 12416 : i32
    %dma_start3A_376 = tpu.memref_slice %dma_start3A_374[%dma_start3A_375] : memref<100000xf32, #tpu.memory_space<hbm>> -> memref<12416xf32, #tpu.memory_space<hbm>>
    tpu.enqueue_dma source(%dma_start3A_376 : memref<12416xf32, #tpu.memory_space<hbm>>) target(%dma_start3A_371 : memref<12416xf32, #tpu.memory_space<vmem>>) target_semaphore(%arg11 : memref<!tpu.dma_semaphore, #tpu.memory_space<semaphore_mem>>)
    %dma_start3A_377 = arith.constant 24832 : i32
    %dma_start3A_378 = tpu.memref_slice %arg7[%dma_start3A_377] : memref<100000xf32, #tpu.memory_space<vmem>> -> memref<12416xf32, #tpu.memory_space<vmem>>
    %dma_start3A_379 = arith.constant 0 : i32
    %dma_start3A_380 = tpu.memref_slice %arg3[%add3A_348, %dma_start3A_379] : memref<64x100000xf32, #tpu.memory_space<hbm>> -> memref<1x100000xf32, #tpu.memory_space<hbm>>
    %dma_start3A_381 = tpu.memref_squeeze %dma_start3A_380 : memref<1x100000xf32, #tpu.memory_space<hbm>> -> memref<100000xf32, #tpu.memory_space<hbm>>
    %dma_start3A_382 = arith.constant 24832 : i32
    %dma_start3A_383 = tpu.memref_slice %dma_start3A_381[%dma_start3A_382] : memref<100000xf32, #tpu.memory_space<hbm>> -> memref<12416xf32, #tpu.memory_space<hbm>>
    %dma_start3A_384 = arith.constant 24832 : i32
    %dma_start3A_385 = tpu.memref_slice %arg7[%dma_start3A_384] : memref<100000xf32, #tpu.memory_space<vmem>> -> memref<12416xf32, #tpu.memory_space<vmem>>
    %dma_start3A_386 = arith.constant 0 : i32
    %dma_start3A_387 = tpu.memref_slice %arg3[%add3A_348, %dma_start3A_386] : memref<64x100000xf32, #tpu.memory_space<hbm>> -> memref<1x100000xf32, #tpu.memory_space<hbm>>
    %dma_start3A_388 = tpu.memref_squeeze %dma_start3A_387 : memref<1x100000xf32, #tpu.memory_space<hbm>> -> memref<100000xf32, #tpu.memory_space<hbm>>
    %dma_start3A_389 = arith.constant 24832 : i32
    %dma_start3A_390 = tpu.memref_slice %dma_start3A_388[%dma_start3A_389] : memref<100000xf32, #tpu.memory_space<hbm>> -> memref<12416xf32, #tpu.memory_space<hbm>>
    tpu.enqueue_dma source(%dma_start3A_390 : memref<12416xf32, #tpu.memory_space<hbm>>) target(%dma_start3A_385 : memref<12416xf32, #tpu.memory_space<vmem>>) target_semaphore(%arg11 : memref<!tpu.dma_semaphore, #tpu.memory_space<semaphore_mem>>)
    %dma_start3A_391 = arith.constant 37248 : i32
    %dma_start3A_392 = tpu.memref_slice %arg7[%dma_start3A_391] : memref<100000xf32, #tpu.memory_space<vmem>> -> memref<12416xf32, #tpu.memory_space<vmem>>
    %dma_start3A_393 = arith.constant 0 : i32
    %dma_start3A_394 = tpu.memref_slice %arg3[%add3A_348, %dma_start3A_393] : memref<64x100000xf32, #tpu.memory_space<hbm>> -> memref<1x100000xf32, #tpu.memory_space<hbm>>
    %dma_start3A_395 = tpu.memref_squeeze %dma_start3A_394 : memref<1x100000xf32, #tpu.memory_space<hbm>> -> memref<100000xf32, #tpu.memory_space<hbm>>
    %dma_start3A_396 = arith.constant 37248 : i32
    %dma_start3A_397 = tpu.memref_slice %dma_start3A_395[%dma_start3A_396] : memref<100000xf32, #tpu.memory_space<hbm>> -> memref<12416xf32, #tpu.memory_space<hbm>>
    %dma_start3A_398 = arith.constant 37248 : i32
    %dma_start3A_399 = tpu.memref_slice %arg7[%dma_start3A_398] : memref<100000xf32, #tpu.memory_space<vmem>> -> memref<12416xf32, #tpu.memory_space<vmem>>
    %dma_start3A_400 = arith.constant 0 : i32
    %dma_start3A_401 = tpu.memref_slice %arg3[%add3A_348, %dma_start3A_400] : memref<64x100000xf32, #tpu.memory_space<hbm>> -> memref<1x100000xf32, #tpu.memory_space<hbm>>
    %dma_start3A_402 = tpu.memref_squeeze %dma_start3A_401 : memref<1x100000xf32, #tpu.memory_space<hbm>> -> memref<100000xf32, #tpu.memory_space<hbm>>
    %dma_start3A_403 = arith.constant 37248 : i32
    %dma_start3A_404 = tpu.memref_slice %dma_start3A_402[%dma_start3A_403] : memref<100000xf32, #tpu.memory_space<hbm>> -> memref<12416xf32, #tpu.memory_space<hbm>>
    tpu.enqueue_dma source(%dma_start3A_404 : memref<12416xf32, #tpu.memory_space<hbm>>) target(%dma_start3A_399 : memref<12416xf32, #tpu.memory_space<vmem>>) target_semaphore(%arg11 : memref<!tpu.dma_semaphore, #tpu.memory_space<semaphore_mem>>)
    %dma_start3A_405 = arith.constant 49664 : i32
    %dma_start3A_406 = tpu.memref_slice %arg7[%dma_start3A_405] : memref<100000xf32, #tpu.memory_space<vmem>> -> memref<12416xf32, #tpu.memory_space<vmem>>
    %dma_start3A_407 = arith.constant 0 : i32
    %dma_start3A_408 = tpu.memref_slice %arg3[%add3A_348, %dma_start3A_407] : memref<64x100000xf32, #tpu.memory_space<hbm>> -> memref<1x100000xf32, #tpu.memory_space<hbm>>
    %dma_start3A_409 = tpu.memref_squeeze %dma_start3A_408 : memref<1x100000xf32, #tpu.memory_space<hbm>> -> memref<100000xf32, #tpu.memory_space<hbm>>
    %dma_start3A_410 = arith.constant 49664 : i32
    %dma_start3A_411 = tpu.memref_slice %dma_start3A_409[%dma_start3A_410] : memref<100000xf32, #tpu.memory_space<hbm>> -> memref<12416xf32, #tpu.memory_space<hbm>>
    %dma_start3A_412 = arith.constant 49664 : i32
    %dma_start3A_413 = tpu.memref_slice %arg7[%dma_start3A_412] : memref<100000xf32, #tpu.memory_space<vmem>> -> memref<12416xf32, #tpu.memory_space<vmem>>
    %dma_start3A_414 = arith.constant 0 : i32
    %dma_start3A_415 = tpu.memref_slice %arg3[%add3A_348, %dma_start3A_414] : memref<64x100000xf32, #tpu.memory_space<hbm>> -> memref<1x100000xf32, #tpu.memory_space<hbm>>
    %dma_start3A_416 = tpu.memref_squeeze %dma_start3A_415 : memref<1x100000xf32, #tpu.memory_space<hbm>> -> memref<100000xf32, #tpu.memory_space<hbm>>
    %dma_start3A_417 = arith.constant 49664 : i32
    %dma_start3A_418 = tpu.memref_slice %dma_start3A_416[%dma_start3A_417] : memref<100000xf32, #tpu.memory_space<hbm>> -> memref<12416xf32, #tpu.memory_space<hbm>>
    tpu.enqueue_dma source(%dma_start3A_418 : memref<12416xf32, #tpu.memory_space<hbm>>) target(%dma_start3A_413 : memref<12416xf32, #tpu.memory_space<vmem>>) target_semaphore(%arg11 : memref<!tpu.dma_semaphore, #tpu.memory_space<semaphore_mem>>)
    %dma_start3A_419 = arith.constant 62080 : i32
    %dma_start3A_420 = tpu.memref_slice %arg7[%dma_start3A_419] : memref<100000xf32, #tpu.memory_space<vmem>> -> memref<12416xf32, #tpu.memory_space<vmem>>
    %dma_start3A_421 = arith.constant 0 : i32
    %dma_start3A_422 = tpu.memref_slice %arg3[%add3A_348, %dma_start3A_421] : memref<64x100000xf32, #tpu.memory_space<hbm>> -> memref<1x100000xf32, #tpu.memory_space<hbm>>
    %dma_start3A_423 = tpu.memref_squeeze %dma_start3A_422 : memref<1x100000xf32, #tpu.memory_space<hbm>> -> memref<100000xf32, #tpu.memory_space<hbm>>
    %dma_start3A_424 = arith.constant 62080 : i32
    %dma_start3A_425 = tpu.memref_slice %dma_start3A_423[%dma_start3A_424] : memref<100000xf32, #tpu.memory_space<hbm>> -> memref<12416xf32, #tpu.memory_space<hbm>>
    %dma_start3A_426 = arith.constant 62080 : i32
    %dma_start3A_427 = tpu.memref_slice %arg7[%dma_start3A_426] : memref<100000xf32, #tpu.memory_space<vmem>> -> memref<12416xf32, #tpu.memory_space<vmem>>
    %dma_start3A_428 = arith.constant 0 : i32
    %dma_start3A_429 = tpu.memref_slice %arg3[%add3A_348, %dma_start3A_428] : memref<64x100000xf32, #tpu.memory_space<hbm>> -> memref<1x100000xf32, #tpu.memory_space<hbm>>
    %dma_start3A_430 = tpu.memref_squeeze %dma_start3A_429 : memref<1x100000xf32, #tpu.memory_space<hbm>> -> memref<100000xf32, #tpu.memory_space<hbm>>
    %dma_start3A_431 = arith.constant 62080 : i32
    %dma_start3A_432 = tpu.memref_slice %dma_start3A_430[%dma_start3A_431] : memref<100000xf32, #tpu.memory_space<hbm>> -> memref<12416xf32, #tpu.memory_space<hbm>>
    tpu.enqueue_dma source(%dma_start3A_432 : memref<12416xf32, #tpu.memory_space<hbm>>) target(%dma_start3A_427 : memref<12416xf32, #tpu.memory_space<vmem>>) target_semaphore(%arg11 : memref<!tpu.dma_semaphore, #tpu.memory_space<semaphore_mem>>)
    %dma_start3A_433 = arith.constant 74496 : i32
    %dma_start3A_434 = tpu.memref_slice %arg7[%dma_start3A_433] : memref<100000xf32, #tpu.memory_space<vmem>> -> memref<12416xf32, #tpu.memory_space<vmem>>
    %dma_start3A_435 = arith.constant 0 : i32
    %dma_start3A_436 = tpu.memref_slice %arg3[%add3A_348, %dma_start3A_435] : memref<64x100000xf32, #tpu.memory_space<hbm>> -> memref<1x100000xf32, #tpu.memory_space<hbm>>
    %dma_start3A_437 = tpu.memref_squeeze %dma_start3A_436 : memref<1x100000xf32, #tpu.memory_space<hbm>> -> memref<100000xf32, #tpu.memory_space<hbm>>
    %dma_start3A_438 = arith.constant 74496 : i32
    %dma_start3A_439 = tpu.memref_slice %dma_start3A_437[%dma_start3A_438] : memref<100000xf32, #tpu.memory_space<hbm>> -> memref<12416xf32, #tpu.memory_space<hbm>>
    %dma_start3A_440 = arith.constant 74496 : i32
    %dma_start3A_441 = tpu.memref_slice %arg7[%dma_start3A_440] : memref<100000xf32, #tpu.memory_space<vmem>> -> memref<12416xf32, #tpu.memory_space<vmem>>
    %dma_start3A_442 = arith.constant 0 : i32
    %dma_start3A_443 = tpu.memref_slice %arg3[%add3A_348, %dma_start3A_442] : memref<64x100000xf32, #tpu.memory_space<hbm>> -> memref<1x100000xf32, #tpu.memory_space<hbm>>
    %dma_start3A_444 = tpu.memref_squeeze %dma_start3A_443 : memref<1x100000xf32, #tpu.memory_space<hbm>> -> memref<100000xf32, #tpu.memory_space<hbm>>
    %dma_start3A_445 = arith.constant 74496 : i32
    %dma_start3A_446 = tpu.memref_slice %dma_start3A_444[%dma_start3A_445] : memref<100000xf32, #tpu.memory_space<hbm>> -> memref<12416xf32, #tpu.memory_space<hbm>>
    tpu.enqueue_dma source(%dma_start3A_446 : memref<12416xf32, #tpu.memory_space<hbm>>) target(%dma_start3A_441 : memref<12416xf32, #tpu.memory_space<vmem>>) target_semaphore(%arg11 : memref<!tpu.dma_semaphore, #tpu.memory_space<semaphore_mem>>)
    %dma_start3A_447 = arith.constant 86912 : i32
    %dma_start3A_448 = tpu.memref_slice %arg7[%dma_start3A_447] : memref<100000xf32, #tpu.memory_space<vmem>> -> memref<13056xf32, #tpu.memory_space<vmem>>
    %dma_start3A_449 = arith.constant 0 : i32
    %dma_start3A_450 = tpu.memref_slice %arg3[%add3A_348, %dma_start3A_449] : memref<64x100000xf32, #tpu.memory_space<hbm>> -> memref<1x100000xf32, #tpu.memory_space<hbm>>
    %dma_start3A_451 = tpu.memref_squeeze %dma_start3A_450 : memref<1x100000xf32, #tpu.memory_space<hbm>> -> memref<100000xf32, #tpu.memory_space<hbm>>
    %dma_start3A_452 = arith.constant 86912 : i32
    %dma_start3A_453 = tpu.memref_slice %dma_start3A_451[%dma_start3A_452] : memref<100000xf32, #tpu.memory_space<hbm>> -> memref<13056xf32, #tpu.memory_space<hbm>>
    %dma_start3A_454 = arith.constant 86912 : i32
    %dma_start3A_455 = tpu.memref_slice %arg7[%dma_start3A_454] : memref<100000xf32, #tpu.memory_space<vmem>> -> memref<13056xf32, #tpu.memory_space<vmem>>
    %dma_start3A_456 = arith.constant 0 : i32
    %dma_start3A_457 = tpu.memref_slice %arg3[%add3A_348, %dma_start3A_456] : memref<64x100000xf32, #tpu.memory_space<hbm>> -> memref<1x100000xf32, #tpu.memory_space<hbm>>
    %dma_start3A_458 = tpu.memref_squeeze %dma_start3A_457 : memref<1x100000xf32, #tpu.memory_space<hbm>> -> memref<100000xf32, #tpu.memory_space<hbm>>
    %dma_start3A_459 = arith.constant 86912 : i32
    %dma_start3A_460 = tpu.memref_slice %dma_start3A_458[%dma_start3A_459] : memref<100000xf32, #tpu.memory_space<hbm>> -> memref<13056xf32, #tpu.memory_space<hbm>>
    tpu.enqueue_dma source(%dma_start3A_460 : memref<13056xf32, #tpu.memory_space<hbm>>) target(%dma_start3A_455 : memref<13056xf32, #tpu.memory_space<vmem>>) target_semaphore(%arg11 : memref<!tpu.dma_semaphore, #tpu.memory_space<semaphore_mem>>)
    %jit3A_461 = arith.constant 8 : i32
    %div3A_462 = arith.divsi %add3A_348, %jit3A_461 : i32
    %sign3A_463 = arith.constant 0 : i32
    %sign3A_464 = arith.cmpi sgt, %add3A_348, %sign3A_463 : i32
    %sign3A_465 = arith.extui %sign3A_464 : i1 to i32
    %sign3A_466 = arith.constant 0 : i32
    %sign3A_467 = arith.cmpi slt, %add3A_348, %sign3A_466 : i32
    %sign3A_468 = arith.extui %sign3A_467 : i1 to i32
    %sign3A_469 = arith.subi %sign3A_465, %sign3A_468 : i32
    %sign3A_470 = arith.constant 0 : i32
    %sign3A_471 = arith.cmpi sgt, %jit3A_461, %sign3A_470 : i32
    %sign3A_472 = arith.extui %sign3A_471 : i1 to i32
    %sign3A_473 = arith.constant 0 : i32
    %sign3A_474 = arith.cmpi slt, %jit3A_461, %sign3A_473 : i32
    %sign3A_475 = arith.extui %sign3A_474 : i1 to i32
    %sign3A_476 = arith.subi %sign3A_472, %sign3A_475 : i32
    %ne3A_477 = arith.cmpi ne, %sign3A_469, %sign3A_476 : i32
    %rem3A_478 = arith.remsi %add3A_348, %jit3A_461 : i32
    %ne3A_479 = arith.constant 0 : i32
    %ne3A_480 = arith.cmpi ne, %rem3A_478, %ne3A_479 : i32
    %and3A_481 = arith.andi %ne3A_477, %ne3A_480 : i1
    %sub3A_482 = arith.constant 1 : i32
    %sub3A_483 = arith.subi %div3A_462, %sub3A_482 : i32
    %select_n3A_484 = arith.select %and3A_481, %sub3A_483, %div3A_462 : i32
    %mul3A_485 = arith.constant 8 : i32
    %mul3A_486 = arith.muli %select_n3A_484, %mul3A_485 : i32
    %multiple_of3A_487 = tpu.assume_multiple %mul3A_486, 8 : i32
    %dma_start3A_488 = arith.constant 99968 : i32
    %dma_start3A_489 = tpu.memref_slice %arg3[%multiple_of3A_487, %dma_start3A_488] : memref<64x100000xf32, #tpu.memory_space<hbm>> -> memref<8x32xf32, #tpu.memory_space<hbm>>
    %dma_start3A_490 = arith.constant 99968 : i32
    %dma_start3A_491 = tpu.memref_slice %arg3[%multiple_of3A_487, %dma_start3A_490] : memref<64x100000xf32, #tpu.memory_space<hbm>> -> memref<8x32xf32, #tpu.memory_space<hbm>>
    tpu.enqueue_dma source(%dma_start3A_491 : memref<8x32xf32, #tpu.memory_space<hbm>>) target(%arg10 : memref<8x32xf32, #tpu.memory_space<vmem>>) target_semaphore(%arg11 : memref<!tpu.dma_semaphore, #tpu.memory_space<semaphore_mem>>)
    %dma_start3A_492 = arith.constant 0 : i32
    %dma_start3A_493 = tpu.memref_slice %arg4[%add3A_348, %dma_start3A_492] : memref<64x2048xf32, #tpu.memory_space<hbm>> -> memref<1x2048xf32, #tpu.memory_space<hbm>>
    %dma_start3A_494 = tpu.memref_squeeze %dma_start3A_493 : memref<1x2048xf32, #tpu.memory_space<hbm>> -> memref<2048xf32, #tpu.memory_space<hbm>>
    %dma_start3A_495 = arith.constant 0 : i32
    %dma_start3A_496 = tpu.memref_slice %arg4[%add3A_348, %dma_start3A_495] : memref<64x2048xf32, #tpu.memory_space<hbm>> -> memref<1x2048xf32, #tpu.memory_space<hbm>>
    %dma_start3A_497 = tpu.memref_squeeze %dma_start3A_496 : memref<1x2048xf32, #tpu.memory_space<hbm>> -> memref<2048xf32, #tpu.memory_space<hbm>>
    tpu.enqueue_dma source(%dma_start3A_497 : memref<2048xf32, #tpu.memory_space<hbm>>) target(%arg8 : memref<2048xf32, #tpu.memory_space<vmem>>) target_semaphore(%arg12 : memref<!tpu.dma_semaphore, #tpu.memory_space<semaphore_mem>>)
    %dma_wait3A_498 = arith.constant 0 : i32
    %dma_wait3A_499 = arith.constant 0 : i32
    %dma_wait3A_500 = arith.constant 0 : i32
    %dma_wait3A_501 = tpu.memref_slice %arg9[%dma_wait3A_498, %dma_wait3A_500] : memref<4x2048xf32, #tpu.memory_space<vmem>> -> memref<1x2048xf32, #tpu.memory_space<vmem>>
    %dma_wait3A_502 = tpu.memref_squeeze %dma_wait3A_501 : memref<1x2048xf32, #tpu.memory_space<vmem>> -> memref<2048xf32, #tpu.memory_space<vmem>>
    %dma_wait3A_503 = arith.constant 0 : i32
    %dma_wait3A_504 = tpu.memref_slice %arg5[%dma_wait3A_499, %add3A_4, %dma_wait3A_503] : memref<4x64x2048xf32, #tpu.memory_space<hbm>> -> memref<1x1x2048xf32, #tpu.memory_space<hbm>>
    %dma_wait3A_505 = tpu.memref_squeeze %dma_wait3A_504 : memref<1x1x2048xf32, #tpu.memory_space<hbm>> -> memref<2048xf32, #tpu.memory_space<hbm>>
    %dma_wait3A_506 = arith.constant 0 : i32
    %dma_wait3A_507 = tpu.memref_slice %arg5[%dma_wait3A_499, %add3A_4, %dma_wait3A_506] : memref<4x64x2048xf32, #tpu.memory_space<hbm>> -> memref<1x1x2048xf32, #tpu.memory_space<hbm>>
    %dma_wait3A_508 = tpu.memref_squeeze %dma_wait3A_507 : memref<1x1x2048xf32, #tpu.memory_space<hbm>> -> memref<2048xf32, #tpu.memory_space<hbm>>
    %dma_wait3A_509 = arith.constant 0 : i32
    %dma_wait3A_510 = tpu.memref_slice %arg9[%dma_wait3A_498, %dma_wait3A_509] : memref<4x2048xf32, #tpu.memory_space<vmem>> -> memref<1x2048xf32, #tpu.memory_space<vmem>>
    %dma_wait3A_511 = tpu.memref_squeeze %dma_wait3A_510 : memref<1x2048xf32, #tpu.memory_space<vmem>> -> memref<2048xf32, #tpu.memory_space<vmem>>
    tpu.wait_dma2 semaphore(%arg13 : memref<!tpu.dma_semaphore, #tpu.memory_space<semaphore_mem>>) src(%dma_wait3A_511 : memref<2048xf32, #tpu.memory_space<vmem>>) dst(%dma_wait3A_508 : memref<2048xf32, #tpu.memory_space<hbm>>)
    %dma_wait3A_512 = arith.constant 1 : i32
    %dma_wait3A_513 = arith.constant 1 : i32
    %dma_wait3A_514 = arith.constant 0 : i32
    %dma_wait3A_515 = tpu.memref_slice %arg9[%dma_wait3A_512, %dma_wait3A_514] : memref<4x2048xf32, #tpu.memory_space<vmem>> -> memref<1x2048xf32, #tpu.memory_space<vmem>>
    %dma_wait3A_516 = tpu.memref_squeeze %dma_wait3A_515 : memref<1x2048xf32, #tpu.memory_space<vmem>> -> memref<2048xf32, #tpu.memory_space<vmem>>
    %dma_wait3A_517 = arith.constant 0 : i32
    %dma_wait3A_518 = tpu.memref_slice %arg5[%dma_wait3A_513, %add3A_4, %dma_wait3A_517] : memref<4x64x2048xf32, #tpu.memory_space<hbm>> -> memref<1x1x2048xf32, #tpu.memory_space<hbm>>
    %dma_wait3A_519 = tpu.memref_squeeze %dma_wait3A_518 : memref<1x1x2048xf32, #tpu.memory_space<hbm>> -> memref<2048xf32, #tpu.memory_space<hbm>>
    %dma_wait3A_520 = arith.constant 0 : i32
    %dma_wait3A_521 = tpu.memref_slice %arg5[%dma_wait3A_513, %add3A_4, %dma_wait3A_520] : memref<4x64x2048xf32, #tpu.memory_space<hbm>> -> memref<1x1x2048xf32, #tpu.memory_space<hbm>>
    %dma_wait3A_522 = tpu.memref_squeeze %dma_wait3A_521 : memref<1x1x2048xf32, #tpu.memory_space<hbm>> -> memref<2048xf32, #tpu.memory_space<hbm>>
    %dma_wait3A_523 = arith.constant 0 : i32
    %dma_wait3A_524 = tpu.memref_slice %arg9[%dma_wait3A_512, %dma_wait3A_523] : memref<4x2048xf32, #tpu.memory_space<vmem>> -> memref<1x2048xf32, #tpu.memory_space<vmem>>
    %dma_wait3A_525 = tpu.memref_squeeze %dma_wait3A_524 : memref<1x2048xf32, #tpu.memory_space<vmem>> -> memref<2048xf32, #tpu.memory_space<vmem>>
    tpu.wait_dma2 semaphore(%arg13 : memref<!tpu.dma_semaphore, #tpu.memory_space<semaphore_mem>>) src(%dma_wait3A_525 : memref<2048xf32, #tpu.memory_space<vmem>>) dst(%dma_wait3A_522 : memref<2048xf32, #tpu.memory_space<hbm>>)
    %dma_wait3A_526 = arith.constant 2 : i32
    %dma_wait3A_527 = arith.constant 2 : i32
    %dma_wait3A_528 = arith.constant 0 : i32
    %dma_wait3A_529 = tpu.memref_slice %arg9[%dma_wait3A_526, %dma_wait3A_528] : memref<4x2048xf32, #tpu.memory_space<vmem>> -> memref<1x2048xf32, #tpu.memory_space<vmem>>
    %dma_wait3A_530 = tpu.memref_squeeze %dma_wait3A_529 : memref<1x2048xf32, #tpu.memory_space<vmem>> -> memref<2048xf32, #tpu.memory_space<vmem>>
    %dma_wait3A_531 = arith.constant 0 : i32
    %dma_wait3A_532 = tpu.memref_slice %arg5[%dma_wait3A_527, %add3A_4, %dma_wait3A_531] : memref<4x64x2048xf32, #tpu.memory_space<hbm>> -> memref<1x1x2048xf32, #tpu.memory_space<hbm>>
    %dma_wait3A_533 = tpu.memref_squeeze %dma_wait3A_532 : memref<1x1x2048xf32, #tpu.memory_space<hbm>> -> memref<2048xf32, #tpu.memory_space<hbm>>
    %dma_wait3A_534 = arith.constant 0 : i32
    %dma_wait3A_535 = tpu.memref_slice %arg5[%dma_wait3A_527, %add3A_4, %dma_wait3A_534] : memref<4x64x2048xf32, #tpu.memory_space<hbm>> -> memref<1x1x2048xf32, #tpu.memory_space<hbm>>
    %dma_wait3A_536 = tpu.memref_squeeze %dma_wait3A_535 : memref<1x1x2048xf32, #tpu.memory_space<hbm>> -> memref<2048xf32, #tpu.memory_space<hbm>>
    %dma_wait3A_537 = arith.constant 0 : i32
    %dma_wait3A_538 = tpu.memref_slice %arg9[%dma_wait3A_526, %dma_wait3A_537] : memref<4x2048xf32, #tpu.memory_space<vmem>> -> memref<1x2048xf32, #tpu.memory_space<vmem>>
    %dma_wait3A_539 = tpu.memref_squeeze %dma_wait3A_538 : memref<1x2048xf32, #tpu.memory_space<vmem>> -> memref<2048xf32, #tpu.memory_space<vmem>>
    tpu.wait_dma2 semaphore(%arg13 : memref<!tpu.dma_semaphore, #tpu.memory_space<semaphore_mem>>) src(%dma_wait3A_539 : memref<2048xf32, #tpu.memory_space<vmem>>) dst(%dma_wait3A_536 : memref<2048xf32, #tpu.memory_space<hbm>>)
    %dma_wait3A_540 = arith.constant 3 : i32
    %dma_wait3A_541 = arith.constant 3 : i32
    %dma_wait3A_542 = arith.constant 0 : i32
    %dma_wait3A_543 = tpu.memref_slice %arg9[%dma_wait3A_540, %dma_wait3A_542] : memref<4x2048xf32, #tpu.memory_space<vmem>> -> memref<1x2048xf32, #tpu.memory_space<vmem>>
    %dma_wait3A_544 = tpu.memref_squeeze %dma_wait3A_543 : memref<1x2048xf32, #tpu.memory_space<vmem>> -> memref<2048xf32, #tpu.memory_space<vmem>>
    %dma_wait3A_545 = arith.constant 0 : i32
    %dma_wait3A_546 = tpu.memref_slice %arg5[%dma_wait3A_541, %add3A_4, %dma_wait3A_545] : memref<4x64x2048xf32, #tpu.memory_space<hbm>> -> memref<1x1x2048xf32, #tpu.memory_space<hbm>>
    %dma_wait3A_547 = tpu.memref_squeeze %dma_wait3A_546 : memref<1x1x2048xf32, #tpu.memory_space<hbm>> -> memref<2048xf32, #tpu.memory_space<hbm>>
    %dma_wait3A_548 = arith.constant 0 : i32
    %dma_wait3A_549 = tpu.memref_slice %arg5[%dma_wait3A_541, %add3A_4, %dma_wait3A_548] : memref<4x64x2048xf32, #tpu.memory_space<hbm>> -> memref<1x1x2048xf32, #tpu.memory_space<hbm>>
    %dma_wait3A_550 = tpu.memref_squeeze %dma_wait3A_549 : memref<1x1x2048xf32, #tpu.memory_space<hbm>> -> memref<2048xf32, #tpu.memory_space<hbm>>
    %dma_wait3A_551 = arith.constant 0 : i32
    %dma_wait3A_552 = tpu.memref_slice %arg9[%dma_wait3A_540, %dma_wait3A_551] : memref<4x2048xf32, #tpu.memory_space<vmem>> -> memref<1x2048xf32, #tpu.memory_space<vmem>>
    %dma_wait3A_553 = tpu.memref_squeeze %dma_wait3A_552 : memref<1x2048xf32, #tpu.memory_space<vmem>> -> memref<2048xf32, #tpu.memory_space<vmem>>
    tpu.wait_dma2 semaphore(%arg13 : memref<!tpu.dma_semaphore, #tpu.memory_space<semaphore_mem>>) src(%dma_wait3A_553 : memref<2048xf32, #tpu.memory_space<vmem>>) dst(%dma_wait3A_550 : memref<2048xf32, #tpu.memory_space<hbm>>)
    %dma_wait3A_554 = arith.constant 0 : i32
    %dma_wait3A_555 = tpu.memref_slice %arg4[%add3A_348, %dma_wait3A_554] : memref<64x2048xf32, #tpu.memory_space<hbm>> -> memref<1x2048xf32, #tpu.memory_space<hbm>>
    %dma_wait3A_556 = tpu.memref_squeeze %dma_wait3A_555 : memref<1x2048xf32, #tpu.memory_space<hbm>> -> memref<2048xf32, #tpu.memory_space<hbm>>
    %dma_wait3A_557 = arith.constant 0 : i32
    %dma_wait3A_558 = tpu.memref_slice %arg4[%add3A_348, %dma_wait3A_557] : memref<64x2048xf32, #tpu.memory_space<hbm>> -> memref<1x2048xf32, #tpu.memory_space<hbm>>
    %dma_wait3A_559 = tpu.memref_squeeze %dma_wait3A_558 : memref<1x2048xf32, #tpu.memory_space<hbm>> -> memref<2048xf32, #tpu.memory_space<hbm>>
    tpu.wait_dma2 semaphore(%arg12 : memref<!tpu.dma_semaphore, #tpu.memory_space<semaphore_mem>>) src(%dma_wait3A_559 : memref<2048xf32, #tpu.memory_space<hbm>>) dst(%arg8 : memref<2048xf32, #tpu.memory_space<vmem>>)
    %dma_wait3A_560 = arith.constant 0 : i32
    %dma_wait3A_561 = tpu.memref_slice %arg7[%dma_wait3A_560] : memref<100000xf32, #tpu.memory_space<vmem>> -> memref<12416xf32, #tpu.memory_space<vmem>>
    %dma_wait3A_562 = arith.constant 0 : i32
    %dma_wait3A_563 = tpu.memref_slice %arg3[%add3A_348, %dma_wait3A_562] : memref<64x100000xf32, #tpu.memory_space<hbm>> -> memref<1x100000xf32, #tpu.memory_space<hbm>>
    %dma_wait3A_564 = tpu.memref_squeeze %dma_wait3A_563 : memref<1x100000xf32, #tpu.memory_space<hbm>> -> memref<100000xf32, #tpu.memory_space<hbm>>
    %dma_wait3A_565 = arith.constant 0 : i32
    %dma_wait3A_566 = tpu.memref_slice %dma_wait3A_564[%dma_wait3A_565] : memref<100000xf32, #tpu.memory_space<hbm>> -> memref<12416xf32, #tpu.memory_space<hbm>>
    %dma_wait3A_567 = arith.constant 0 : i32
    %dma_wait3A_568 = tpu.memref_slice %arg7[%dma_wait3A_567] : memref<100000xf32, #tpu.memory_space<vmem>> -> memref<12416xf32, #tpu.memory_space<vmem>>
    %dma_wait3A_569 = arith.constant 0 : i32
    %dma_wait3A_570 = tpu.memref_slice %arg3[%add3A_348, %dma_wait3A_569] : memref<64x100000xf32, #tpu.memory_space<hbm>> -> memref<1x100000xf32, #tpu.memory_space<hbm>>
    %dma_wait3A_571 = tpu.memref_squeeze %dma_wait3A_570 : memref<1x100000xf32, #tpu.memory_space<hbm>> -> memref<100000xf32, #tpu.memory_space<hbm>>
    %dma_wait3A_572 = arith.constant 0 : i32
    %dma_wait3A_573 = tpu.memref_slice %dma_wait3A_571[%dma_wait3A_572] : memref<100000xf32, #tpu.memory_space<hbm>> -> memref<12416xf32, #tpu.memory_space<hbm>>
    tpu.wait_dma2 semaphore(%arg11 : memref<!tpu.dma_semaphore, #tpu.memory_space<semaphore_mem>>) src(%dma_wait3A_573 : memref<12416xf32, #tpu.memory_space<hbm>>) dst(%dma_wait3A_568 : memref<12416xf32, #tpu.memory_space<vmem>>)
    %dma_wait3A_574 = arith.constant 12416 : i32
    %dma_wait3A_575 = tpu.memref_slice %arg7[%dma_wait3A_574] : memref<100000xf32, #tpu.memory_space<vmem>> -> memref<12416xf32, #tpu.memory_space<vmem>>
    %dma_wait3A_576 = arith.constant 0 : i32
    %dma_wait3A_577 = tpu.memref_slice %arg3[%add3A_348, %dma_wait3A_576] : memref<64x100000xf32, #tpu.memory_space<hbm>> -> memref<1x100000xf32, #tpu.memory_space<hbm>>
    %dma_wait3A_578 = tpu.memref_squeeze %dma_wait3A_577 : memref<1x100000xf32, #tpu.memory_space<hbm>> -> memref<100000xf32, #tpu.memory_space<hbm>>
    %dma_wait3A_579 = arith.constant 12416 : i32
    %dma_wait3A_580 = tpu.memref_slice %dma_wait3A_578[%dma_wait3A_579] : memref<100000xf32, #tpu.memory_space<hbm>> -> memref<12416xf32, #tpu.memory_space<hbm>>
    %dma_wait3A_581 = arith.constant 12416 : i32
    %dma_wait3A_582 = tpu.memref_slice %arg7[%dma_wait3A_581] : memref<100000xf32, #tpu.memory_space<vmem>> -> memref<12416xf32, #tpu.memory_space<vmem>>
    %dma_wait3A_583 = arith.constant 0 : i32
    %dma_wait3A_584 = tpu.memref_slice %arg3[%add3A_348, %dma_wait3A_583] : memref<64x100000xf32, #tpu.memory_space<hbm>> -> memref<1x100000xf32, #tpu.memory_space<hbm>>
    %dma_wait3A_585 = tpu.memref_squeeze %dma_wait3A_584 : memref<1x100000xf32, #tpu.memory_space<hbm>> -> memref<100000xf32, #tpu.memory_space<hbm>>
    %dma_wait3A_586 = arith.constant 12416 : i32
    %dma_wait3A_587 = tpu.memref_slice %dma_wait3A_585[%dma_wait3A_586] : memref<100000xf32, #tpu.memory_space<hbm>> -> memref<12416xf32, #tpu.memory_space<hbm>>
    tpu.wait_dma2 semaphore(%arg11 : memref<!tpu.dma_semaphore, #tpu.memory_space<semaphore_mem>>) src(%dma_wait3A_587 : memref<12416xf32, #tpu.memory_space<hbm>>) dst(%dma_wait3A_582 : memref<12416xf32, #tpu.memory_space<vmem>>)
    %dma_wait3A_588 = arith.constant 24832 : i32
    %dma_wait3A_589 = tpu.memref_slice %arg7[%dma_wait3A_588] : memref<100000xf32, #tpu.memory_space<vmem>> -> memref<12416xf32, #tpu.memory_space<vmem>>
    %dma_wait3A_590 = arith.constant 0 : i32
    %dma_wait3A_591 = tpu.memref_slice %arg3[%add3A_348, %dma_wait3A_590] : memref<64x100000xf32, #tpu.memory_space<hbm>> -> memref<1x100000xf32, #tpu.memory_space<hbm>>
    %dma_wait3A_592 = tpu.memref_squeeze %dma_wait3A_591 : memref<1x100000xf32, #tpu.memory_space<hbm>> -> memref<100000xf32, #tpu.memory_space<hbm>>
    %dma_wait3A_593 = arith.constant 24832 : i32
    %dma_wait3A_594 = tpu.memref_slice %dma_wait3A_592[%dma_wait3A_593] : memref<100000xf32, #tpu.memory_space<hbm>> -> memref<12416xf32, #tpu.memory_space<hbm>>
    %dma_wait3A_595 = arith.constant 24832 : i32
    %dma_wait3A_596 = tpu.memref_slice %arg7[%dma_wait3A_595] : memref<100000xf32, #tpu.memory_space<vmem>> -> memref<12416xf32, #tpu.memory_space<vmem>>
    %dma_wait3A_597 = arith.constant 0 : i32
    %dma_wait3A_598 = tpu.memref_slice %arg3[%add3A_348, %dma_wait3A_597] : memref<64x100000xf32, #tpu.memory_space<hbm>> -> memref<1x100000xf32, #tpu.memory_space<hbm>>
    %dma_wait3A_599 = tpu.memref_squeeze %dma_wait3A_598 : memref<1x100000xf32, #tpu.memory_space<hbm>> -> memref<100000xf32, #tpu.memory_space<hbm>>
    %dma_wait3A_600 = arith.constant 24832 : i32
    %dma_wait3A_601 = tpu.memref_slice %dma_wait3A_599[%dma_wait3A_600] : memref<100000xf32, #tpu.memory_space<hbm>> -> memref<12416xf32, #tpu.memory_space<hbm>>
    tpu.wait_dma2 semaphore(%arg11 : memref<!tpu.dma_semaphore, #tpu.memory_space<semaphore_mem>>) src(%dma_wait3A_601 : memref<12416xf32, #tpu.memory_space<hbm>>) dst(%dma_wait3A_596 : memref<12416xf32, #tpu.memory_space<vmem>>)
    %dma_wait3A_602 = arith.constant 37248 : i32
    %dma_wait3A_603 = tpu.memref_slice %arg7[%dma_wait3A_602] : memref<100000xf32, #tpu.memory_space<vmem>> -> memref<12416xf32, #tpu.memory_space<vmem>>
    %dma_wait3A_604 = arith.constant 0 : i32
    %dma_wait3A_605 = tpu.memref_slice %arg3[%add3A_348, %dma_wait3A_604] : memref<64x100000xf32, #tpu.memory_space<hbm>> -> memref<1x100000xf32, #tpu.memory_space<hbm>>
    %dma_wait3A_606 = tpu.memref_squeeze %dma_wait3A_605 : memref<1x100000xf32, #tpu.memory_space<hbm>> -> memref<100000xf32, #tpu.memory_space<hbm>>
    %dma_wait3A_607 = arith.constant 37248 : i32
    %dma_wait3A_608 = tpu.memref_slice %dma_wait3A_606[%dma_wait3A_607] : memref<100000xf32, #tpu.memory_space<hbm>> -> memref<12416xf32, #tpu.memory_space<hbm>>
    %dma_wait3A_609 = arith.constant 37248 : i32
    %dma_wait3A_610 = tpu.memref_slice %arg7[%dma_wait3A_609] : memref<100000xf32, #tpu.memory_space<vmem>> -> memref<12416xf32, #tpu.memory_space<vmem>>
    %dma_wait3A_611 = arith.constant 0 : i32
    %dma_wait3A_612 = tpu.memref_slice %arg3[%add3A_348, %dma_wait3A_611] : memref<64x100000xf32, #tpu.memory_space<hbm>> -> memref<1x100000xf32, #tpu.memory_space<hbm>>
    %dma_wait3A_613 = tpu.memref_squeeze %dma_wait3A_612 : memref<1x100000xf32, #tpu.memory_space<hbm>> -> memref<100000xf32, #tpu.memory_space<hbm>>
    %dma_wait3A_614 = arith.constant 37248 : i32
    %dma_wait3A_615 = tpu.memref_slice %dma_wait3A_613[%dma_wait3A_614] : memref<100000xf32, #tpu.memory_space<hbm>> -> memref<12416xf32, #tpu.memory_space<hbm>>
    tpu.wait_dma2 semaphore(%arg11 : memref<!tpu.dma_semaphore, #tpu.memory_space<semaphore_mem>>) src(%dma_wait3A_615 : memref<12416xf32, #tpu.memory_space<hbm>>) dst(%dma_wait3A_610 : memref<12416xf32, #tpu.memory_space<vmem>>)
    %dma_wait3A_616 = arith.constant 49664 : i32
    %dma_wait3A_617 = tpu.memref_slice %arg7[%dma_wait3A_616] : memref<100000xf32, #tpu.memory_space<vmem>> -> memref<12416xf32, #tpu.memory_space<vmem>>
    %dma_wait3A_618 = arith.constant 0 : i32
    %dma_wait3A_619 = tpu.memref_slice %arg3[%add3A_348, %dma_wait3A_618] : memref<64x100000xf32, #tpu.memory_space<hbm>> -> memref<1x100000xf32, #tpu.memory_space<hbm>>
    %dma_wait3A_620 = tpu.memref_squeeze %dma_wait3A_619 : memref<1x100000xf32, #tpu.memory_space<hbm>> -> memref<100000xf32, #tpu.memory_space<hbm>>
    %dma_wait3A_621 = arith.constant 49664 : i32
    %dma_wait3A_622 = tpu.memref_slice %dma_wait3A_620[%dma_wait3A_621] : memref<100000xf32, #tpu.memory_space<hbm>> -> memref<12416xf32, #tpu.memory_space<hbm>>
    %dma_wait3A_623 = arith.constant 49664 : i32
    %dma_wait3A_624 = tpu.memref_slice %arg7[%dma_wait3A_623] : memref<100000xf32, #tpu.memory_space<vmem>> -> memref<12416xf32, #tpu.memory_space<vmem>>
    %dma_wait3A_625 = arith.constant 0 : i32
    %dma_wait3A_626 = tpu.memref_slice %arg3[%add3A_348, %dma_wait3A_625] : memref<64x100000xf32, #tpu.memory_space<hbm>> -> memref<1x100000xf32, #tpu.memory_space<hbm>>
    %dma_wait3A_627 = tpu.memref_squeeze %dma_wait3A_626 : memref<1x100000xf32, #tpu.memory_space<hbm>> -> memref<100000xf32, #tpu.memory_space<hbm>>
    %dma_wait3A_628 = arith.constant 49664 : i32
    %dma_wait3A_629 = tpu.memref_slice %dma_wait3A_627[%dma_wait3A_628] : memref<100000xf32, #tpu.memory_space<hbm>> -> memref<12416xf32, #tpu.memory_space<hbm>>
    tpu.wait_dma2 semaphore(%arg11 : memref<!tpu.dma_semaphore, #tpu.memory_space<semaphore_mem>>) src(%dma_wait3A_629 : memref<12416xf32, #tpu.memory_space<hbm>>) dst(%dma_wait3A_624 : memref<12416xf32, #tpu.memory_space<vmem>>)
    %dma_wait3A_630 = arith.constant 62080 : i32
    %dma_wait3A_631 = tpu.memref_slice %arg7[%dma_wait3A_630] : memref<100000xf32, #tpu.memory_space<vmem>> -> memref<12416xf32, #tpu.memory_space<vmem>>
    %dma_wait3A_632 = arith.constant 0 : i32
    %dma_wait3A_633 = tpu.memref_slice %arg3[%add3A_348, %dma_wait3A_632] : memref<64x100000xf32, #tpu.memory_space<hbm>> -> memref<1x100000xf32, #tpu.memory_space<hbm>>
    %dma_wait3A_634 = tpu.memref_squeeze %dma_wait3A_633 : memref<1x100000xf32, #tpu.memory_space<hbm>> -> memref<100000xf32, #tpu.memory_space<hbm>>
    %dma_wait3A_635 = arith.constant 62080 : i32
    %dma_wait3A_636 = tpu.memref_slice %dma_wait3A_634[%dma_wait3A_635] : memref<100000xf32, #tpu.memory_space<hbm>> -> memref<12416xf32, #tpu.memory_space<hbm>>
    %dma_wait3A_637 = arith.constant 62080 : i32
    %dma_wait3A_638 = tpu.memref_slice %arg7[%dma_wait3A_637] : memref<100000xf32, #tpu.memory_space<vmem>> -> memref<12416xf32, #tpu.memory_space<vmem>>
    %dma_wait3A_639 = arith.constant 0 : i32
    %dma_wait3A_640 = tpu.memref_slice %arg3[%add3A_348, %dma_wait3A_639] : memref<64x100000xf32, #tpu.memory_space<hbm>> -> memref<1x100000xf32, #tpu.memory_space<hbm>>
    %dma_wait3A_641 = tpu.memref_squeeze %dma_wait3A_640 : memref<1x100000xf32, #tpu.memory_space<hbm>> -> memref<100000xf32, #tpu.memory_space<hbm>>
    %dma_wait3A_642 = arith.constant 62080 : i32
    %dma_wait3A_643 = tpu.memref_slice %dma_wait3A_641[%dma_wait3A_642] : memref<100000xf32, #tpu.memory_space<hbm>> -> memref<12416xf32, #tpu.memory_space<hbm>>
    tpu.wait_dma2 semaphore(%arg11 : memref<!tpu.dma_semaphore, #tpu.memory_space<semaphore_mem>>) src(%dma_wait3A_643 : memref<12416xf32, #tpu.memory_space<hbm>>) dst(%dma_wait3A_638 : memref<12416xf32, #tpu.memory_space<vmem>>)
    %dma_wait3A_644 = arith.constant 74496 : i32
    %dma_wait3A_645 = tpu.memref_slice %arg7[%dma_wait3A_644] : memref<100000xf32, #tpu.memory_space<vmem>> -> memref<12416xf32, #tpu.memory_space<vmem>>
    %dma_wait3A_646 = arith.constant 0 : i32
    %dma_wait3A_647 = tpu.memref_slice %arg3[%add3A_348, %dma_wait3A_646] : memref<64x100000xf32, #tpu.memory_space<hbm>> -> memref<1x100000xf32, #tpu.memory_space<hbm>>
    %dma_wait3A_648 = tpu.memref_squeeze %dma_wait3A_647 : memref<1x100000xf32, #tpu.memory_space<hbm>> -> memref<100000xf32, #tpu.memory_space<hbm>>
    %dma_wait3A_649 = arith.constant 74496 : i32
    %dma_wait3A_650 = tpu.memref_slice %dma_wait3A_648[%dma_wait3A_649] : memref<100000xf32, #tpu.memory_space<hbm>> -> memref<12416xf32, #tpu.memory_space<hbm>>
    %dma_wait3A_651 = arith.constant 74496 : i32
    %dma_wait3A_652 = tpu.memref_slice %arg7[%dma_wait3A_651] : memref<100000xf32, #tpu.memory_space<vmem>> -> memref<12416xf32, #tpu.memory_space<vmem>>
    %dma_wait3A_653 = arith.constant 0 : i32
    %dma_wait3A_654 = tpu.memref_slice %arg3[%add3A_348, %dma_wait3A_653] : memref<64x100000xf32, #tpu.memory_space<hbm>> -> memref<1x100000xf32, #tpu.memory_space<hbm>>
    %dma_wait3A_655 = tpu.memref_squeeze %dma_wait3A_654 : memref<1x100000xf32, #tpu.memory_space<hbm>> -> memref<100000xf32, #tpu.memory_space<hbm>>
    %dma_wait3A_656 = arith.constant 74496 : i32
    %dma_wait3A_657 = tpu.memref_slice %dma_wait3A_655[%dma_wait3A_656] : memref<100000xf32, #tpu.memory_space<hbm>> -> memref<12416xf32, #tpu.memory_space<hbm>>
    tpu.wait_dma2 semaphore(%arg11 : memref<!tpu.dma_semaphore, #tpu.memory_space<semaphore_mem>>) src(%dma_wait3A_657 : memref<12416xf32, #tpu.memory_space<hbm>>) dst(%dma_wait3A_652 : memref<12416xf32, #tpu.memory_space<vmem>>)
    %dma_wait3A_658 = arith.constant 86912 : i32
    %dma_wait3A_659 = tpu.memref_slice %arg7[%dma_wait3A_658] : memref<100000xf32, #tpu.memory_space<vmem>> -> memref<13056xf32, #tpu.memory_space<vmem>>
    %dma_wait3A_660 = arith.constant 0 : i32
    %dma_wait3A_661 = tpu.memref_slice %arg3[%add3A_348, %dma_wait3A_660] : memref<64x100000xf32, #tpu.memory_space<hbm>> -> memref<1x100000xf32, #tpu.memory_space<hbm>>
    %dma_wait3A_662 = tpu.memref_squeeze %dma_wait3A_661 : memref<1x100000xf32, #tpu.memory_space<hbm>> -> memref<100000xf32, #tpu.memory_space<hbm>>
    %dma_wait3A_663 = arith.constant 86912 : i32
    %dma_wait3A_664 = tpu.memref_slice %dma_wait3A_662[%dma_wait3A_663] : memref<100000xf32, #tpu.memory_space<hbm>> -> memref<13056xf32, #tpu.memory_space<hbm>>
    %dma_wait3A_665 = arith.constant 86912 : i32
    %dma_wait3A_666 = tpu.memref_slice %arg7[%dma_wait3A_665] : memref<100000xf32, #tpu.memory_space<vmem>> -> memref<13056xf32, #tpu.memory_space<vmem>>
    %dma_wait3A_667 = arith.constant 0 : i32
    %dma_wait3A_668 = tpu.memref_slice %arg3[%add3A_348, %dma_wait3A_667] : memref<64x100000xf32, #tpu.memory_space<hbm>> -> memref<1x100000xf32, #tpu.memory_space<hbm>>
    %dma_wait3A_669 = tpu.memref_squeeze %dma_wait3A_668 : memref<1x100000xf32, #tpu.memory_space<hbm>> -> memref<100000xf32, #tpu.memory_space<hbm>>
    %dma_wait3A_670 = arith.constant 86912 : i32
    %dma_wait3A_671 = tpu.memref_slice %dma_wait3A_669[%dma_wait3A_670] : memref<100000xf32, #tpu.memory_space<hbm>> -> memref<13056xf32, #tpu.memory_space<hbm>>
    tpu.wait_dma2 semaphore(%arg11 : memref<!tpu.dma_semaphore, #tpu.memory_space<semaphore_mem>>) src(%dma_wait3A_671 : memref<13056xf32, #tpu.memory_space<hbm>>) dst(%dma_wait3A_666 : memref<13056xf32, #tpu.memory_space<vmem>>)
    %dma_wait3A_672 = arith.constant 99968 : i32
    %dma_wait3A_673 = tpu.memref_slice %arg3[%multiple_of3A_487, %dma_wait3A_672] : memref<64x100000xf32, #tpu.memory_space<hbm>> -> memref<8x32xf32, #tpu.memory_space<hbm>>
    %dma_wait3A_674 = arith.constant 99968 : i32
    %dma_wait3A_675 = tpu.memref_slice %arg3[%multiple_of3A_487, %dma_wait3A_674] : memref<64x100000xf32, #tpu.memory_space<hbm>> -> memref<8x32xf32, #tpu.memory_space<hbm>>
    tpu.wait_dma2 semaphore(%arg11 : memref<!tpu.dma_semaphore, #tpu.memory_space<semaphore_mem>>) src(%dma_wait3A_675 : memref<8x32xf32, #tpu.memory_space<hbm>>) dst(%arg10 : memref<8x32xf32, #tpu.memory_space<vmem>>)
    %jit3A_676 = arith.constant 8 : i32
    %eq3A_677 = arith.constant 0 : i32
    %eq3A_678 = arith.cmpi eq, %jit3A_676, %eq3A_677 : i32
    %jit3A_679 = arith.constant 1 : i32
    %select_n3A_680 = arith.select %eq3A_678, %jit3A_679, %jit3A_676 : i32
    %rem3A_681 = arith.remsi %add3A_348, %select_n3A_680 : i32
    %ne3A_682 = arith.constant 0 : i32
    %ne3A_683 = arith.cmpi ne, %rem3A_681, %ne3A_682 : i32
    %lt3A_684 = arith.constant 0 : i32
    %lt3A_685 = arith.cmpi slt, %rem3A_681, %lt3A_684 : i32
    %lt3A_686 = arith.constant 0 : i32
    %lt3A_687 = arith.cmpi slt, %select_n3A_680, %lt3A_686 : i32
    %ne3A_688 = arith.xori %lt3A_685, %lt3A_687 : i1
    %and3A_689 = arith.andi %ne3A_688, %ne3A_683 : i1
    %add3A_690 = arith.addi %rem3A_681, %select_n3A_680 : i32
    %select_n3A_691 = arith.select %and3A_689, %add3A_690, %rem3A_681 : i32
    %get3A_692 = arith.index_cast %select_n3A_691 : i32 to index
    %get3A_693 = arith.constant 0 : index
    %get3A_694 = tpu.vector_load %arg10[%get3A_692, %get3A_693] {strides = array<i32>} : memref<8x32xf32, #tpu.memory_space<vmem>>, vector<16xf32>,
    %swap3A_695 = arith.constant 99968 : index
    %swap3A_696 = tpu.vector_load %arg7[%swap3A_695] {strides = array<i32>} : memref<100000xf32, #tpu.memory_space<vmem>>, vector<16xf32>,
    tpu.vector_store %arg7[%swap3A_695], %get3A_694 {strides = array<i32>} : memref<100000xf32, #tpu.memory_space<vmem>>, vector<16xf32>,
    %get3A_697 = arith.index_cast %select_n3A_691 : i32 to index
    %get3A_698 = arith.constant 16 : index
    %get3A_699 = tpu.vector_load %arg10[%get3A_697, %get3A_698] {strides = array<i32>} : memref<8x32xf32, #tpu.memory_space<vmem>>, vector<16xf32>,
    %swap3A_700 = arith.constant 99984 : index
    %swap3A_701 = tpu.vector_load %arg7[%swap3A_700] {strides = array<i32>} : memref<100000xf32, #tpu.memory_space<vmem>>, vector<16xf32>,
    tpu.vector_store %arg7[%swap3A_700], %get3A_699 {strides = array<i32>} : memref<100000xf32, #tpu.memory_space<vmem>>, vector<16xf32>,
    %parallel_loop3A_702 = arith.constant 0 : i32
    %parallel_loop3A_703 = arith.constant 128 : i32
    %parallel_loop3A_704 = arith.constant 1 : i32
    scf.for %parallel_loop3A_817 = %parallel_loop3A_702 to %parallel_loop3A_703 step %parallel_loop3A_704  : i32 {
      %parallel_loop3A_818 = arith.constant 16 : i32
      %parallel_loop3A_819 = arith.muli %parallel_loop3A_817, %parallel_loop3A_818 : i32
      %parallel_loop3A_820 = arith.index_cast %parallel_loop3A_819 : i32 to index
      %parallel_loop3A_821 = tpu.vector_load %arg8[%parallel_loop3A_820] {strides = array<i32>} : memref<2048xf32, #tpu.memory_space<vmem>>, vector<16xf32>,
      %parallel_loop3A_822 = arith.constant 0 : i32
      %parallel_loop3A_823 = arith.index_cast %parallel_loop3A_822 : i32 to index
      %parallel_loop3A_824 = arith.index_cast %parallel_loop3A_819 : i32 to index
      %parallel_loop3A_825 = tpu.vector_load %arg6[%parallel_loop3A_823, %parallel_loop3A_824] {strides = array<i32>} : memref<4x2048xi32, #tpu.memory_space<vmem>>, vector<16xi32>,
      %parallel_loop3A_826 = tpu.vector_load_idx %arg7[%parallel_loop3A_825] : memref<100000xf32, #tpu.memory_space<vmem>>[vector<16xi32>], vector<16xf32>,
      %parallel_loop3A_827 = arith.addf %parallel_loop3A_826, %parallel_loop3A_821 : vector<16xf32>
      %parallel_loop3A_828 = arith.constant 0 : i32
      %parallel_loop3A_829 = arith.index_cast %parallel_loop3A_828 : i32 to index
      %parallel_loop3A_830 = arith.index_cast %parallel_loop3A_819 : i32 to index
      %parallel_loop3A_831 = tpu.vector_load %arg9[%parallel_loop3A_829, %parallel_loop3A_830] {strides = array<i32>} : memref<4x2048xf32, #tpu.memory_space<vmem>>, vector<16xf32>,
      tpu.vector_store %arg9[%parallel_loop3A_829, %parallel_loop3A_830], %parallel_loop3A_827 {strides = array<i32>} : memref<4x2048xf32, #tpu.memory_space<vmem>>, vector<16xf32>,
      %parallel_loop3A_832 = arith.constant 1 : i32
      %parallel_loop3A_833 = arith.index_cast %parallel_loop3A_832 : i32 to index
      %parallel_loop3A_834 = arith.index_cast %parallel_loop3A_819 : i32 to index
      %parallel_loop3A_835 = tpu.vector_load %arg6[%parallel_loop3A_833, %parallel_loop3A_834] {strides = array<i32>} : memref<4x2048xi32, #tpu.memory_space<vmem>>, vector<16xi32>,
      %parallel_loop3A_836 = tpu.vector_load_idx %arg7[%parallel_loop3A_835] : memref<100000xf32, #tpu.memory_space<vmem>>[vector<16xi32>], vector<16xf32>,
      %parallel_loop3A_837 = arith.addf %parallel_loop3A_836, %parallel_loop3A_821 : vector<16xf32>
      %parallel_loop3A_838 = arith.constant 1 : i32
      %parallel_loop3A_839 = arith.index_cast %parallel_loop3A_838 : i32 to index
      %parallel_loop3A_840 = arith.index_cast %parallel_loop3A_819 : i32 to index
      %parallel_loop3A_841 = tpu.vector_load %arg9[%parallel_loop3A_839, %parallel_loop3A_840] {strides = array<i32>} : memref<4x2048xf32, #tpu.memory_space<vmem>>, vector<16xf32>,
      tpu.vector_store %arg9[%parallel_loop3A_839, %parallel_loop3A_840], %parallel_loop3A_837 {strides = array<i32>} : memref<4x2048xf32, #tpu.memory_space<vmem>>, vector<16xf32>,
      %parallel_loop3A_842 = arith.constant 2 : i32
      %parallel_loop3A_843 = arith.index_cast %parallel_loop3A_842 : i32 to index
      %parallel_loop3A_844 = arith.index_cast %parallel_loop3A_819 : i32 to index
      %parallel_loop3A_845 = tpu.vector_load %arg6[%parallel_loop3A_843, %parallel_loop3A_844] {strides = array<i32>} : memref<4x2048xi32, #tpu.memory_space<vmem>>, vector<16xi32>,
      %parallel_loop3A_846 = tpu.vector_load_idx %arg7[%parallel_loop3A_845] : memref<100000xf32, #tpu.memory_space<vmem>>[vector<16xi32>], vector<16xf32>,
      %parallel_loop3A_847 = arith.addf %parallel_loop3A_846, %parallel_loop3A_821 : vector<16xf32>
      %parallel_loop3A_848 = arith.constant 2 : i32
      %parallel_loop3A_849 = arith.index_cast %parallel_loop3A_848 : i32 to index
      %parallel_loop3A_850 = arith.index_cast %parallel_loop3A_819 : i32 to index
      %parallel_loop3A_851 = tpu.vector_load %arg9[%parallel_loop3A_849, %parallel_loop3A_850] {strides = array<i32>} : memref<4x2048xf32, #tpu.memory_space<vmem>>, vector<16xf32>,
      tpu.vector_store %arg9[%parallel_loop3A_849, %parallel_loop3A_850], %parallel_loop3A_847 {strides = array<i32>} : memref<4x2048xf32, #tpu.memory_space<vmem>>, vector<16xf32>,
      %parallel_loop3A_852 = arith.constant 3 : i32
      %parallel_loop3A_853 = arith.index_cast %parallel_loop3A_852 : i32 to index
      %parallel_loop3A_854 = arith.index_cast %parallel_loop3A_819 : i32 to index
      %parallel_loop3A_855 = tpu.vector_load %arg6[%parallel_loop3A_853, %parallel_loop3A_854] {strides = array<i32>} : memref<4x2048xi32, #tpu.memory_space<vmem>>, vector<16xi32>,
      %parallel_loop3A_856 = tpu.vector_load_idx %arg7[%parallel_loop3A_855] : memref<100000xf32, #tpu.memory_space<vmem>>[vector<16xi32>], vector<16xf32>,
      %parallel_loop3A_857 = arith.addf %parallel_loop3A_856, %parallel_loop3A_821 : vector<16xf32>
      %parallel_loop3A_858 = arith.constant 3 : i32
      %parallel_loop3A_859 = arith.index_cast %parallel_loop3A_858 : i32 to index
      %parallel_loop3A_860 = arith.index_cast %parallel_loop3A_819 : i32 to index
      %parallel_loop3A_861 = tpu.vector_load %arg9[%parallel_loop3A_859, %parallel_loop3A_860] {strides = array<i32>} : memref<4x2048xf32, #tpu.memory_space<vmem>>, vector<16xf32>,
      tpu.vector_store %arg9[%parallel_loop3A_859, %parallel_loop3A_860], %parallel_loop3A_857 {strides = array<i32>} : memref<4x2048xf32, #tpu.memory_space<vmem>>, vector<16xf32>,
    } {sc.loop_unroll_factor = 8 : i64, sc.parallel_access}
    %dma_start3A_705 = arith.constant 0 : i32
    %dma_start3A_706 = arith.constant 0 : i32
    %dma_start3A_707 = arith.constant 0 : i32
    %dma_start3A_708 = tpu.memref_slice %arg9[%dma_start3A_705, %dma_start3A_707] : memref<4x2048xf32, #tpu.memory_space<vmem>> -> memref<1x2048xf32, #tpu.memory_space<vmem>>
    %dma_start3A_709 = tpu.memref_squeeze %dma_start3A_708 : memref<1x2048xf32, #tpu.memory_space<vmem>> -> memref<2048xf32, #tpu.memory_space<vmem>>
    %dma_start3A_710 = arith.constant 0 : i32
    %dma_start3A_711 = tpu.memref_slice %arg5[%dma_start3A_706, %add3A_348, %dma_start3A_710] : memref<4x64x2048xf32, #tpu.memory_space<hbm>> -> memref<1x1x2048xf32, #tpu.memory_space<hbm>>
    %dma_start3A_712 = tpu.memref_squeeze %dma_start3A_711 : memref<1x1x2048xf32, #tpu.memory_space<hbm>> -> memref<2048xf32, #tpu.memory_space<hbm>>
    %dma_start3A_713 = arith.constant 0 : i32
    %dma_start3A_714 = tpu.memref_slice %arg5[%dma_start3A_706, %add3A_348, %dma_start3A_713] : memref<4x64x2048xf32, #tpu.memory_space<hbm>> -> memref<1x1x2048xf32, #tpu.memory_space<hbm>>
    %dma_start3A_715 = tpu.memref_squeeze %dma_start3A_714 : memref<1x1x2048xf32, #tpu.memory_space<hbm>> -> memref<2048xf32, #tpu.memory_space<hbm>>
    %dma_start3A_716 = arith.constant 0 : i32
    %dma_start3A_717 = tpu.memref_slice %arg9[%dma_start3A_705, %dma_start3A_716] : memref<4x2048xf32, #tpu.memory_space<vmem>> -> memref<1x2048xf32, #tpu.memory_space<vmem>>
    %dma_start3A_718 = tpu.memref_squeeze %dma_start3A_717 : memref<1x2048xf32, #tpu.memory_space<vmem>> -> memref<2048xf32, #tpu.memory_space<vmem>>
    tpu.enqueue_dma source(%dma_start3A_718 : memref<2048xf32, #tpu.memory_space<vmem>>) target(%dma_start3A_715 : memref<2048xf32, #tpu.memory_space<hbm>>) target_semaphore(%arg13 : memref<!tpu.dma_semaphore, #tpu.memory_space<semaphore_mem>>)
    %dma_start3A_719 = arith.constant 1 : i32
    %dma_start3A_720 = arith.constant 1 : i32
    %dma_start3A_721 = arith.constant 0 : i32
    %dma_start3A_722 = tpu.memref_slice %arg9[%dma_start3A_719, %dma_start3A_721] : memref<4x2048xf32, #tpu.memory_space<vmem>> -> memref<1x2048xf32, #tpu.memory_space<vmem>>
    %dma_start3A_723 = tpu.memref_squeeze %dma_start3A_722 : memref<1x2048xf32, #tpu.memory_space<vmem>> -> memref<2048xf32, #tpu.memory_space<vmem>>
    %dma_start3A_724 = arith.constant 0 : i32
    %dma_start3A_725 = tpu.memref_slice %arg5[%dma_start3A_720, %add3A_348, %dma_start3A_724] : memref<4x64x2048xf32, #tpu.memory_space<hbm>> -> memref<1x1x2048xf32, #tpu.memory_space<hbm>>
    %dma_start3A_726 = tpu.memref_squeeze %dma_start3A_725 : memref<1x1x2048xf32, #tpu.memory_space<hbm>> -> memref<2048xf32, #tpu.memory_space<hbm>>
    %dma_start3A_727 = arith.constant 0 : i32
    %dma_start3A_728 = tpu.memref_slice %arg5[%dma_start3A_720, %add3A_348, %dma_start3A_727] : memref<4x64x2048xf32, #tpu.memory_space<hbm>> -> memref<1x1x2048xf32, #tpu.memory_space<hbm>>
    %dma_start3A_729 = tpu.memref_squeeze %dma_start3A_728 : memref<1x1x2048xf32, #tpu.memory_space<hbm>> -> memref<2048xf32, #tpu.memory_space<hbm>>
    %dma_start3A_730 = arith.constant 0 : i32
    %dma_start3A_731 = tpu.memref_slice %arg9[%dma_start3A_719, %dma_start3A_730] : memref<4x2048xf32, #tpu.memory_space<vmem>> -> memref<1x2048xf32, #tpu.memory_space<vmem>>
    %dma_start3A_732 = tpu.memref_squeeze %dma_start3A_731 : memref<1x2048xf32, #tpu.memory_space<vmem>> -> memref<2048xf32, #tpu.memory_space<vmem>>
    tpu.enqueue_dma source(%dma_start3A_732 : memref<2048xf32, #tpu.memory_space<vmem>>) target(%dma_start3A_729 : memref<2048xf32, #tpu.memory_space<hbm>>) target_semaphore(%arg13 : memref<!tpu.dma_semaphore, #tpu.memory_space<semaphore_mem>>)
    %dma_start3A_733 = arith.constant 2 : i32
    %dma_start3A_734 = arith.constant 2 : i32
    %dma_start3A_735 = arith.constant 0 : i32
    %dma_start3A_736 = tpu.memref_slice %arg9[%dma_start3A_733, %dma_start3A_735] : memref<4x2048xf32, #tpu.memory_space<vmem>> -> memref<1x2048xf32, #tpu.memory_space<vmem>>
    %dma_start3A_737 = tpu.memref_squeeze %dma_start3A_736 : memref<1x2048xf32, #tpu.memory_space<vmem>> -> memref<2048xf32, #tpu.memory_space<vmem>>
    %dma_start3A_738 = arith.constant 0 : i32
    %dma_start3A_739 = tpu.memref_slice %arg5[%dma_start3A_734, %add3A_348, %dma_start3A_738] : memref<4x64x2048xf32, #tpu.memory_space<hbm>> -> memref<1x1x2048xf32, #tpu.memory_space<hbm>>
    %dma_start3A_740 = tpu.memref_squeeze %dma_start3A_739 : memref<1x1x2048xf32, #tpu.memory_space<hbm>> -> memref<2048xf32, #tpu.memory_space<hbm>>
    %dma_start3A_741 = arith.constant 0 : i32
    %dma_start3A_742 = tpu.memref_slice %arg5[%dma_start3A_734, %add3A_348, %dma_start3A_741] : memref<4x64x2048xf32, #tpu.memory_space<hbm>> -> memref<1x1x2048xf32, #tpu.memory_space<hbm>>
    %dma_start3A_743 = tpu.memref_squeeze %dma_start3A_742 : memref<1x1x2048xf32, #tpu.memory_space<hbm>> -> memref<2048xf32, #tpu.memory_space<hbm>>
    %dma_start3A_744 = arith.constant 0 : i32
    %dma_start3A_745 = tpu.memref_slice %arg9[%dma_start3A_733, %dma_start3A_744] : memref<4x2048xf32, #tpu.memory_space<vmem>> -> memref<1x2048xf32, #tpu.memory_space<vmem>>
    %dma_start3A_746 = tpu.memref_squeeze %dma_start3A_745 : memref<1x2048xf32, #tpu.memory_space<vmem>> -> memref<2048xf32, #tpu.memory_space<vmem>>
    tpu.enqueue_dma source(%dma_start3A_746 : memref<2048xf32, #tpu.memory_space<vmem>>) target(%dma_start3A_743 : memref<2048xf32, #tpu.memory_space<hbm>>) target_semaphore(%arg13 : memref<!tpu.dma_semaphore, #tpu.memory_space<semaphore_mem>>)
    %dma_start3A_747 = arith.constant 3 : i32
    %dma_start3A_748 = arith.constant 3 : i32
    %dma_start3A_749 = arith.constant 0 : i32
    %dma_start3A_750 = tpu.memref_slice %arg9[%dma_start3A_747, %dma_start3A_749] : memref<4x2048xf32, #tpu.memory_space<vmem>> -> memref<1x2048xf32, #tpu.memory_space<vmem>>
    %dma_start3A_751 = tpu.memref_squeeze %dma_start3A_750 : memref<1x2048xf32, #tpu.memory_space<vmem>> -> memref<2048xf32, #tpu.memory_space<vmem>>
    %dma_start3A_752 = arith.constant 0 : i32
    %dma_start3A_753 = tpu.memref_slice %arg5[%dma_start3A_748, %add3A_348, %dma_start3A_752] : memref<4x64x2048xf32, #tpu.memory_space<hbm>> -> memref<1x1x2048xf32, #tpu.memory_space<hbm>>
    %dma_start3A_754 = tpu.memref_squeeze %dma_start3A_753 : memref<1x1x2048xf32, #tpu.memory_space<hbm>> -> memref<2048xf32, #tpu.memory_space<hbm>>
    %dma_start3A_755 = arith.constant 0 : i32
    %dma_start3A_756 = tpu.memref_slice %arg5[%dma_start3A_748, %add3A_348, %dma_start3A_755] : memref<4x64x2048xf32, #tpu.memory_space<hbm>> -> memref<1x1x2048xf32, #tpu.memory_space<hbm>>
    %dma_start3A_757 = tpu.memref_squeeze %dma_start3A_756 : memref<1x1x2048xf32, #tpu.memory_space<hbm>> -> memref<2048xf32, #tpu.memory_space<hbm>>
    %dma_start3A_758 = arith.constant 0 : i32
    %dma_start3A_759 = tpu.memref_slice %arg9[%dma_start3A_747, %dma_start3A_758] : memref<4x2048xf32, #tpu.memory_space<vmem>> -> memref<1x2048xf32, #tpu.memory_space<vmem>>
    %dma_start3A_760 = tpu.memref_squeeze %dma_start3A_759 : memref<1x2048xf32, #tpu.memory_space<vmem>> -> memref<2048xf32, #tpu.memory_space<vmem>>
    tpu.enqueue_dma source(%dma_start3A_760 : memref<2048xf32, #tpu.memory_space<vmem>>) target(%dma_start3A_757 : memref<2048xf32, #tpu.memory_space<hbm>>) target_semaphore(%arg13 : memref<!tpu.dma_semaphore, #tpu.memory_space<semaphore_mem>>)
    %dma_wait3A_761 = arith.constant 0 : i32
    %dma_wait3A_762 = arith.constant 0 : i32
    %dma_wait3A_763 = arith.constant 0 : i32
    %dma_wait3A_764 = tpu.memref_slice %arg9[%dma_wait3A_761, %dma_wait3A_763] : memref<4x2048xf32, #tpu.memory_space<vmem>> -> memref<1x2048xf32, #tpu.memory_space<vmem>>
    %dma_wait3A_765 = tpu.memref_squeeze %dma_wait3A_764 : memref<1x2048xf32, #tpu.memory_space<vmem>> -> memref<2048xf32, #tpu.memory_space<vmem>>
    %dma_wait3A_766 = arith.constant 0 : i32
    %dma_wait3A_767 = tpu.memref_slice %arg5[%dma_wait3A_762, %add3A_348, %dma_wait3A_766] : memref<4x64x2048xf32, #tpu.memory_space<hbm>> -> memref<1x1x2048xf32, #tpu.memory_space<hbm>>
    %dma_wait3A_768 = tpu.memref_squeeze %dma_wait3A_767 : memref<1x1x2048xf32, #tpu.memory_space<hbm>> -> memref<2048xf32, #tpu.memory_space<hbm>>
    %dma_wait3A_769 = arith.constant 0 : i32
    %dma_wait3A_770 = tpu.memref_slice %arg5[%dma_wait3A_762, %add3A_348, %dma_wait3A_769] : memref<4x64x2048xf32, #tpu.memory_space<hbm>> -> memref<1x1x2048xf32, #tpu.memory_space<hbm>>
    %dma_wait3A_771 = tpu.memref_squeeze %dma_wait3A_770 : memref<1x1x2048xf32, #tpu.memory_space<hbm>> -> memref<2048xf32, #tpu.memory_space<hbm>>
    %dma_wait3A_772 = arith.constant 0 : i32
    %dma_wait3A_773 = tpu.memref_slice %arg9[%dma_wait3A_761, %dma_wait3A_772] : memref<4x2048xf32, #tpu.memory_space<vmem>> -> memref<1x2048xf32, #tpu.memory_space<vmem>>
    %dma_wait3A_774 = tpu.memref_squeeze %dma_wait3A_773 : memref<1x2048xf32, #tpu.memory_space<vmem>> -> memref<2048xf32, #tpu.memory_space<vmem>>
    tpu.wait_dma2 semaphore(%arg13 : memref<!tpu.dma_semaphore, #tpu.memory_space<semaphore_mem>>) src(%dma_wait3A_774 : memref<2048xf32, #tpu.memory_space<vmem>>) dst(%dma_wait3A_771 : memref<2048xf32, #tpu.memory_space<hbm>>)
    %dma_wait3A_775 = arith.constant 1 : i32
    %dma_wait3A_776 = arith.constant 1 : i32
    %dma_wait3A_777 = arith.constant 0 : i32
    %dma_wait3A_778 = tpu.memref_slice %arg9[%dma_wait3A_775, %dma_wait3A_777] : memref<4x2048xf32, #tpu.memory_space<vmem>> -> memref<1x2048xf32, #tpu.memory_space<vmem>>
    %dma_wait3A_779 = tpu.memref_squeeze %dma_wait3A_778 : memref<1x2048xf32, #tpu.memory_space<vmem>> -> memref<2048xf32, #tpu.memory_space<vmem>>
    %dma_wait3A_780 = arith.constant 0 : i32
    %dma_wait3A_781 = tpu.memref_slice %arg5[%dma_wait3A_776, %add3A_348, %dma_wait3A_780] : memref<4x64x2048xf32, #tpu.memory_space<hbm>> -> memref<1x1x2048xf32, #tpu.memory_space<hbm>>
    %dma_wait3A_782 = tpu.memref_squeeze %dma_wait3A_781 : memref<1x1x2048xf32, #tpu.memory_space<hbm>> -> memref<2048xf32, #tpu.memory_space<hbm>>
    %dma_wait3A_783 = arith.constant 0 : i32
    %dma_wait3A_784 = tpu.memref_slice %arg5[%dma_wait3A_776, %add3A_348, %dma_wait3A_783] : memref<4x64x2048xf32, #tpu.memory_space<hbm>> -> memref<1x1x2048xf32, #tpu.memory_space<hbm>>
    %dma_wait3A_785 = tpu.memref_squeeze %dma_wait3A_784 : memref<1x1x2048xf32, #tpu.memory_space<hbm>> -> memref<2048xf32, #tpu.memory_space<hbm>>
    %dma_wait3A_786 = arith.constant 0 : i32
    %dma_wait3A_787 = tpu.memref_slice %arg9[%dma_wait3A_775, %dma_wait3A_786] : memref<4x2048xf32, #tpu.memory_space<vmem>> -> memref<1x2048xf32, #tpu.memory_space<vmem>>
    %dma_wait3A_788 = tpu.memref_squeeze %dma_wait3A_787 : memref<1x2048xf32, #tpu.memory_space<vmem>> -> memref<2048xf32, #tpu.memory_space<vmem>>
    tpu.wait_dma2 semaphore(%arg13 : memref<!tpu.dma_semaphore, #tpu.memory_space<semaphore_mem>>) src(%dma_wait3A_788 : memref<2048xf32, #tpu.memory_space<vmem>>) dst(%dma_wait3A_785 : memref<2048xf32, #tpu.memory_space<hbm>>)
    %dma_wait3A_789 = arith.constant 2 : i32
    %dma_wait3A_790 = arith.constant 2 : i32
    %dma_wait3A_791 = arith.constant 0 : i32
    %dma_wait3A_792 = tpu.memref_slice %arg9[%dma_wait3A_789, %dma_wait3A_791] : memref<4x2048xf32, #tpu.memory_space<vmem>> -> memref<1x2048xf32, #tpu.memory_space<vmem>>
    %dma_wait3A_793 = tpu.memref_squeeze %dma_wait3A_792 : memref<1x2048xf32, #tpu.memory_space<vmem>> -> memref<2048xf32, #tpu.memory_space<vmem>>
    %dma_wait3A_794 = arith.constant 0 : i32
    %dma_wait3A_795 = tpu.memref_slice %arg5[%dma_wait3A_790, %add3A_348, %dma_wait3A_794] : memref<4x64x2048xf32, #tpu.memory_space<hbm>> -> memref<1x1x2048xf32, #tpu.memory_space<hbm>>
    %dma_wait3A_796 = tpu.memref_squeeze %dma_wait3A_795 : memref<1x1x2048xf32, #tpu.memory_space<hbm>> -> memref<2048xf32, #tpu.memory_space<hbm>>
    %dma_wait3A_797 = arith.constant 0 : i32
    %dma_wait3A_798 = tpu.memref_slice %arg5[%dma_wait3A_790, %add3A_348, %dma_wait3A_797] : memref<4x64x2048xf32, #tpu.memory_space<hbm>> -> memref<1x1x2048xf32, #tpu.memory_space<hbm>>
    %dma_wait3A_799 = tpu.memref_squeeze %dma_wait3A_798 : memref<1x1x2048xf32, #tpu.memory_space<hbm>> -> memref<2048xf32, #tpu.memory_space<hbm>>
    %dma_wait3A_800 = arith.constant 0 : i32
    %dma_wait3A_801 = tpu.memref_slice %arg9[%dma_wait3A_789, %dma_wait3A_800] : memref<4x2048xf32, #tpu.memory_space<vmem>> -> memref<1x2048xf32, #tpu.memory_space<vmem>>
    %dma_wait3A_802 = tpu.memref_squeeze %dma_wait3A_801 : memref<1x2048xf32, #tpu.memory_space<vmem>> -> memref<2048xf32, #tpu.memory_space<vmem>>
    tpu.wait_dma2 semaphore(%arg13 : memref<!tpu.dma_semaphore, #tpu.memory_space<semaphore_mem>>) src(%dma_wait3A_802 : memref<2048xf32, #tpu.memory_space<vmem>>) dst(%dma_wait3A_799 : memref<2048xf32, #tpu.memory_space<hbm>>)
    %dma_wait3A_803 = arith.constant 3 : i32
    %dma_wait3A_804 = arith.constant 3 : i32
    %dma_wait3A_805 = arith.constant 0 : i32
    %dma_wait3A_806 = tpu.memref_slice %arg9[%dma_wait3A_803, %dma_wait3A_805] : memref<4x2048xf32, #tpu.memory_space<vmem>> -> memref<1x2048xf32, #tpu.memory_space<vmem>>
    %dma_wait3A_807 = tpu.memref_squeeze %dma_wait3A_806 : memref<1x2048xf32, #tpu.memory_space<vmem>> -> memref<2048xf32, #tpu.memory_space<vmem>>
    %dma_wait3A_808 = arith.constant 0 : i32
    %dma_wait3A_809 = tpu.memref_slice %arg5[%dma_wait3A_804, %add3A_348, %dma_wait3A_808] : memref<4x64x2048xf32, #tpu.memory_space<hbm>> -> memref<1x1x2048xf32, #tpu.memory_space<hbm>>
    %dma_wait3A_810 = tpu.memref_squeeze %dma_wait3A_809 : memref<1x1x2048xf32, #tpu.memory_space<hbm>> -> memref<2048xf32, #tpu.memory_space<hbm>>
    %dma_wait3A_811 = arith.constant 0 : i32
    %dma_wait3A_812 = tpu.memref_slice %arg5[%dma_wait3A_804, %add3A_348, %dma_wait3A_811] : memref<4x64x2048xf32, #tpu.memory_space<hbm>> -> memref<1x1x2048xf32, #tpu.memory_space<hbm>>
    %dma_wait3A_813 = tpu.memref_squeeze %dma_wait3A_812 : memref<1x1x2048xf32, #tpu.memory_space<hbm>> -> memref<2048xf32, #tpu.memory_space<hbm>>
    %dma_wait3A_814 = arith.constant 0 : i32
    %dma_wait3A_815 = tpu.memref_slice %arg9[%dma_wait3A_803, %dma_wait3A_814] : memref<4x2048xf32, #tpu.memory_space<vmem>> -> memref<1x2048xf32, #tpu.memory_space<vmem>>
    %dma_wait3A_816 = tpu.memref_squeeze %dma_wait3A_815 : memref<1x2048xf32, #tpu.memory_space<vmem>> -> memref<2048xf32, #tpu.memory_space<vmem>>
    tpu.wait_dma2 semaphore(%arg13 : memref<!tpu.dma_semaphore, #tpu.memory_space<semaphore_mem>>) src(%dma_wait3A_816 : memref<2048xf32, #tpu.memory_space<vmem>>) dst(%dma_wait3A_813 : memref<2048xf32, #tpu.memory_space<hbm>>)
    return
  }
}

</mosaic_0001>

<sc_bundles>
// kernel: kernel.3.cloned.1.call-start
scs
__scs_entry_jumppad:
0x0: {  	(pc) =	sbr.rel $0x88, $3  }
0x1: {  	(tag) =	ssettag $0x0;
	lr =	simm.s32 $0x1  }
0x2: {  	[smem:$0x3F9E] =	sst lr;
	_ =	strace $0xD0000000  }
0x3: {  	_ = 	snop  }
0x4: {  	_ = 	snop  }
0x5: {  	_ = 	snop  }
0x6: {  	_ = 	snop  }
0x7: {  	_ = 	snop  }
__scs_overlays_trampoline_lowered:
0x8: {  	[smem:$0x3FAD] =	sst s0  }
0x9: {  	[smem:$0x3FAE] =	sst s1  }
0xa: {  	[smem:$0x3FAF] =	sst s2  }
0xb: {  	[smem:$0x3FB0] =	sst s3  }
0xc: {  	[smem:$0x3FB1] =	sst s4  }
0xd: {  	[smem:$0x3FB2] =	sst s5  }
0xe: {  	[smem:$0x3FB3] =	sst s6  }
0xf: {  	[smem:$0x3FB4] =	sst s7  }
0x10: {  	[smem:$0x3FB5] =	sst s8  }
0x11: {  	[smem:$0x3FB6] =	sst s9;
	s0 =	simm.s32 @!p0 $0x0  }
0x12: {  	s1 =	sld [smem:$0x3F9C];
	s0 =	simm.s32 @p0 $0x1  }
0x13: {  	[smem:$0x3FB7] =	sst s0;
	s0 =	simm.s32 @!p1 $0x0  }
0x14: {  	s2 =	sld [smem:$0x3F9B];
	s0 =	simm.s32 @p1 $0x1  }
0x15: {  	[smem:$0x3FB8] =	sst s0;
	s0 =	simm.s32 @!p2 $0x0  }
0x16: {  	s3 =	sld [smem:$0x3FDB];
	s0 =	simm.s32 @p2 $0x1  }
0x17: {  	s4 =	simm.s32 $0x1BF5;
	[smem:$0x3FBA] =	sst s0  }
0x18: {  	s0 =	sld [smem:$0x3F9D];
	_ =	swait.ge [sflag:s4], $0x0  }
0x19: {  	s7 =	sld [smem:$0x3F9E]  }
0x1a: {  	s8 =	sadd.s32 $0xFFFFE003, lr  }
0x1b: {  	s9 =	sadd.s32 $0xFFFFFEF7, lr;
	s5 =	simm.s32 $0xFFFFFFFF;
	p2 =	slt.u32 s8, $0xFFFFF086  }
0x1c: {  	p1 =	slt.u32 s9, $0xF7A;
	s5 =	simm.s32 @!p2 $0x0  }
0x1d: {  	s5 =	simm.s32 @p1 $0x1;
	p0 =	seq.s32 s7, s2  }
0x1e: {  	s7 =	smul.u32 @!p0 $0xF7A, s2;
	p2 =	seq.s32 @!p0 s5, $0x0  }
0x1f: {  	s9 =	smul.u32 $0xF7A, s1;
	s8 =	simm.s32 @!p0 $0x1BF5;
	p2 =	por !p2, p0  }
0x20: {  	[sflag:s8] =	ssyncset.s32 @!p0 $0xFFFFF086;
	s6 =	sadd.s32 @!p0 s3, s7;
	s7 =	simm.s32 @!p0 $0x108  }
0x21: {  	s3 =	sadd.s32 s3, s9;
	s6 =	sadd.s32 @!p0 $0x88, s6;
	s7 =	simm.s32 @p2 $0x1082  }
0x22: {  	[simem:s7], [sflag:s8] =	dma.local @!p0 [hbm:s6], $0xF7A  }
0x23: {  	s9 =	sor.u32 $0xD0000000, s2;
	s6 =	simm.s32 $0x108;
	_ =	swait.ge @!p0 [sflag:s8], $0x0  }
0x24: {  	s3 =	sadd.s32 $0x88, s3;
	s6 =	simm.s32 @!p1 $0x1082;
	[sflag:s4] =	ssyncset.s32 $0xFFFFF086  }
0x25: {  	[simem:s6], [sflag:s4] =	dma.local [hbm:s3], $0xF7A  }
0x26: {  	[smem:$0x3F9E] =	sst s1;
	(tag) =	ssettag s2;
	_ =	strace s9  }
0x27: {  	s1 =	sld [smem:$0x3FAE]  }
0x28: {  	s2 =	sld [smem:$0x3FAF]  }
0x29: {  	s4 =	sld [smem:$0x3FB1]  }
0x2a: {  	p0 =	seq.s32 s5, $0x0;
	s5 =	sld [smem:$0x3FB2]  }
0x2b: {  	s6 =	sld [smem:$0x3FB3]  }
0x2c: {  	s7 =	sld [smem:$0x3FB4]  }
0x2d: {  	s3 =	simm.s32 $0x108;
	s8 =	sld [smem:$0x3FB5]  }
0x2e: {  	s3 =	simm.s32 @!p0 $0x1082;
	s9 =	sld [smem:$0x3FB6]  }
0x2f: {  	lr =	sadd.s32 s0, s3;
	s0 =	sld [smem:$0x3FAD]  }
0x30: {  	s3 =	sld [smem:$0x3FB0]  }
0x31: {  	[smem:$0x3FB9] =	sst s10  }
0x32: {  	s10 =	sld [smem:$0x3FB7];
	_ =	sdelay $0x3  }
0x33: {  	p0 =	seq.s32 s10, $0x1;
	s10 =	sld [smem:$0x3FB9];
	_ =	sdelay $0x3  }
0x34: {  	[smem:$0x3FB9] =	sst s10  }
0x35: {  	s10 =	sld [smem:$0x3FB8];
	_ =	sdelay $0x3  }
0x36: {  	p1 =	seq.s32 s10, $0x1;
	s10 =	sld [smem:$0x3FB9];
	_ =	sdelay $0x3  }
0x37: {  	[smem:$0x3FB9] =	sst s10  }
0x38: {  	s10 =	sld [smem:$0x3FBA]  }
0x39: {  	_ = 	snop;
	(pc) =	sbr.ind lr, $3  }
0x3a: {  	_ = 	snop  }
0x3b: {  	_ = 	snop  }
0x3c: {  	p2 =	seq.s32 s10, $0x1;
	s10 =	sld [smem:$0x3FB9]  }
0x3d: {  	_ =	shalt  }
0x3e: {  	_ =	shalt  }
0x3f: {  	_ =	shalt  }
0x40: {  	_ =	shalt  }
0x41: {  	_ =	shalt  }
0x42: {  	_ =	shalt  }
0x43: {  	_ =	shalt  }
0x44: {  	_ =	shalt  }
0x45: {  	_ =	shalt  }
0x46: {  	_ =	shalt  }
0x47: {  	_ =	shalt  }
0x48: {  	_ =	shalt  }
0x49: {  	_ =	shalt  }
0x4a: {  	_ =	shalt  }
0x4b: {  	_ =	shalt  }
0x4c: {  	_ =	shalt  }
0x4d: {  	_ =	shalt  }
0x4e: {  	_ =	shalt  }
0x4f: {  	_ =	shalt  }
0x50: {  	_ =	shalt  }
0x51: {  	_ =	shalt  }
0x52: {  	_ =	shalt  }
0x53: {  	_ =	shalt  }
0x54: {  	_ =	shalt  }
0x55: {  	_ =	shalt  }
0x56: {  	_ =	shalt  }
0x57: {  	_ =	shalt  }
0x58: {  	_ =	shalt  }
0x59: {  	_ =	shalt  }
0x5a: {  	_ =	shalt  }
0x5b: {  	_ =	shalt  }
0x5c: {  	_ =	shalt  }
0x5d: {  	_ =	shalt  }
0x5e: {  	_ =	shalt  }
0x5f: {  	_ =	shalt  }
0x60: {  	_ =	shalt  }
0x61: {  	_ =	shalt  }
0x62: {  	_ =	shalt  }
0x63: {  	_ =	shalt  }
0x64: {  	_ =	shalt  }
0x65: {  	_ =	shalt  }
0x66: {  	_ =	shalt  }
0x67: {  	_ =	shalt  }
0x68: {  	_ =	shalt  }
0x69: {  	_ =	shalt  }
0x6a: {  	_ =	shalt  }
0x6b: {  	_ =	shalt  }
0x6c: {  	_ =	shalt  }
0x6d: {  	_ =	shalt  }
0x6e: {  	_ =	shalt  }
0x6f: {  	_ =	shalt  }
0x70: {  	_ =	shalt  }
0x71: {  	_ =	shalt  }
0x72: {  	_ =	shalt  }
0x73: {  	_ =	shalt  }
0x74: {  	_ =	shalt  }
0x75: {  	_ =	shalt  }
0x76: {  	_ =	shalt  }
0x77: {  	_ =	shalt  }
0x78: {  	_ =	shalt  }
0x79: {  	_ =	shalt  }
0x7a: {  	_ =	shalt  }
0x7b: {  	_ =	shalt  }
0x7c: {  	_ =	shalt  }
0x7d: {  	_ =	shalt  }
0x7e: {  	_ =	shalt  }
0x7f: {  	_ =	shalt  }
0x80: {  	_ =	shalt  }
0x81: {  	_ =	shalt  }
0x82: {  	_ =	shalt  }
0x83: {  	_ =	shalt  }
0x84: {  	_ =	shalt  }
0x85: {  	_ =	shalt  }
0x86: {  	_ =	shalt  }
0x87: {  	_ =	shalt  }
.Lfunc_end0:
.L_simem_size_0:
called_computation_lowered:
.L_overlay_start_0:
0x88: {  	s2 =	sld [smem:$0x3FD9]  }
0x89: {  	s3 =	sld [smem:$0x3FFE];
	_ =	sdelay $0x1  }
0x8a: {  	s1 =	srdreg.scid  }
0x8b: {  	s0 =	sand.u32 $0x1, s1  }
0x8c: {  	s18 =	sshll.u32 s0, $0xA;
	s2 =	sadd.s32 s3, s2  }
0x8d: {  	s2 =	sadd.s32 s2, s18  }
0x8e: {  	[smem:$0x3FC5] =	sst s2  }
0x8f: {  	_ = 	snop  }
0x90: {  	s2 =	sld [smem:$0x3FC9]  }
0x91: {  	s19 =	sld [smem:$0x3FC8]  }
0x92: {  	s4 =	sld [smem:$0x3FC7]  }
0x93: {  	s5 =	sld [smem:$0x3FD0];
	(tm) =	ssettm $0x1  }
0x94: {  	s6 =	sld [smem:$0x3FFB];
	_ =	sdelay $0x3  }
0x95: {  	_ =	strace s6  }
0x96: {  	s6 =	sld [smem:$0x3FFC];
	_ =	sdelay $0x3  }
0x97: {  	_ =	strace s6  }
0x98: {  	s6 =	sld [smem:$0x3FFD];
	_ =	sdelay $0x3  }
0x99: {  	_ =	strace s6  }
0x9a: {  	_ =	strace $0x8FFFFFFF  }
0x9b: {  	s20 =	sld [smem:$0x3FDB];
	_ =	sdelay $0x1  }
0x9c: {  	s7 =	simm.s32 $_scs_section_size  }
0x9d: {  	s8 =	simm.s32 $_size__tile_overlayer_lowered;
	s9 =	simm.s32 $_tile_overlayer_lowered  }
0x9e: {  	s23 =	simm.s32 $0x1BFF;
	s22 =	sshll.u32 s9, $0x1;
	s6 =	sadd.s32 s7, s20  }
0x9f: {  	s10 =	simm.s32 $0x0;
	s21 =	sshll.u32 s8, $0x1;
	s8 =	sadd.s32 s22, s6  }
0xa0: {  	[timem:s10], [sflag:s23] =	dma.local [hbm:s8], s21  }
0xa1: {  	_ =	swait.ge [sflag:s23], s21  }
0xa2: {  	s7 =	ssub.s32 $0x0, s21;
	[sflag:s23] =	ssyncset.done $0x0  }
0xa3: {  	[sflag:s23] =	ssyncadd.s32 s7;
	_ =	sdelay $0x1  }
0xa4: {  	s24 =	simm.s32 $0x1B8B  }
0xa5: {  	_ =	swait.ge [sflag:s24], $0x1  }
0xa6: {  	[sflag:s24] =	ssyncset.done $0x0  }
0xa7: {  	s25 =	simm.s32 $0x1B8E;
	[sflag:s24] =	ssyncadd.s32 $0xFFFFFFFF  }
0xa8: {  	s26 =	simm.s32 $execute0_lowered;
	[smem:$0x3FD2] =	sst s25  }
0xa9: {  	s7 =	sshll.u32 s26, $0x1;
	_ =	strace $0x80000046;
	[dreg:$0x1] =	wrdreg $0xFFFFFFFF  }
0xaa: {  	s28 =	simm.s32 $_size_execute0_lowered;
	s6 =	sadd.s32 s6, s7;
	[dreg:$0x0] =	wrdreg $0x0  }
0xab: {  	s7 =	sshll.u32 s28, $0x1;
	[dreg:$0x2] =	wrdreg s6  }
0xac: {  	[dreg:$0x3] =	wrdreg s7  }
0xad: {  	[dreg:$0x4] =	wrdreg $0xC0  }
0xae: {  	_ =	task [dreg:s10], $0x5FFFF  }
0xaf: {  	[dreg:$0x1] =	wrdreg $0xFFFFFFFF  }
0xb0: {  	[dreg:$0x0] =	wrdreg $0x60  }
0xb1: {  	[dreg:$0x2] =	wrdreg s2  }
0xb2: {  	[dreg:$0x3] =	wrdreg s19  }
0xb3: {  	[dreg:$0x4] =	wrdreg s4  }
0xb4: {  	[dreg:$0x5] =	wrdreg s5  }
0xb5: {  	[dreg:$0x6] =	wrdreg $0x9  }
0xb6: {  	_ =	task.clear_ibuf [dreg:s10], $0x7FFFF;
	_ =	strace $0x90000046  }
0xb7: {  	s29 =	simm.s32 $0x9;
	_ =	strace $0x80000048  }
0xb8: {  	_ =	swait.ge [sflag:s29], $0x1  }
0xb9: {  	[sflag:s29] =	ssyncadd.s32 $0xFFFFFFFF  }
0xba: {  	_ =	strace $0x90000048  }
0xbb: {  	_ =	sfence  }
0xbc: {  	s30 =	sld [smem:$0x0];
	_ =	sdelay $0x2  }
0xbd: {  	s31 =	sshll.u32 s1, $0xD;
	s1 =	sshrl.u32 s1, $0x2  }
0xbe: {  	s3 =	sand.u32 $0x4000, s31;
	s1 =	sadd.s32 s1, s30  }
0xbf: {  	s0 =	sor.u32 s3, s0;
	s1 =	sshll.u32 s1, $0x11  }
0xc0: {  	s0 =	sor.u32 s1, s0  }
0xc1: {  	s0 =	sadd.s32 $0x8F2B, s0  }
0xc2: {  	[sflag:s0] =	ssyncadd.remote.s32 $0x1  }
0xc3: {  	_ =	sfence.sel $0xFFFF  }
0xc4: {  	[dreg:$0x0] =	wrdreg $0xFFFFFFFF;
	(pc) =	sbr.abs _section_cstart, $3  }
0xc5: {  	[dreg:$0x1] =	wrdreg $0xFFFFFFFF  }
0xc6: {  	_ =	task.clear_ibuf [dreg:s10], $0x2FFFF;
	_ =	strace $0x9FFFFFFF  }
0xc7: {  	(tm) =	ssettm $0x7FFFFFFF  }
tec
execute0_lowered:
.L_overlay_start_1:
0x0: {  	(tag) =	ssettag $0x1  }
0x1: {  	s0 =	rddreg [dreg:$0x1]  }
0x2: {  	s1 =	rddreg [dreg:$0x2]  }
0x3: {  	s2 =	rddreg [dreg:$0x3];
	s3 =	srdreg.scid  }
0x4: {  	s4 =	stileid.u32;
	s28 =	simm.s32 $0x80;
	s29 =	simm.s32 $0x400  }
0x5: {  	s30 =	simm.s32 $0x2000;
	s31 =	simm.s32 $0x2;
	s5 =	sand.u32 $0x1, s3  }
0x6: {  	s17 =	sshll.u32 s4, $0x9;
	s6 =	sshrl.u32 s4, $0x1;
	s4 =	simm.s32 $0x0  }
0x7: {  	s18 =	sshll.u32 s5, $0x8;
	s3 =	sand.u32 $0x200, s17;
	s7 =	smul.u32 $0xC3800, s6  }
0x8: {  	s5 =	ssub.s32 $0x2, s5;
	[smem:$0x7FF] =	sst s4;
	s6 =	sshll.u32 s6, $0xE  }
0x9: {  	s3 =	sor.u32 s18, s3;
	s9 =	sshrl.u32 s5, $0x1;
	_ =	strace $0x80000047  }
0xa: {  	s11 =	sor.u32 $0x20000, s6;
	s24 =	sor.u32 $0x40000, s6;
	s18 =	sor.u32 $0x60000, s6  }
0xb: {  	s8 =	sor.u32 s7, s3;
	s9 =	ssub.s32 s5, s9;
	s23 =	sshrl.u32 s7, $0x3  }
0xc: {  	s10 =	sor.u32 s6, s3;
	s12 =	sor.u32 s11, s3;
	s16 =	sor.u32 s24, s3  }
0xd: {  	s25 =	sor.u32 s18, s3;
	s8 =	sshrl.u32 s8, $0x3;
	s10 =	sshrl.u32 s10, $0x3  }
0xe: {  	s14 =	sshrl.u32 s12, $0x3;
	s12 =	sor.u32 $0x80, s3;
	s26 =	sshrl.u32 s16, $0x3  }
0xf: {  	s5 =	sadd.s32 s0, s8;
	s13 =	sadd.s32 s1, s10;
	s14 =	sadd.s32 s2, s14  }
0x10: {  	s7 =	sor.u32 s7, s12;
	s6 =	sor.u32 s6, s12;
	s16 =	sadd.s32 s2, s26  }
0x11: {  	s8 =	sadd.s32 $0x3080, s5;
	s19 =	sadd.s32 $0x6100, s5;
	[dreg:$0xa] =	wrdreg s13  }
0x12: {  	s20 =	sadd.s32 $0x9180, s5;
	s21 =	sadd.s32 $0xC200, s5;
	[dreg:$0x5] =	wrdreg s8  }
0x13: {  	s22 =	sadd.s32 $0xF280, s5;
	s13 =	sadd.s32 s2, s10;
	[dreg:$0x6] =	wrdreg s19  }
0x14: {  	s7 =	sshrl.u32 s7, $0x3;
	s6 =	sshrl.u32 s6, $0x3;
	[dreg:$0x7] =	wrdreg s20  }
0x15: {  	s26 =	sadd.s32 $0x15380, s5;
	s10 =	simm.s32 $0x1CE80;
	[dreg:$0x8] =	wrdreg s21  }
0x16: {  	[dreg:$0x9] =	wrdreg s22;
	s8 =	sadd.s32 s0, s23;
	s15 =	sadd.s32 s0, s7  }
0x17: {  	s0 =	sshrl.u32 s25, $0x3;
	s1 =	sadd.s32 s1, s6;
	s19 =	sadd.s32 s2, s6  }
0x18: {  	s7 =	sor.u32 s11, s12;
	s11 =	sor.u32 s24, s12;
	s21 =	sor.u32 s18, s12  }
0x19: {  	s24 =	sadd.s32 $0x12300, s5;
	s25 =	smax.u32 s9, $0x1;
	[dreg:$0xe] =	wrdreg s26  }
0x1a: {  	s9 =	simm.s32 $0x1CA80;
	s26 =	simm.s32 $0x1CC80;
	s6 =	simm.s32 $0x0  }
0x1b: {  	s17 =	sadd.s32 s2, s0;
	[dreg:$0xb] =	wrdreg s1;
	s0 =	sshrl.u32 s7, $0x3  }
0x1c: {  	s22 =	sshrl.u32 s11, $0x3;
	s23 =	sshrl.u32 s21, $0x3;
	[dreg:$0xc] =	wrdreg s24  }
0x1d: {  	s24 =	sadd.s32 $0x18680, s8;
	[dreg:$0xd] =	wrdreg s25;
	s11 =	simm.s32 $0x4  }
0x1e: {  	s1 =	simm.s32 $0x3;
	s20 =	sadd.s32 s2, s0;
	s21 =	sadd.s32 s2, s22  }
0x1f: {  	s22 =	sadd.s32 s2, s23;
	s2 =	simm.s32 $0x1;
	s0 =	simm.s32 $0x1B000  }
.LBB2_1:
0x20: {  	[tilespmem:s30], [sflag:$0x1] =	stream.strided.gather [hbm4b:s5+s28], $0x3080, s29, s28, $0x38;
	[tilespmem:$0x1D300] =	vst v63  }
0x21: {  	s7 =	rddreg [dreg:$0x5];
	s8 =	simm.s32 $0x5080  }
0x22: {  	[tilespmem:s8], [sflag:$0x1] =	stream.strided.gather [hbm4b:s7+s28], $0x3080, s29, s28, $0x38;
	[tilespmem:$0x1D300] =	vst v63  }
0x23: {  	s18 =	simm.s32 $0x8100;
	s8 =	rddreg [dreg:$0x6]  }
0x24: {  	[tilespmem:s18], [sflag:$0x1] =	stream.strided.gather [hbm4b:s8+s28], $0x3080, s29, s28, $0x38;
	[tilespmem:$0x1D300] =	vst v63  }
0x25: {  	s23 =	rddreg [dreg:$0x7];
	s25 =	simm.s32 $0xB180  }
0x26: {  	[tilespmem:s25], [sflag:$0x1] =	stream.strided.gather [hbm4b:s23+s28], $0x3080, s29, s28, $0x38;
	[tilespmem:$0x1D300] =	vst v63  }
0x27: {  	s8 =	rddreg [dreg:$0x8];
	s18 =	simm.s32 $0xE200  }
0x28: {  	[tilespmem:s18], [sflag:$0x1] =	stream.strided.gather [hbm4b:s8+s28], $0x3080, s29, s28, $0x38;
	[tilespmem:$0x1D300] =	vst v63  }
0x29: {  	s23 =	rddreg [dreg:$0x9];
	s25 =	simm.s32 $0x11280  }
0x2a: {  	[tilespmem:s25], [sflag:$0x1] =	stream.strided.gather [hbm4b:s23+s28], $0x3080, s29, s28, $0x38;
	[tilespmem:$0x1D300] =	vst v63  }
0x2b: {  	s8 =	rddreg [dreg:$0xc];
	s18 =	simm.s32 $0x14300  }
0x2c: {  	[tilespmem:s18], [sflag:$0x1] =	stream.strided.gather [hbm4b:s8+s28], $0x3080, s29, s28, $0x38;
	[tilespmem:$0x1D300] =	vst v63  }
0x2d: {  	s23 =	rddreg [dreg:$0xe];
	s25 =	simm.s32 $0x17380  }
0x2e: {  	[tilespmem:s25], [sflag:$0x1] =	stream.strided.gather [hbm4b:s23+s28], $0x3300, s29, s28, $0x38;
	[tilespmem:$0x1D300] =	vst v63  }
0x2f: {  	s18 =	simm.s32 $0x1CF00  }
0x30: {  	[tilespmem:s18], [sflag:$0x1] =	stream.linear.gather [hbm4b:s24+s4], $0x400, $0x38;
	[tilespmem:$0x1D300] =	vst v63  }
0x31: {  	s23 =	rddreg [dreg:$0xa];
	s25 =	simm.s32 $0x1A700  }
0x32: {  	[tilespmem:s25], [sflag:$0x2] =	stream.strided.gather [hbm4b:s23+s28], $0x800, s29, s28, $0x38;
	[tilespmem:$0x1D300] =	vst v63  }
0x33: {  	s8 =	rddreg [dreg:$0x0]  }
0x34: {  	[tilespmem:s4], [sflag:$0x4] =	stream.linear.gather [hbm4b:s8+s4], $0x2000, $0x38;
	[tilespmem:$0x1D300] =	vst v63  }
0x35: {  	_ =	swait.ge [sflag:s11], $0x2000  }
0x36: {  	[sflag:s11] =	ssyncset.done $0x0  }
0x37: {  	[sflag:s11] =	ssyncadd.s32 $0xFFFFE000  }
0x38: {  	_ =	swait.ge [sflag:s31], $0x800  }
0x39: {  	[sflag:s31] =	ssyncset.done $0x0  }
0x3a: {  	[sflag:s31] =	ssyncadd.s32 $0xFFFFF800  }
0x3b: {  	_ =	swait.ge [sflag:s2], $0x3080  }
0x3c: {  	[sflag:s2] =	ssyncset.done $0x0  }
0x3d: {  	[sflag:s2] =	ssyncadd.s32 $0xFFFFCF80  }
0x3e: {  	_ =	swait.ge [sflag:s2], $0x3080  }
0x3f: {  	[sflag:s2] =	ssyncset.done $0x0  }
0x40: {  	[sflag:s2] =	ssyncadd.s32 $0xFFFFCF80  }
0x41: {  	_ =	swait.ge [sflag:s2], $0x3080  }
0x42: {  	[sflag:s2] =	ssyncset.done $0x0  }
0x43: {  	[sflag:s2] =	ssyncadd.s32 $0xFFFFCF80  }
0x44: {  	_ =	swait.ge [sflag:s2], $0x3080  }
0x45: {  	[sflag:s2] =	ssyncset.done $0x0  }
0x46: {  	[sflag:s2] =	ssyncadd.s32 $0xFFFFCF80  }
0x47: {  	_ =	swait.ge [sflag:s2], $0x3080  }
0x48: {  	[sflag:s2] =	ssyncset.done $0x0  }
0x49: {  	[sflag:s2] =	ssyncadd.s32 $0xFFFFCF80  }
0x4a: {  	_ =	swait.ge [sflag:s2], $0x3080  }
0x4b: {  	[sflag:s2] =	ssyncset.done $0x0  }
0x4c: {  	[sflag:s2] =	ssyncadd.s32 $0xFFFFCF80  }
0x4d: {  	_ =	swait.ge [sflag:s2], $0x3080  }
0x4e: {  	[sflag:s2] =	ssyncset.done $0x0  }
0x4f: {  	[sflag:s2] =	ssyncadd.s32 $0xFFFFCF80  }
0x50: {  	_ =	swait.ge [sflag:s2], $0x3300  }
0x51: {  	[sflag:s2] =	ssyncset.done $0x0  }
0x52: {  	[sflag:s2] =	ssyncadd.s32 $0xFFFFCD00  }
0x53: {  	_ =	swait.ge [sflag:s2], $0x400  }
0x54: {  	[sflag:s2] =	ssyncset.done $0x0  }
0x55: {  	[sflag:s2] =	ssyncadd.s32 $0xFFFFFC00  }
0x56: {  	v0 =	vld [tilespmem:s3+$0x1CF00];
	_ =	sdelay $0x4  }
0x57: {  	[tilespmem:$0x1A680] =	vst v0  }
0x58: {  	v0 =	vld [tilespmem:s3+$0x1CF10];
	_ =	sdelay $0x4  }
0x59: {  	s18 =	simm.s32 $0x100;
	[tilespmem:$0x1A690] =	vst v0  }
0x5a: {  	v0 =	vld [tilespmem:s18+$0xFFFFFF70]  }
0x5b: {  	v1 =	vld [tilespmem:s18+$0xFFFFFF00]  }
0x5c: {  	v2 =	vld [tilespmem:s18+$0xFFFFFF10]  }
0x5d: {  	v3 =	vld [tilespmem:s18+$0xFFFFFF20]  }
0x5e: {  	v4 =	vld [tilespmem:s18+$0xFFFFFF30]  }
0x5f: {  	v5 =	vld [tilespmem:s18+$0xFFFFFF40]  }
0x60: {  	v6 =	vld [tilespmem:s18+$0xFFFFFF50]  }
0x61: {  	s23 =	simm.s32 $0x1A740;
	v7 =	vld [tilespmem:s18+$0xFFFFFF60]  }
0x62: {  	v12 =	vld [tilespmem:s23+$0x30]  }
0x63: {  	v14 =	vld [tilespmem:s23+$0xFFFFFFD0]  }
0x64: {  	v13 =	vld [tilespmem:s23+$0xFFFFFFE0]  }
0x65: {  	v8 =	vld [tilespmem:s23+$0xFFFFFFF0]  }
0x66: {  	v10 =	vld [tilespmem:s23+$0x0]  }
0x67: {  	v9 =	vld [tilespmem:s23+$0x10]  }
0x68: {  	s25 =	simm.s32 $0x300;
	v11 =	vld [tilespmem:s23+$0xFFFFFFC0]  }
0x69: {  	v23 =	vld [tilespmem:s25+$0xFFFFFF60]  }
0x6a: {  	v0 =	vld.idx.msk [tilespmem:v0+s30+$0x0], $0xffff  }
0x6b: {  	v1 =	vld.idx.msk [tilespmem:v1+s30+$0x0], $0xffff  }
0x6c: {  	v2 =	vld.idx.msk [tilespmem:v2+s30+$0x0], $0xffff  }
0x6d: {  	v3 =	vld.idx.msk [tilespmem:v3+s30+$0x0], $0xffff  }
0x6e: {  	v4 =	vld.idx.msk [tilespmem:v4+s30+$0x0], $0xffff  }
0x6f: {  	v5 =	vld.idx.msk [tilespmem:v5+s30+$0x0], $0xffff  }
0x70: {  	v6 =	vld.idx.msk [tilespmem:v6+s30+$0x0], $0xffff  }
0x71: {  	v7 =	vld.idx.msk [tilespmem:v7+s30+$0x0], $0xffff;
	v0 =	vadd.f32 v0, v12  }
0x72: {  	v23 =	vld.idx.msk [tilespmem:v23+s30+$0x0], $0xffff;
	v2 =	vadd.f32 v2, v14  }
0x73: {  	v3 =	vadd.f32 v3, v13;
	[tilespmem:s0+$0xFFFFFF70] =	vst v0;
	v0 =	vld [tilespmem:s23+$0x20]  }
0x74: {  	v1 =	vadd.f32 v1, v11;
	[tilespmem:s0+$0xFFFFFF10] =	vst v2;
	v15 =	vld [tilespmem:s18+$0xFFFFFFF0]  }
0x75: {  	v2 =	vadd.f32 v4, v8;
	[tilespmem:s0+$0xFFFFFF20] =	vst v3;
	v4 =	vld [tilespmem:s18+$0xFFFFFF90]  }
0x76: {  	v3 =	vadd.f32 v5, v10;
	[tilespmem:s0+$0xFFFFFF00] =	vst v1;
	v5 =	vld [tilespmem:s18+$0xFFFFFFA0]  }
0x77: {  	v1 =	vld [tilespmem:s18+$0xFFFFFF80];
	[tilespmem:s0+$0xFFFFFF30] =	vst v2;
	v2 =	vadd.f32 v6, v9  }
0x78: {  	[tilespmem:s0+$0xFFFFFF40] =	vst v3;
	v6 =	vld [tilespmem:s18+$0xFFFFFFB0];
	v3 =	vadd.f32 v7, v0  }
0x79: {  	[tilespmem:s0+$0xFFFFFF50] =	vst v2;
	v7 =	vld [tilespmem:s18+$0xFFFFFFC0]  }
0x7a: {  	v2 =	vld [tilespmem:s18+$0xFFFFFFD0];
	[tilespmem:s0+$0xFFFFFF60] =	vst v3  }
0x7b: {  	v3 =	vld [tilespmem:s18+$0xFFFFFFE0]  }
0x7c: {  	v15 =	vld.idx.msk [tilespmem:v15+s30+$0x0], $0xffff  }
0x7d: {  	v4 =	vld.idx.msk [tilespmem:v4+s30+$0x0], $0xffff  }
0x7e: {  	v5 =	vld.idx.msk [tilespmem:v5+s30+$0x0], $0xffff  }
0x7f: {  	v1 =	vld.idx.msk [tilespmem:v1+s30+$0x0], $0xffff  }
0x80: {  	v6 =	vld.idx.msk [tilespmem:v6+s30+$0x0], $0xffff  }
0x81: {  	v7 =	vld.idx.msk [tilespmem:v7+s30+$0x0], $0xffff;
	v15 =	vadd.f32 v15, v12  }
0x82: {  	s23 =	simm.s32 $0x1A7C0;
	v2 =	vld.idx.msk [tilespmem:v2+s30+$0x0], $0xffff;
	v4 =	vadd.f32 v4, v14  }
0x83: {  	v24 =	vld [tilespmem:s23+$0x30];
	v5 =	vadd.f32 v5, v13;
	[tilespmem:s0+$0xFFFFFFF0] =	vst v15  }
0x84: {  	v1 =	vadd.f32 v1, v11;
	v3 =	vld.idx.msk [tilespmem:v3+s30+$0x0], $0xffff;
	[tilespmem:s0+$0xFFFFFF90] =	vst v4  }
0x85: {  	v4 =	vadd.f32 v6, v8;
	[tilespmem:s0+$0xFFFFFFA0] =	vst v5;
	v15 =	vld [tilespmem:s18+$0x70]  }
0x86: {  	[tilespmem:s0+$0xFFFFFF80] =	vst v1;
	v6 =	vld [tilespmem:s18+$0x10];
	v5 =	vadd.f32 v7, v10  }
0x87: {  	v7 =	vld [tilespmem:s18+$0x20];
	[tilespmem:s0+$0xFFFFFFB0] =	vst v4;
	v2 =	vadd.f32 v2, v9  }
0x88: {  	v4 =	vld [tilespmem:s18+$0x30];
	[tilespmem:s0+$0xFFFFFFC0] =	vst v5  }
0x89: {  	[tilespmem:s0+$0xFFFFFFD0] =	vst v2;
	v5 =	vld [tilespmem:s18+$0x40];
	v2 =	vadd.f32 v3, v0  }
0x8a: {  	v3 =	vld [tilespmem:s18+$0x0]  }
0x8b: {  	v1 =	vld [tilespmem:s18+$0x50];
	[tilespmem:s0+$0xFFFFFFE0] =	vst v2  }
0x8c: {  	v2 =	vld [tilespmem:s18+$0x60]  }
0x8d: {  	v15 =	vld.idx.msk [tilespmem:v15+s30+$0x0], $0xffff  }
0x8e: {  	v6 =	vld.idx.msk [tilespmem:v6+s30+$0x0], $0xffff  }
0x8f: {  	v7 =	vld.idx.msk [tilespmem:v7+s30+$0x0], $0xffff  }
0x90: {  	v4 =	vld.idx.msk [tilespmem:v4+s30+$0x0], $0xffff  }
0x91: {  	v5 =	vld.idx.msk [tilespmem:v5+s30+$0x0], $0xffff  }
0x92: {  	v3 =	vld.idx.msk [tilespmem:v3+s30+$0x0], $0xffff;
	v15 =	vadd.f32 v15, v12  }
0x93: {  	v1 =	vld.idx.msk [tilespmem:v1+s30+$0x0], $0xffff;
	v6 =	vadd.f32 v6, v14  }
0x94: {  	v7 =	vadd.f32 v7, v13;
	[tilespmem:s0+$0x70] =	vst v15;
	v2 =	vld.idx.msk [tilespmem:v2+s30+$0x0], $0xffff  }
0x95: {  	[tilespmem:s0+$0x10] =	vst v6;
	v4 =	vadd.f32 v4, v8;
	v15 =	vld [tilespmem:s18+$0xF0]  }
0x96: {  	v6 =	vld [tilespmem:s18+$0x90];
	[tilespmem:s0+$0x20] =	vst v7  }
0x97: {  	v7 =	vld [tilespmem:s18+$0xA0];
	[tilespmem:s0+$0x30] =	vst v4;
	v3 =	vadd.f32 v3, v11  }
0x98: {  	v5 =	vadd.f32 v5, v10;
	v4 =	vld [tilespmem:s18+$0xB0]  }
0x99: {  	v1 =	vadd.f32 v1, v9;
	[tilespmem:s0+$0x0] =	vst v3;
	v3 =	vld [tilespmem:s25+$0xFFFFFF10]  }
0x9a: {  	[tilespmem:s0+$0x40] =	vst v5;
	v5 =	vld [tilespmem:s25+$0xFFFFFF30]  }
0x9b: {  	[tilespmem:s0+$0x50] =	vst v1;
	v17 =	vld [tilespmem:s18+$0xC0]  }
0x9c: {  	v18 =	vld [tilespmem:s18+$0xD0]  }
0x9d: {  	v1 =	vadd.f32 v2, v0;
	v19 =	vld [tilespmem:s18+$0x80]  }
0x9e: {  	v2 =	vld [tilespmem:s25+$0xFFFFFF00]  }
0x9f: {  	[tilespmem:s0+$0x60] =	vst v1;
	v1 =	vld [tilespmem:s25+$0xFFFFFF70]  }
0xa0: {  	v16 =	vld.idx.msk [tilespmem:v15+s30+$0x0], $0xffff  }
0xa1: {  	v15 =	vld [tilespmem:s18+$0xE0]  }
0xa2: {  	v20 =	vld.idx.msk [tilespmem:v6+s30+$0x0], $0xffff  }
0xa3: {  	v6 =	vld [tilespmem:s25+$0xFFFFFF40]  }
0xa4: {  	v21 =	vld.idx.msk [tilespmem:v7+s30+$0x0], $0xffff  }
0xa5: {  	v7 =	vld [tilespmem:s25+$0xFFFFFF50]  }
0xa6: {  	v22 =	vld.idx.msk [tilespmem:v4+s30+$0x0], $0xffff  }
0xa7: {  	v4 =	vld [tilespmem:s25+$0xFFFFFF20]  }
0xa8: {  	v3 =	vld.idx.msk [tilespmem:v3+s30+$0x0], $0xffff  }
0xa9: {  	v27 =	vld.idx.msk [tilespmem:v5+s30+$0x0], $0xffff  }
0xaa: {  	v5 =	vld [tilespmem:s23+$0xFFFFFFE0]  }
0xab: {  	v25 =	vld.idx.msk [tilespmem:v2+s30+$0x0], $0xffff  }
0xac: {  	v2 =	vld [tilespmem:s23+$0x0]  }
0xad: {  	v19 =	vld.idx.msk [tilespmem:v19+s30+$0x0], $0xffff  }
0xae: {  	v1 =	vld.idx.msk [tilespmem:v1+s30+$0x0], $0xffff  }
0xaf: {  	v17 =	vld.idx.msk [tilespmem:v17+s30+$0x0], $0xffff  }
0xb0: {  	v18 =	vld.idx.msk [tilespmem:v18+s30+$0x0], $0xffff  }
0xb1: {  	v28 =	vld.idx.msk [tilespmem:v6+s30+$0x0], $0xffff  }
0xb2: {  	v6 =	vld [tilespmem:s23+$0xFFFFFFD0]  }
0xb3: {  	v26 =	vld.idx.msk [tilespmem:v4+s30+$0x0], $0xffff;
	v1 =	vadd.f32 v1, v24  }
0xb4: {  	s18 =	simm.s32 $0x1B200;
	v4 =	vld [tilespmem:s23+$0xFFFFFFF0]  }
0xb5: {  	v29 =	vld.idx.msk [tilespmem:v7+s30+$0x0], $0xffff;
	[tilespmem:s18+$0xFFFFFF70] =	vst v1  }
0xb6: {  	v30 =	vld [tilespmem:s25+$0xFFFFFFF0]  }
0xb7: {  	v1 =	vld [tilespmem:s23+$0x10];
	v31 =	vadd.f32 v3, v6  }
0xb8: {  	v3 =	vld [tilespmem:s23+$0xFFFFFFC0];
	v26 =	vadd.f32 v26, v5  }
0xb9: {  	v7 =	vld [tilespmem:s23+$0x20];
	[tilespmem:s18+$0xFFFFFF10] =	vst v31;
	v27 =	vadd.f32 v27, v4  }
0xba: {  	v50 =	vadd.f32 v28, v2;
	v31 =	vld [tilespmem:s25+$0xFFFFFF90];
	[tilespmem:s18+$0xFFFFFF20] =	vst v26  }
0xbb: {  	[tilespmem:s18+$0xFFFFFF30] =	vst v27;
	v51 =	vld [tilespmem:s25+$0xFFFFFFA0]  }
0xbc: {  	[tilespmem:s18+$0xFFFFFF40] =	vst v50;
	v52 =	vadd.f32 v29, v1;
	v53 =	vld [tilespmem:s25+$0xFFFFFFB0]  }
0xbd: {  	v26 =	vld [tilespmem:s25+$0xFFFFFFC0];
	v25 =	vadd.f32 v25, v3  }
0xbe: {  	v23 =	vadd.f32 v23, v7;
	[tilespmem:s18+$0xFFFFFF50] =	vst v52;
	v30 =	vld.idx.msk [tilespmem:v30+s30+$0x0], $0xffff  }
0xbf: {  	[tilespmem:s18+$0xFFFFFF00] =	vst v25;
	v27 =	vld [tilespmem:s25+$0xFFFFFFD0]  }
0xc0: {  	[tilespmem:s18+$0xFFFFFF60] =	vst v23;
	v55 =	vld [tilespmem:s25+$0xFFFFFF80]  }
0xc1: {  	v23 =	vld [tilespmem:s25+$0xFFFFFFE0]  }
0xc2: {  	v31 =	vld.idx.msk [tilespmem:v31+s30+$0x0], $0xffff  }
0xc3: {  	v28 =	vld.idx.msk [tilespmem:v51+s30+$0x0], $0xffff;
	v54 =	vadd.f32 v30, v24  }
0xc4: {  	v29 =	vld.idx.msk [tilespmem:v53+s30+$0x0], $0xffff  }
0xc5: {  	v26 =	vld.idx.msk [tilespmem:v26+s30+$0x0], $0xffff;
	[tilespmem:s18+$0xFFFFFFF0] =	vst v54  }
0xc6: {  	v25 =	vld [tilespmem:s25+$0x70]  }
0xc7: {  	v27 =	vld.idx.msk [tilespmem:v27+s30+$0x0], $0xffff;
	v31 =	vadd.f32 v31, v6  }
0xc8: {  	v30 =	vld.idx.msk [tilespmem:v55+s30+$0x0], $0xffff;
	v28 =	vadd.f32 v28, v5  }
0xc9: {  	v23 =	vld.idx.msk [tilespmem:v23+s30+$0x0], $0xffff;
	[tilespmem:s18+$0xFFFFFF90] =	vst v31;
	v29 =	vadd.f32 v29, v4  }
0xca: {  	v26 =	vadd.f32 v26, v2;
	v31 =	vld [tilespmem:s25+$0x10];
	[tilespmem:s18+$0xFFFFFFA0] =	vst v28  }
0xcb: {  	[tilespmem:s18+$0xFFFFFFB0] =	vst v29;
	v28 =	vld [tilespmem:s25+$0x20]  }
0xcc: {  	[tilespmem:s18+$0xFFFFFFC0] =	vst v26;
	v27 =	vadd.f32 v27, v1;
	v57 =	vld [tilespmem:s25+$0x30]  }
0xcd: {  	v26 =	vld [tilespmem:s25+$0x40];
	v56 =	vadd.f32 v30, v3  }
0xce: {  	v23 =	vadd.f32 v23, v7;
	[tilespmem:s18+$0xFFFFFFD0] =	vst v27;
	v25 =	vld.idx.msk [tilespmem:v25+s30+$0x0], $0xffff  }
0xcf: {  	[tilespmem:s18+$0xFFFFFF80] =	vst v56;
	v27 =	vld [tilespmem:s25+$0x50]  }
0xd0: {  	[tilespmem:s18+$0xFFFFFFE0] =	vst v23;
	v29 =	vld [tilespmem:s25+$0x0]  }
0xd1: {  	v23 =	vld [tilespmem:s25+$0x60]  }
0xd2: {  	v31 =	vld.idx.msk [tilespmem:v31+s30+$0x0], $0xffff  }
0xd3: {  	v28 =	vld.idx.msk [tilespmem:v28+s30+$0x0], $0xffff;
	v25 =	vadd.f32 v25, v24  }
0xd4: {  	v12 =	vadd.f32 v16, v12;
	v30 =	vld.idx.msk [tilespmem:v57+s30+$0x0], $0xffff  }
0xd5: {  	v14 =	vadd.f32 v20, v14;
	v16 =	vld.idx.msk [tilespmem:v26+s30+$0x0], $0xffff;
	[tilespmem:s18+$0x70] =	vst v25  }
0xd6: {  	[tilespmem:s0+$0xF0] =	vst v12;
	v12 =	vadd.f32 v21, v13;
	v25 =	vld [tilespmem:s25+$0xF0]  }
0xd7: {  	[tilespmem:s0+$0x90] =	vst v14;
	v58 =	vld.idx.msk [tilespmem:v27+s30+$0x0], $0xffff;
	v14 =	vadd.f32 v31, v6  }
0xd8: {  	[tilespmem:s0+$0xA0] =	vst v12;
	v13 =	vld.idx.msk [tilespmem:v29+s30+$0x0], $0xffff;
	v12 =	vadd.f32 v28, v5  }
0xd9: {  	v59 =	vld.idx.msk [tilespmem:v23+s30+$0x0], $0xffff;
	[tilespmem:s18+$0x10] =	vst v14;
	v14 =	vadd.f32 v30, v4  }
0xda: {  	v61 =	vld [tilespmem:s25+$0x90];
	[tilespmem:s18+$0x20] =	vst v12;
	v12 =	vadd.f32 v16, v2  }
0xdb: {  	[tilespmem:s18+$0x30] =	vst v14;
	v14 =	vld [tilespmem:s25+$0xA0]  }
0xdc: {  	v16 =	vadd.f32 v58, v1;
	v62 =	vld [tilespmem:s25+$0xB0];
	[tilespmem:s18+$0x40] =	vst v12  }
0xdd: {  	v13 =	vadd.f32 v13, v3;
	v12 =	vld [tilespmem:s25+$0xC0]  }
0xde: {  	[tilespmem:s18+$0x50] =	vst v16;
	v16 =	vadd.f32 v59, v7;
	v60 =	vld.idx.msk [tilespmem:v25+s30+$0x0], $0xffff  }
0xdf: {  	v63 =	vadd.f32 v22, v8;
	[tilespmem:s18+$0x0] =	vst v13;
	v8 =	vld [tilespmem:s25+$0xD0]  }
0xe0: {  	v11 =	vadd.f32 v19, v11;
	v13 =	vld [tilespmem:s25+$0x80];
	[tilespmem:s18+$0x60] =	vst v16  }
0xe1: {  	[tilespmem:s0+$0xB0] =	vst v63;
	v17 =	vadd.f32 v17, v10;
	v10 =	vld [tilespmem:s25+$0xE0]  }
0xe2: {  	v9 =	vadd.f32 v18, v9;
	[tilespmem:s0+$0x80] =	vst v11;
	v16 =	vld.idx.msk [tilespmem:v15+s30+$0x0], $0xffff  }
0xe3: {  	[tilespmem:s0+$0xC0] =	vst v17;
	v15 =	vld.idx.msk [tilespmem:v61+s30+$0x0], $0xffff;
	v11 =	vadd.f32 v60, v24  }
0xe4: {  	[tilespmem:s0+$0xD0] =	vst v9;
	v14 =	vld.idx.msk [tilespmem:v14+s30+$0x0], $0xffff  }
0xe5: {  	s7 =	simm.s32 $0x1B000;
	s8 =	simm.s32 $0x8;
	s25 =	simm.s32 $0x500;
	[tilespmem:s18+$0xF0] =	vst v11;
	v11 =	vld.idx.msk [tilespmem:v62+s30+$0x0], $0xffff  }
.LBB2_2:
0xe6: {  	v17 =	vld [tilespmem:s25+$0xFFFFFF70];
	s8 =	sadd.s32 $0x8, s8;
	v9 =	vmov v10  }
0xe7: {  	v18 =	vld [tilespmem:s25+$0xFFFFFF00];
	p0 =	slt.u32 s8, $0x78  }
0xe8: {  	v10 =	vadd.f32 v16, v0;
	v0 =	vmov v7;
	v19 =	vld [tilespmem:s25+$0xFFFFFF10]  }
0xe9: {  	v6 =	vadd.f32 v15, v6;
	v7 =	vld [tilespmem:s25+$0xFFFFFF20]  }
0xea: {  	v5 =	vadd.f32 v14, v5;
	v15 =	vld [tilespmem:s25+$0xFFFFFF30];
	[tilespmem:s7+$0xE0] =	vst v10;
	s7 =	smov.u32 s18  }
0xeb: {  	v4 =	vadd.f32 v11, v4;
	v14 =	vld [tilespmem:s25+$0xFFFFFF40];
	[tilespmem:s18+$0x90] =	vst v6  }
0xec: {  	v6 =	vld [tilespmem:s25+$0xFFFFFF50];
	[tilespmem:s18+$0xA0] =	vst v5  }
0xed: {  	v5 =	vld [tilespmem:s25+$0xFFFFFF60];
	[tilespmem:s18+$0xB0] =	vst v4  }
0xee: {  	s23 =	sadd.s32 $0x80, s23;
	v4 =	vld.idx.msk [tilespmem:v17+s30+$0x0], $0xffff  }
0xef: {  	v10 =	vld [tilespmem:s23+$0x30]  }
0xf0: {  	v16 =	vld.idx.msk [tilespmem:v18+s30+$0x0], $0xffff  }
0xf1: {  	v17 =	vld.idx.msk [tilespmem:v19+s30+$0x0], $0xffff  }
0xf2: {  	v18 =	vld.idx.msk [tilespmem:v7+s30+$0x0], $0xffff  }
0xf3: {  	v15 =	vld.idx.msk [tilespmem:v15+s30+$0x0], $0xffff  }
0xf4: {  	v14 =	vld.idx.msk [tilespmem:v14+s30+$0x0], $0xffff;
	v4 =	vadd.f32 v4, v10  }
0xf5: {  	s18 =	sadd.s32 $0x200, s18;
	v19 =	vld.idx.msk [tilespmem:v6+s30+$0x0], $0xffff  }
0xf6: {  	v20 =	vld.idx.msk [tilespmem:v5+s30+$0x0], $0xffff;
	[tilespmem:s18+$0xFFFFFF70] =	vst v4  }
0xf7: {  	v21 =	vld [tilespmem:s25+$0xFFFFFFF0]  }
0xf8: {  	v6 =	vld [tilespmem:s23+$0xFFFFFFD0]  }
0xf9: {  	v5 =	vld [tilespmem:s23+$0xFFFFFFE0]  }
0xfa: {  	v4 =	vld [tilespmem:s23+$0xFFFFFFF0]  }
0xfb: {  	v22 =	vld [tilespmem:s23+$0x0]  }
0xfc: {  	v11 =	vld [tilespmem:s23+$0x10]  }
0xfd: {  	v17 =	vadd.f32 v17, v6;
	v7 =	vld [tilespmem:s23+$0x20]  }
0xfe: {  	v23 =	vld [tilespmem:s23+$0xFFFFFFC0];
	v18 =	vadd.f32 v18, v5  }
0xff: {  	[tilespmem:s18+$0xFFFFFF10] =	vst v17;
	v15 =	vadd.f32 v15, v4;
	v17 =	vld.idx.msk [tilespmem:v21+s30+$0x0], $0xffff  }
0x100: {  	v21 =	vld [tilespmem:s25+$0xFFFFFF90];
	[tilespmem:s18+$0xFFFFFF20] =	vst v18;
	v14 =	vadd.f32 v14, v22  }
0x101: {  	v18 =	vld [tilespmem:s25+$0xFFFFFFA0];
	[tilespmem:s18+$0xFFFFFF30] =	vst v15;
	v15 =	vadd.f32 v19, v11  }
0x102: {  	v19 =	vld [tilespmem:s25+$0xFFFFFFB0];
	[tilespmem:s18+$0xFFFFFF40] =	vst v14;
	v14 =	vadd.f32 v20, v7  }
0x103: {  	v16 =	vadd.f32 v16, v23;
	v20 =	vld [tilespmem:s25+$0xFFFFFFC0];
	[tilespmem:s18+$0xFFFFFF50] =	vst v15  }
0x104: {  	v15 =	vld [tilespmem:s25+$0xFFFFFFD0];
	[tilespmem:s18+$0xFFFFFF60] =	vst v14  }
0x105: {  	[tilespmem:s18+$0xFFFFFF00] =	vst v16;
	v14 =	vld [tilespmem:s25+$0xFFFFFFE0];
	v16 =	vadd.f32 v17, v10  }
0x106: {  	v17 =	vld [tilespmem:s25+$0xFFFFFF80]  }
0x107: {  	[tilespmem:s18+$0xFFFFFFF0] =	vst v16;
	v13 =	vld.idx.msk [tilespmem:v13+s30+$0x0], $0xffff  }
0x108: {  	v16 =	vld [tilespmem:s25+$0x70]  }
0x109: {  	v21 =	vld.idx.msk [tilespmem:v21+s30+$0x0], $0xffff  }
0x10a: {  	v18 =	vld.idx.msk [tilespmem:v18+s30+$0x0], $0xffff  }
0x10b: {  	v19 =	vld.idx.msk [tilespmem:v19+s30+$0x0], $0xffff  }
0x10c: {  	v20 =	vld.idx.msk [tilespmem:v20+s30+$0x0], $0xffff  }
0x10d: {  	v13 =	vadd.f32 v13, v3;
	v3 =	vmov v23;
	v15 =	vld.idx.msk [tilespmem:v15+s30+$0x0], $0xffff  }
0x10e: {  	v17 =	vld.idx.msk [tilespmem:v17+s30+$0x0], $0xffff  }
0x10f: {  	v21 =	vadd.f32 v21, v6;
	v14 =	vld.idx.msk [tilespmem:v14+s30+$0x0], $0xffff;
	[tilespmem:s7+$0x80] =	vst v13  }
0x110: {  	v13 =	vadd.f32 v18, v5;
	v16 =	vld.idx.msk [tilespmem:v16+s30+$0x0], $0xffff  }
0x111: {  	v18 =	vadd.f32 v19, v4;
	[tilespmem:s18+$0xFFFFFF90] =	vst v21;
	v12 =	vld.idx.msk [tilespmem:v12+s30+$0x0], $0xffff  }
0x112: {  	v19 =	vld [tilespmem:s25+$0x10];
	[tilespmem:s18+$0xFFFFFFA0] =	vst v13;
	v13 =	vadd.f32 v20, v22  }
0x113: {  	v15 =	vadd.f32 v15, v11;
	v20 =	vld [tilespmem:s25+$0x20];
	[tilespmem:s18+$0xFFFFFFB0] =	vst v18  }
0x114: {  	v17 =	vadd.f32 v17, v3;
	v18 =	vld [tilespmem:s25+$0x30];
	[tilespmem:s18+$0xFFFFFFC0] =	vst v13  }
0x115: {  	v14 =	vadd.f32 v14, v7;
	v13 =	vld [tilespmem:s25+$0x40];
	[tilespmem:s18+$0xFFFFFFD0] =	vst v15  }
0x116: {  	v16 =	vadd.f32 v16, v10;
	[tilespmem:s18+$0xFFFFFF80] =	vst v17;
	v15 =	vld [tilespmem:s25+$0x50]  }
0x117: {  	v12 =	vadd.f32 v12, v2;
	v2 =	vmov v22;
	v17 =	vld [tilespmem:s25+$0x0];
	[tilespmem:s18+$0xFFFFFFE0] =	vst v14  }
0x118: {  	v14 =	vld [tilespmem:s25+$0x60];
	[tilespmem:s18+$0x70] =	vst v16  }
0x119: {  	v16 =	vld [tilespmem:s25+$0xF0];
	[tilespmem:s7+$0xC0] =	vst v12  }
0x11a: {  	v12 =	vld.idx.msk [tilespmem:v19+s30+$0x0], $0xffff  }
0x11b: {  	v19 =	vld.idx.msk [tilespmem:v20+s30+$0x0], $0xffff  }
0x11c: {  	v18 =	vld.idx.msk [tilespmem:v18+s30+$0x0], $0xffff  }
0x11d: {  	v13 =	vld.idx.msk [tilespmem:v13+s30+$0x0], $0xffff  }
0x11e: {  	v15 =	vld.idx.msk [tilespmem:v15+s30+$0x0], $0xffff  }
0x11f: {  	v17 =	vld.idx.msk [tilespmem:v17+s30+$0x0], $0xffff  }
0x120: {  	v12 =	vadd.f32 v12, v6;
	v14 =	vld.idx.msk [tilespmem:v14+s30+$0x0], $0xffff  }
0x121: {  	v19 =	vadd.f32 v19, v5;
	v16 =	vld.idx.msk [tilespmem:v16+s30+$0x0], $0xffff  }
0x122: {  	[tilespmem:s18+$0x10] =	vst v12;
	v12 =	vadd.f32 v18, v4;
	v18 =	vld.idx.msk [tilespmem:v8+s30+$0x0], $0xffff  }
0x123: {  	v8 =	vadd.f32 v13, v2;
	v20 =	vld [tilespmem:s25+$0x90];
	[tilespmem:s18+$0x20] =	vst v19  }
0x124: {  	v13 =	vadd.f32 v15, v11;
	v19 =	vld [tilespmem:s25+$0xA0];
	[tilespmem:s18+$0x30] =	vst v12  }
0x125: {  	v15 =	vadd.f32 v17, v3;
	v17 =	vld [tilespmem:s25+$0xB0];
	[tilespmem:s18+$0x40] =	vst v8  }
0x126: {  	v14 =	vadd.f32 v14, v7;
	v12 =	vld [tilespmem:s25+$0xC0];
	[tilespmem:s18+$0x50] =	vst v13  }
0x127: {  	[tilespmem:s18+$0x0] =	vst v15;
	v8 =	vld [tilespmem:s25+$0xD0];
	v15 =	vadd.f32 v16, v10  }
0x128: {  	v13 =	vld [tilespmem:s25+$0x80];
	[tilespmem:s18+$0x60] =	vst v14;
	v14 =	vadd.f32 v18, v1;
	v1 =	vmov v11  }
.Ltmp0:
0x129: {  	v10 =	vld [tilespmem:s25+$0xE0];
	[tilespmem:s18+$0xF0] =	vst v15;
	(pc) =	sbr.rel @p0 .LBB2_2-.Ltmp0, $4  }
0x12a: {  	[tilespmem:s7+$0xD0] =	vst v14;
	v16 =	vld.idx.msk [tilespmem:v9+s30+$0x0], $0xffff  }
0x12b: {  	v15 =	vld.idx.msk [tilespmem:v20+s30+$0x0], $0xffff  }
0x12c: {  	v14 =	vld.idx.msk [tilespmem:v19+s30+$0x0], $0xffff  }
0x12d: {  	s25 =	sadd.s32 $0x200, s25;
	v11 =	vld.idx.msk [tilespmem:v17+s30+$0x0], $0xffff  }
0x12e: {  	_ =	sdelay $0x3  }
0x12f: {  	v9 =	vld.idx.msk [tilespmem:v13+s30+$0x0], $0xffff  }
0x130: {  	v12 =	vld.idx.msk [tilespmem:v12+s30+$0x0], $0xffff;
	v0 =	vadd.f32 v16, v0  }
0x131: {  	v8 =	vld.idx.msk [tilespmem:v8+s30+$0x0], $0xffff;
	v6 =	vadd.f32 v15, v6  }
0x132: {  	v5 =	vadd.f32 v14, v5;
	[tilespmem:s7+$0xE0] =	vst v0;
	v0 =	vld.idx.msk [tilespmem:v10+s30+$0x0], $0xffff  }
0x133: {  	[tilespmem:s18+$0x90] =	vst v6;
	v4 =	vadd.f32 v11, v4  }
0x134: {  	[tilespmem:s18+$0xA0] =	vst v5;
	v3 =	vadd.f32 v9, v3  }
0x135: {  	v2 =	vadd.f32 v12, v2;
	[tilespmem:s18+$0xB0] =	vst v4  }
0x136: {  	v1 =	vadd.f32 v8, v1;
	[tilespmem:s18+$0x80] =	vst v3  }
0x137: {  	[tilespmem:s18+$0xC0] =	vst v2;
	v0 =	vadd.f32 v0, v7  }
0x138: {  	[tilespmem:s18+$0xD0] =	vst v1  }
0x139: {  	s8 =	simm.s32 $0x1AF00;
	[tilespmem:s18+$0xE0] =	vst v0  }
0x13a: {  	[hbm4b:s13+s4] =	stream.linear.scatter [tilespmem:s8], [sflag:$0x3], $0x80, $0x38;
	[tilespmem:$0x1D300] =	vst v63  }
0x13b: {  	s18 =	sadd.s32 $0x80, s13;
	s8 =	simm.s32 $0x1B100  }
0x13c: {  	[hbm4b:s18+s4] =	stream.linear.scatter [tilespmem:s8], [sflag:$0x3], $0x80, $0x38;
	[tilespmem:$0x1D300] =	vst v63  }
0x13d: {  	s23 =	sadd.s32 $0x100, s13;
	s25 =	simm.s32 $0x1B300  }
0x13e: {  	[hbm4b:s23+s4] =	stream.linear.scatter [tilespmem:s25], [sflag:$0x3], $0x80, $0x38;
	[tilespmem:$0x1D300] =	vst v63  }
0x13f: {  	s8 =	sadd.s32 $0x180, s13;
	s18 =	simm.s32 $0x1B500  }
0x140: {  	[hbm4b:s8+s4] =	stream.linear.scatter [tilespmem:s18], [sflag:$0x3], $0x80, $0x38;
	[tilespmem:$0x1D300] =	vst v63  }
0x141: {  	s23 =	sadd.s32 $0x200, s13;
	s25 =	simm.s32 $0x1B700  }
0x142: {  	[hbm4b:s23+s4] =	stream.linear.scatter [tilespmem:s25], [sflag:$0x3], $0x80, $0x38;
	[tilespmem:$0x1D300] =	vst v63  }
0x143: {  	s8 =	sadd.s32 $0x280, s13;
	s18 =	simm.s32 $0x1B900  }
0x144: {  	[hbm4b:s8+s4] =	stream.linear.scatter [tilespmem:s18], [sflag:$0x3], $0x80, $0x38;
	[tilespmem:$0x1D300] =	vst v63  }
0x145: {  	s23 =	sadd.s32 $0x300, s13;
	s25 =	simm.s32 $0x1BB00  }
0x146: {  	[hbm4b:s23+s4] =	stream.linear.scatter [tilespmem:s25], [sflag:$0x3], $0x80, $0x38;
	[tilespmem:$0x1D300] =	vst v63  }
0x147: {  	s8 =	sadd.s32 $0x380, s13;
	s18 =	simm.s32 $0x1BD00  }
0x148: {  	[hbm4b:s8+s4] =	stream.linear.scatter [tilespmem:s18], [sflag:$0x3], $0x80, $0x38;
	[tilespmem:$0x1D300] =	vst v63  }
0x149: {  	s23 =	sadd.s32 $0x400, s13;
	s25 =	simm.s32 $0x1BF00  }
0x14a: {  	[hbm4b:s23+s4] =	stream.linear.scatter [tilespmem:s25], [sflag:$0x3], $0x80, $0x38;
	[tilespmem:$0x1D300] =	vst v63  }
0x14b: {  	s8 =	sadd.s32 $0x480, s13;
	s18 =	simm.s32 $0x1C100  }
0x14c: {  	[hbm4b:s8+s4] =	stream.linear.scatter [tilespmem:s18], [sflag:$0x3], $0x80, $0x38;
	[tilespmem:$0x1D300] =	vst v63  }
0x14d: {  	s23 =	sadd.s32 $0x500, s13;
	s25 =	simm.s32 $0x1C300  }
0x14e: {  	[hbm4b:s23+s4] =	stream.linear.scatter [tilespmem:s25], [sflag:$0x3], $0x80, $0x38;
	[tilespmem:$0x1D300] =	vst v63  }
0x14f: {  	s8 =	sadd.s32 $0x580, s13;
	s18 =	simm.s32 $0x1C500  }
0x150: {  	[hbm4b:s8+s4] =	stream.linear.scatter [tilespmem:s18], [sflag:$0x3], $0x80, $0x38;
	[tilespmem:$0x1D300] =	vst v63  }
0x151: {  	s23 =	sadd.s32 $0x600, s13;
	s25 =	simm.s32 $0x1C700  }
0x152: {  	[hbm4b:s23+s4] =	stream.linear.scatter [tilespmem:s25], [sflag:$0x3], $0x80, $0x38;
	[tilespmem:$0x1D300] =	vst v63  }
0x153: {  	s8 =	sadd.s32 $0x680, s13;
	s18 =	simm.s32 $0x1C900  }
0x154: {  	[hbm4b:s8+s4] =	stream.linear.scatter [tilespmem:s18], [sflag:$0x3], $0x80, $0x38;
	[tilespmem:$0x1D300] =	vst v63  }
0x155: {  	s23 =	sadd.s32 $0x700, s13;
	s25 =	simm.s32 $0x1CB00  }
0x156: {  	[hbm4b:s23+s4] =	stream.linear.scatter [tilespmem:s25], [sflag:$0x3], $0x80, $0x38;
	[tilespmem:$0x1D300] =	vst v63  }
0x157: {  	s18 =	sadd.s32 $0x780, s13;
	s23 =	simm.s32 $0x1CD00  }
0x158: {  	[hbm4b:s18+s4] =	stream.linear.scatter [tilespmem:s23], [sflag:$0x3], $0x80, $0x38;
	[tilespmem:$0x1D300] =	vst v63  }
0x159: {  	s25 =	simm.s32 $0x1AF80  }
0x15a: {  	[hbm4b:s14+s4] =	stream.linear.scatter [tilespmem:s25], [sflag:$0x3], $0x80, $0x38;
	[tilespmem:$0x1D300] =	vst v63  }
0x15b: {  	s8 =	sadd.s32 $0x80, s14;
	s18 =	simm.s32 $0x1B180  }
0x15c: {  	[hbm4b:s8+s4] =	stream.linear.scatter [tilespmem:s18], [sflag:$0x3], $0x80, $0x38;
	[tilespmem:$0x1D300] =	vst v63  }
0x15d: {  	s23 =	sadd.s32 $0x100, s14;
	s25 =	simm.s32 $0x1B380  }
0x15e: {  	[hbm4b:s23+s4] =	stream.linear.scatter [tilespmem:s25], [sflag:$0x3], $0x80, $0x38;
	[tilespmem:$0x1D300] =	vst v63  }
0x15f: {  	s8 =	sadd.s32 $0x180, s14;
	s18 =	simm.s32 $0x1B580  }
0x160: {  	[hbm4b:s8+s4] =	stream.linear.scatter [tilespmem:s18], [sflag:$0x3], $0x80, $0x38;
	[tilespmem:$0x1D300] =	vst v63  }
0x161: {  	s23 =	sadd.s32 $0x200, s14;
	s25 =	simm.s32 $0x1B780  }
0x162: {  	[hbm4b:s23+s4] =	stream.linear.scatter [tilespmem:s25], [sflag:$0x3], $0x80, $0x38;
	[tilespmem:$0x1D300] =	vst v63  }
0x163: {  	s8 =	sadd.s32 $0x280, s14;
	s18 =	simm.s32 $0x1B980  }
0x164: {  	[hbm4b:s8+s4] =	stream.linear.scatter [tilespmem:s18], [sflag:$0x3], $0x80, $0x38;
	[tilespmem:$0x1D300] =	vst v63  }
0x165: {  	s23 =	sadd.s32 $0x300, s14;
	s25 =	simm.s32 $0x1BB80  }
0x166: {  	[hbm4b:s23+s4] =	stream.linear.scatter [tilespmem:s25], [sflag:$0x3], $0x80, $0x38;
	[tilespmem:$0x1D300] =	vst v63  }
0x167: {  	s8 =	sadd.s32 $0x380, s14;
	s18 =	simm.s32 $0x1BD80  }
0x168: {  	[hbm4b:s8+s4] =	stream.linear.scatter [tilespmem:s18], [sflag:$0x3], $0x80, $0x38;
	[tilespmem:$0x1D300] =	vst v63  }
0x169: {  	s23 =	sadd.s32 $0x400, s14;
	s25 =	simm.s32 $0x1BF80  }
0x16a: {  	[hbm4b:s23+s4] =	stream.linear.scatter [tilespmem:s25], [sflag:$0x3], $0x80, $0x38;
	[tilespmem:$0x1D300] =	vst v63  }
0x16b: {  	s8 =	sadd.s32 $0x480, s14;
	s18 =	simm.s32 $0x1C180  }
0x16c: {  	[hbm4b:s8+s4] =	stream.linear.scatter [tilespmem:s18], [sflag:$0x3], $0x80, $0x38;
	[tilespmem:$0x1D300] =	vst v63  }
0x16d: {  	s23 =	sadd.s32 $0x500, s14;
	s25 =	simm.s32 $0x1C380  }
0x16e: {  	[hbm4b:s23+s4] =	stream.linear.scatter [tilespmem:s25], [sflag:$0x3], $0x80, $0x38;
	[tilespmem:$0x1D300] =	vst v63  }
0x16f: {  	s8 =	sadd.s32 $0x580, s14;
	s18 =	simm.s32 $0x1C580  }
0x170: {  	[hbm4b:s8+s4] =	stream.linear.scatter [tilespmem:s18], [sflag:$0x3], $0x80, $0x38;
	[tilespmem:$0x1D300] =	vst v63  }
0x171: {  	s23 =	sadd.s32 $0x600, s14;
	s25 =	simm.s32 $0x1C780  }
0x172: {  	[hbm4b:s23+s4] =	stream.linear.scatter [tilespmem:s25], [sflag:$0x3], $0x80, $0x38;
	[tilespmem:$0x1D300] =	vst v63  }
0x173: {  	s8 =	sadd.s32 $0x680, s14;
	s18 =	simm.s32 $0x1C980  }
0x174: {  	[hbm4b:s8+s4] =	stream.linear.scatter [tilespmem:s18], [sflag:$0x3], $0x80, $0x38;
	[tilespmem:$0x1D300] =	vst v63  }
0x175: {  	s23 =	sadd.s32 $0x700, s14;
	s25 =	simm.s32 $0x1CB80  }
0x176: {  	[hbm4b:s23+s4] =	stream.linear.scatter [tilespmem:s25], [sflag:$0x3], $0x80, $0x38;
	[tilespmem:$0x1D300] =	vst v63  }
0x177: {  	s8 =	sadd.s32 $0x780, s14;
	s18 =	simm.s32 $0x1CD80  }
0x178: {  	[hbm4b:s8+s4] =	stream.linear.scatter [tilespmem:s18], [sflag:$0x3], $0x80, $0x38;
	[tilespmem:$0x1D300] =	vst v63  }
0x179: {  	s18 =	simm.s32 $0x1B000  }
0x17a: {  	[hbm4b:s16+s4] =	stream.linear.scatter [tilespmem:s18], [sflag:$0x3], $0x80, $0x38;
	[tilespmem:$0x1D300] =	vst v63  }
0x17b: {  	s23 =	sadd.s32 $0x80, s16;
	s25 =	simm.s32 $0x1B200  }
0x17c: {  	[hbm4b:s23+s4] =	stream.linear.scatter [tilespmem:s25], [sflag:$0x3], $0x80, $0x38;
	[tilespmem:$0x1D300] =	vst v63  }
0x17d: {  	s23 =	sadd.s32 $0x100, s16;
	s25 =	simm.s32 $0x1B400  }
0x17e: {  	[hbm4b:s23+s4] =	stream.linear.scatter [tilespmem:s25], [sflag:$0x3], $0x80, $0x38;
	[tilespmem:$0x1D300] =	vst v63  }
0x17f: {  	s23 =	sadd.s32 $0x180, s16;
	s25 =	simm.s32 $0x1B600  }
0x180: {  	[hbm4b:s23+s4] =	stream.linear.scatter [tilespmem:s25], [sflag:$0x3], $0x80, $0x38;
	[tilespmem:$0x1D300] =	vst v63  }
0x181: {  	s23 =	sadd.s32 $0x200, s16;
	s25 =	simm.s32 $0x1B800  }
0x182: {  	[hbm4b:s23+s4] =	stream.linear.scatter [tilespmem:s25], [sflag:$0x3], $0x80, $0x38;
	[tilespmem:$0x1D300] =	vst v63  }
0x183: {  	s23 =	sadd.s32 $0x280, s16;
	s25 =	simm.s32 $0x1BA00  }
0x184: {  	[hbm4b:s23+s4] =	stream.linear.scatter [tilespmem:s25], [sflag:$0x3], $0x80, $0x38;
	[tilespmem:$0x1D300] =	vst v63  }
0x185: {  	s23 =	sadd.s32 $0x300, s16;
	s25 =	simm.s32 $0x1BC00  }
0x186: {  	[hbm4b:s23+s4] =	stream.linear.scatter [tilespmem:s25], [sflag:$0x3], $0x80, $0x38;
	[tilespmem:$0x1D300] =	vst v63  }
0x187: {  	s23 =	sadd.s32 $0x380, s16;
	s25 =	simm.s32 $0x1BE00  }
0x188: {  	[hbm4b:s23+s4] =	stream.linear.scatter [tilespmem:s25], [sflag:$0x3], $0x80, $0x38;
	[tilespmem:$0x1D300] =	vst v63  }
0x189: {  	s23 =	sadd.s32 $0x400, s16;
	s25 =	simm.s32 $0x1C000  }
0x18a: {  	[hbm4b:s23+s4] =	stream.linear.scatter [tilespmem:s25], [sflag:$0x3], $0x80, $0x38;
	[tilespmem:$0x1D300] =	vst v63  }
0x18b: {  	s23 =	sadd.s32 $0x480, s16;
	s25 =	simm.s32 $0x1C200  }
0x18c: {  	[hbm4b:s23+s4] =	stream.linear.scatter [tilespmem:s25], [sflag:$0x3], $0x80, $0x38;
	[tilespmem:$0x1D300] =	vst v63  }
0x18d: {  	s23 =	sadd.s32 $0x500, s16;
	s25 =	simm.s32 $0x1C400  }
0x18e: {  	[hbm4b:s23+s4] =	stream.linear.scatter [tilespmem:s25], [sflag:$0x3], $0x80, $0x38;
	[tilespmem:$0x1D300] =	vst v63  }
0x18f: {  	s23 =	sadd.s32 $0x580, s16;
	s25 =	simm.s32 $0x1C600  }
0x190: {  	[hbm4b:s23+s4] =	stream.linear.scatter [tilespmem:s25], [sflag:$0x3], $0x80, $0x38;
	[tilespmem:$0x1D300] =	vst v63  }
0x191: {  	s23 =	sadd.s32 $0x600, s16;
	s25 =	simm.s32 $0x1C800  }
0x192: {  	[hbm4b:s23+s4] =	stream.linear.scatter [tilespmem:s25], [sflag:$0x3], $0x80, $0x38;
	[tilespmem:$0x1D300] =	vst v63  }
0x193: {  	s23 =	sadd.s32 $0x680, s16;
	s25 =	simm.s32 $0x1CA00  }
0x194: {  	[hbm4b:s23+s4] =	stream.linear.scatter [tilespmem:s25], [sflag:$0x3], $0x80, $0x38;
	[tilespmem:$0x1D300] =	vst v63  }
0x195: {  	s23 =	sadd.s32 $0x700, s16;
	s25 =	simm.s32 $0x1CC00  }
0x196: {  	[hbm4b:s23+s4] =	stream.linear.scatter [tilespmem:s25], [sflag:$0x3], $0x80, $0x38;
	[tilespmem:$0x1D300] =	vst v63  }
0x197: {  	s23 =	sadd.s32 $0x780, s16;
	s25 =	simm.s32 $0x1CE00  }
0x198: {  	[hbm4b:s23+s4] =	stream.linear.scatter [tilespmem:s25], [sflag:$0x3], $0x80, $0x38;
	[tilespmem:$0x1D300] =	vst v63  }
0x199: {  	s8 =	simm.s32 $0x1B080  }
0x19a: {  	[hbm4b:s17+s4] =	stream.linear.scatter [tilespmem:s8], [sflag:$0x3], $0x80, $0x38;
	[tilespmem:$0x1D300] =	vst v63  }
0x19b: {  	s23 =	sadd.s32 $0x80, s17;
	s25 =	simm.s32 $0x1B280  }
0x19c: {  	[hbm4b:s23+s4] =	stream.linear.scatter [tilespmem:s25], [sflag:$0x3], $0x80, $0x38;
	[tilespmem:$0x1D300] =	vst v63  }
0x19d: {  	s23 =	sadd.s32 $0x100, s17;
	s25 =	simm.s32 $0x1B480  }
0x19e: {  	[hbm4b:s23+s4] =	stream.linear.scatter [tilespmem:s25], [sflag:$0x3], $0x80, $0x38;
	[tilespmem:$0x1D300] =	vst v63  }
0x19f: {  	s23 =	sadd.s32 $0x180, s17;
	s25 =	simm.s32 $0x1B680  }
0x1a0: {  	[hbm4b:s23+s4] =	stream.linear.scatter [tilespmem:s25], [sflag:$0x3], $0x80, $0x38;
	[tilespmem:$0x1D300] =	vst v63  }
0x1a1: {  	s23 =	sadd.s32 $0x200, s17;
	s25 =	simm.s32 $0x1B880  }
0x1a2: {  	[hbm4b:s23+s4] =	stream.linear.scatter [tilespmem:s25], [sflag:$0x3], $0x80, $0x38;
	[tilespmem:$0x1D300] =	vst v63  }
0x1a3: {  	s23 =	sadd.s32 $0x280, s17;
	s25 =	simm.s32 $0x1BA80  }
0x1a4: {  	[hbm4b:s23+s4] =	stream.linear.scatter [tilespmem:s25], [sflag:$0x3], $0x80, $0x38;
	[tilespmem:$0x1D300] =	vst v63  }
0x1a5: {  	s23 =	sadd.s32 $0x300, s17;
	s25 =	simm.s32 $0x1BC80  }
0x1a6: {  	[hbm4b:s23+s4] =	stream.linear.scatter [tilespmem:s25], [sflag:$0x3], $0x80, $0x38;
	[tilespmem:$0x1D300] =	vst v63  }
0x1a7: {  	s23 =	sadd.s32 $0x380, s17;
	s25 =	simm.s32 $0x1BE80  }
0x1a8: {  	[hbm4b:s23+s4] =	stream.linear.scatter [tilespmem:s25], [sflag:$0x3], $0x80, $0x38;
	[tilespmem:$0x1D300] =	vst v63  }
0x1a9: {  	s23 =	sadd.s32 $0x400, s17;
	s25 =	simm.s32 $0x1C080  }
0x1aa: {  	[hbm4b:s23+s4] =	stream.linear.scatter [tilespmem:s25], [sflag:$0x3], $0x80, $0x38;
	[tilespmem:$0x1D300] =	vst v63  }
0x1ab: {  	s23 =	sadd.s32 $0x480, s17;
	s25 =	simm.s32 $0x1C280  }
0x1ac: {  	[hbm4b:s23+s4] =	stream.linear.scatter [tilespmem:s25], [sflag:$0x3], $0x80, $0x38;
	[tilespmem:$0x1D300] =	vst v63  }
0x1ad: {  	s23 =	sadd.s32 $0x500, s17;
	s25 =	simm.s32 $0x1C480  }
0x1ae: {  	[hbm4b:s23+s4] =	stream.linear.scatter [tilespmem:s25], [sflag:$0x3], $0x80, $0x38;
	[tilespmem:$0x1D300] =	vst v63  }
0x1af: {  	s23 =	sadd.s32 $0x580, s17;
	s25 =	simm.s32 $0x1C680  }
0x1b0: {  	[hbm4b:s23+s4] =	stream.linear.scatter [tilespmem:s25], [sflag:$0x3], $0x80, $0x38;
	[tilespmem:$0x1D300] =	vst v63  }
0x1b1: {  	s23 =	sadd.s32 $0x600, s17;
	s25 =	simm.s32 $0x1C880  }
0x1b2: {  	[hbm4b:s23+s4] =	stream.linear.scatter [tilespmem:s25], [sflag:$0x3], $0x80, $0x38;
	[tilespmem:$0x1D300] =	vst v63  }
0x1b3: {  	s23 =	sadd.s32 $0x680, s17  }
0x1b4: {  	[hbm4b:s23+s4] =	stream.linear.scatter [tilespmem:s9], [sflag:$0x3], $0x80, $0x38;
	[tilespmem:$0x1D300] =	vst v63  }
0x1b5: {  	s25 =	sadd.s32 $0x700, s17  }
0x1b6: {  	[hbm4b:s25+s4] =	stream.linear.scatter [tilespmem:s26], [sflag:$0x3], $0x80, $0x38;
	[tilespmem:$0x1D300] =	vst v63  }
0x1b7: {  	s8 =	sadd.s32 $0x780, s17  }
0x1b8: {  	[hbm4b:s8+s4] =	stream.linear.scatter [tilespmem:s10], [sflag:$0x3], $0x80, $0x38;
	[tilespmem:$0x1D300] =	vst v63  }
0x1b9: {  	_ = 	snop  }
0x1ba: {  	[tilespmem:s30], [sflag:$0x1] =	stream.strided.gather [hbm4b:s15+s28], $0x3080, s29, s28, $0x38;
	[tilespmem:$0x1D300] =	vst v63  }
0x1bb: {  	s23 =	sadd.s32 $0x3080, s15;
	s25 =	simm.s32 $0x5080  }
0x1bc: {  	[tilespmem:s25], [sflag:$0x1] =	stream.strided.gather [hbm4b:s23+s28], $0x3080, s29, s28, $0x38;
	[tilespmem:$0x1D300] =	vst v63  }
0x1bd: {  	s23 =	sadd.s32 $0x6100, s15;
	s25 =	simm.s32 $0x8100  }
0x1be: {  	[tilespmem:s25], [sflag:$0x1] =	stream.strided.gather [hbm4b:s23+s28], $0x3080, s29, s28, $0x38;
	[tilespmem:$0x1D300] =	vst v63  }
0x1bf: {  	s23 =	sadd.s32 $0x9180, s15;
	s25 =	simm.s32 $0xB180  }
0x1c0: {  	[tilespmem:s25], [sflag:$0x1] =	stream.strided.gather [hbm4b:s23+s28], $0x3080, s29, s28, $0x38;
	[tilespmem:$0x1D300] =	vst v63  }
0x1c1: {  	s23 =	sadd.s32 $0xC200, s15;
	s25 =	simm.s32 $0xE200  }
0x1c2: {  	[tilespmem:s25], [sflag:$0x1] =	stream.strided.gather [hbm4b:s23+s28], $0x3080, s29, s28, $0x38;
	[tilespmem:$0x1D300] =	vst v63  }
0x1c3: {  	s23 =	sadd.s32 $0xF280, s15;
	s25 =	simm.s32 $0x11280  }
0x1c4: {  	[tilespmem:s25], [sflag:$0x1] =	stream.strided.gather [hbm4b:s23+s28], $0x3080, s29, s28, $0x38;
	[tilespmem:$0x1D300] =	vst v63  }
0x1c5: {  	s23 =	sadd.s32 $0x12300, s15;
	s25 =	simm.s32 $0x14300  }
0x1c6: {  	[tilespmem:s25], [sflag:$0x1] =	stream.strided.gather [hbm4b:s23+s28], $0x3080, s29, s28, $0x38;
	[tilespmem:$0x1D300] =	vst v63  }
0x1c7: {  	s8 =	sadd.s32 $0x15380, s15;
	s23 =	simm.s32 $0x17380  }
0x1c8: {  	[tilespmem:s23], [sflag:$0x1] =	stream.strided.gather [hbm4b:s8+s28], $0x3300, s29, s28, $0x38;
	[tilespmem:$0x1D300] =	vst v63  }
0x1c9: {  	s25 =	simm.s32 $0x1CF00  }
0x1ca: {  	[tilespmem:s25], [sflag:$0x1] =	stream.linear.gather [hbm4b:s24+s4], $0x400, $0x38;
	[tilespmem:$0x1D300] =	vst v63  }
0x1cb: {  	s8 =	rddreg [dreg:$0xb];
	s23 =	simm.s32 $0x1A700  }
0x1cc: {  	[tilespmem:s23], [sflag:$0x2] =	stream.strided.gather [hbm4b:s8+s28], $0x800, s29, s28, $0x38;
	[tilespmem:$0x1D300] =	vst v63  }
0x1cd: {  	_ =	swait.ge [sflag:s1], $0x800  }
0x1ce: {  	[sflag:s1] =	ssyncset.done $0x0  }
0x1cf: {  	[sflag:s1] =	ssyncadd.s32 $0xFFFFF800  }
0x1d0: {  	_ =	swait.ge [sflag:s1], $0x800  }
0x1d1: {  	[sflag:s1] =	ssyncset.done $0x0  }
0x1d2: {  	[sflag:s1] =	ssyncadd.s32 $0xFFFFF800  }
0x1d3: {  	_ =	swait.ge [sflag:s1], $0x800  }
0x1d4: {  	[sflag:s1] =	ssyncset.done $0x0  }
0x1d5: {  	[sflag:s1] =	ssyncadd.s32 $0xFFFFF800  }
0x1d6: {  	_ =	swait.ge [sflag:s1], $0x800  }
0x1d7: {  	[sflag:s1] =	ssyncset.done $0x0  }
0x1d8: {  	[sflag:s1] =	ssyncadd.s32 $0xFFFFF800  }
0x1d9: {  	_ =	swait.ge [sflag:s31], $0x800  }
0x1da: {  	[sflag:s31] =	ssyncset.done $0x0  }
0x1db: {  	[sflag:s31] =	ssyncadd.s32 $0xFFFFF800  }
0x1dc: {  	_ =	swait.ge [sflag:s2], $0x3080  }
0x1dd: {  	[sflag:s2] =	ssyncset.done $0x0  }
0x1de: {  	[sflag:s2] =	ssyncadd.s32 $0xFFFFCF80  }
0x1df: {  	_ =	swait.ge [sflag:s2], $0x3080  }
0x1e0: {  	[sflag:s2] =	ssyncset.done $0x0  }
0x1e1: {  	[sflag:s2] =	ssyncadd.s32 $0xFFFFCF80  }
0x1e2: {  	_ =	swait.ge [sflag:s2], $0x3080  }
0x1e3: {  	[sflag:s2] =	ssyncset.done $0x0  }
0x1e4: {  	[sflag:s2] =	ssyncadd.s32 $0xFFFFCF80  }
0x1e5: {  	_ =	swait.ge [sflag:s2], $0x3080  }
0x1e6: {  	[sflag:s2] =	ssyncset.done $0x0  }
0x1e7: {  	[sflag:s2] =	ssyncadd.s32 $0xFFFFCF80  }
0x1e8: {  	_ =	swait.ge [sflag:s2], $0x3080  }
0x1e9: {  	[sflag:s2] =	ssyncset.done $0x0  }
0x1ea: {  	[sflag:s2] =	ssyncadd.s32 $0xFFFFCF80  }
0x1eb: {  	_ =	swait.ge [sflag:s2], $0x3080  }
0x1ec: {  	[sflag:s2] =	ssyncset.done $0x0  }
0x1ed: {  	[sflag:s2] =	ssyncadd.s32 $0xFFFFCF80  }
0x1ee: {  	_ =	swait.ge [sflag:s2], $0x3080  }
0x1ef: {  	[sflag:s2] =	ssyncset.done $0x0  }
0x1f0: {  	[sflag:s2] =	ssyncadd.s32 $0xFFFFCF80  }
0x1f1: {  	_ =	swait.ge [sflag:s2], $0x3300  }
0x1f2: {  	[sflag:s2] =	ssyncset.done $0x0  }
0x1f3: {  	[sflag:s2] =	ssyncadd.s32 $0xFFFFCD00  }
0x1f4: {  	_ =	swait.ge [sflag:s2], $0x400  }
0x1f5: {  	[sflag:s2] =	ssyncset.done $0x0  }
0x1f6: {  	[sflag:s2] =	ssyncadd.s32 $0xFFFFFC00  }
0x1f7: {  	v0 =	vld [tilespmem:s12+$0x1CF00];
	_ =	sdelay $0x4  }
0x1f8: {  	[tilespmem:$0x1A680] =	vst v0  }
0x1f9: {  	v0 =	vld [tilespmem:s12+$0x1CF10];
	_ =	sdelay $0x4  }
0x1fa: {  	s25 =	simm.s32 $0x100;
	[tilespmem:$0x1A690] =	vst v0  }
0x1fb: {  	v0 =	vld [tilespmem:s25+$0xFFFFFF70]  }
0x1fc: {  	v1 =	vld [tilespmem:s25+$0xFFFFFF00]  }
0x1fd: {  	v2 =	vld [tilespmem:s25+$0xFFFFFF10]  }
0x1fe: {  	v3 =	vld [tilespmem:s25+$0xFFFFFF20]  }
0x1ff: {  	v4 =	vld [tilespmem:s25+$0xFFFFFF30]  }
0x200: {  	v5 =	vld [tilespmem:s25+$0xFFFFFF40]  }
0x201: {  	v6 =	vld [tilespmem:s25+$0xFFFFFF50]  }
0x202: {  	s23 =	simm.s32 $0x1A740;
	v7 =	vld [tilespmem:s25+$0xFFFFFF60]  }
0x203: {  	v12 =	vld [tilespmem:s23+$0x30]  }
0x204: {  	v14 =	vld [tilespmem:s23+$0xFFFFFFD0]  }
0x205: {  	v13 =	vld [tilespmem:s23+$0xFFFFFFE0]  }
0x206: {  	v8 =	vld [tilespmem:s23+$0xFFFFFFF0]  }
0x207: {  	v10 =	vld [tilespmem:s23+$0x0]  }
0x208: {  	v9 =	vld [tilespmem:s23+$0x10]  }
0x209: {  	v11 =	vld [tilespmem:s23+$0xFFFFFFC0]  }
0x20a: {  	v0 =	vld.idx.msk [tilespmem:v0+s30+$0x0], $0xffff  }
0x20b: {  	v1 =	vld.idx.msk [tilespmem:v1+s30+$0x0], $0xffff  }
0x20c: {  	v2 =	vld.idx.msk [tilespmem:v2+s30+$0x0], $0xffff  }
0x20d: {  	v3 =	vld.idx.msk [tilespmem:v3+s30+$0x0], $0xffff  }
0x20e: {  	v4 =	vld.idx.msk [tilespmem:v4+s30+$0x0], $0xffff  }
0x20f: {  	v5 =	vld.idx.msk [tilespmem:v5+s30+$0x0], $0xffff  }
0x210: {  	v6 =	vld.idx.msk [tilespmem:v6+s30+$0x0], $0xffff;
	v0 =	vadd.f32 v0, v12  }
0x211: {  	v7 =	vld.idx.msk [tilespmem:v7+s30+$0x0], $0xffff  }
0x212: {  	v2 =	vadd.f32 v2, v14;
	[tilespmem:s18+$0xFFFFFF70] =	vst v0;
	v0 =	vld [tilespmem:s23+$0x20]  }
0x213: {  	s7 =	simm.s32 $0x1A7C0;
	v3 =	vadd.f32 v3, v13;
	v15 =	vld [tilespmem:s25+$0xFFFFFFF0]  }
0x214: {  	v24 =	vld [tilespmem:s7+$0x30];
	[tilespmem:s18+$0xFFFFFF10] =	vst v2;
	v2 =	vadd.f32 v4, v8  }
0x215: {  	[tilespmem:s18+$0xFFFFFF20] =	vst v3;
	v3 =	vadd.f32 v5, v10;
	v4 =	vld [tilespmem:s25+$0xFFFFFF90]  }
0x216: {  	v5 =	vld [tilespmem:s25+$0xFFFFFFA0];
	[tilespmem:s18+$0xFFFFFF30] =	vst v2;
	v2 =	vadd.f32 v6, v9  }
0x217: {  	v1 =	vadd.f32 v1, v11;
	[tilespmem:s18+$0xFFFFFF40] =	vst v3;
	v6 =	vld [tilespmem:s25+$0xFFFFFFB0]  }
0x218: {  	[tilespmem:s18+$0xFFFFFF50] =	vst v2;
	v3 =	vadd.f32 v7, v0;
	v7 =	vld [tilespmem:s25+$0xFFFFFFC0]  }
0x219: {  	[tilespmem:s18+$0xFFFFFF00] =	vst v1;
	v2 =	vld [tilespmem:s25+$0xFFFFFFD0]  }
0x21a: {  	v1 =	vld [tilespmem:s25+$0xFFFFFF80]  }
0x21b: {  	[tilespmem:s18+$0xFFFFFF60] =	vst v3;
	v15 =	vld.idx.msk [tilespmem:v15+s30+$0x0], $0xffff  }
0x21c: {  	v3 =	vld [tilespmem:s25+$0xFFFFFFE0]  }
0x21d: {  	v4 =	vld.idx.msk [tilespmem:v4+s30+$0x0], $0xffff  }
0x21e: {  	v5 =	vld.idx.msk [tilespmem:v5+s30+$0x0], $0xffff  }
0x21f: {  	v6 =	vld.idx.msk [tilespmem:v6+s30+$0x0], $0xffff  }
0x220: {  	v7 =	vld.idx.msk [tilespmem:v7+s30+$0x0], $0xffff;
	v15 =	vadd.f32 v15, v12  }
0x221: {  	v2 =	vld.idx.msk [tilespmem:v2+s30+$0x0], $0xffff  }
0x222: {  	v1 =	vld.idx.msk [tilespmem:v1+s30+$0x0], $0xffff;
	v4 =	vadd.f32 v4, v14;
	[tilespmem:s18+$0xFFFFFFF0] =	vst v15  }
0x223: {  	v5 =	vadd.f32 v5, v13;
	v15 =	vld [tilespmem:s25+$0x70]  }
0x224: {  	v3 =	vld.idx.msk [tilespmem:v3+s30+$0x0], $0xffff;
	[tilespmem:s18+$0xFFFFFF90] =	vst v4;
	v4 =	vadd.f32 v6, v8  }
0x225: {  	[tilespmem:s18+$0xFFFFFFA0] =	vst v5;
	v6 =	vld [tilespmem:s25+$0x10];
	v5 =	vadd.f32 v7, v10  }
0x226: {  	v7 =	vld [tilespmem:s25+$0x20];
	[tilespmem:s18+$0xFFFFFFB0] =	vst v4;
	v2 =	vadd.f32 v2, v9  }
0x227: {  	v1 =	vadd.f32 v1, v11;
	v4 =	vld [tilespmem:s25+$0x30];
	[tilespmem:s18+$0xFFFFFFC0] =	vst v5  }
0x228: {  	[tilespmem:s18+$0xFFFFFFD0] =	vst v2;
	v5 =	vld [tilespmem:s25+$0x40]  }
0x229: {  	[tilespmem:s18+$0xFFFFFF80] =	vst v1;
	v2 =	vadd.f32 v3, v0;
	v1 =	vld [tilespmem:s25+$0x50]  }
0x22a: {  	v3 =	vld [tilespmem:s25+$0x0]  }
0x22b: {  	[tilespmem:s18+$0xFFFFFFE0] =	vst v2;
	v15 =	vld.idx.msk [tilespmem:v15+s30+$0x0], $0xffff  }
0x22c: {  	v2 =	vld [tilespmem:s25+$0x60]  }
0x22d: {  	v6 =	vld.idx.msk [tilespmem:v6+s30+$0x0], $0xffff  }
0x22e: {  	v7 =	vld.idx.msk [tilespmem:v7+s30+$0x0], $0xffff  }
0x22f: {  	v4 =	vld.idx.msk [tilespmem:v4+s30+$0x0], $0xffff  }
0x230: {  	v5 =	vld.idx.msk [tilespmem:v5+s30+$0x0], $0xffff;
	v15 =	vadd.f32 v15, v12  }
0x231: {  	v1 =	vld.idx.msk [tilespmem:v1+s30+$0x0], $0xffff  }
0x232: {  	v3 =	vld.idx.msk [tilespmem:v3+s30+$0x0], $0xffff;
	v6 =	vadd.f32 v6, v14;
	[tilespmem:s18+$0x70] =	vst v15  }
0x233: {  	v7 =	vadd.f32 v7, v13;
	v15 =	vld [tilespmem:s25+$0xF0]  }
0x234: {  	v2 =	vld.idx.msk [tilespmem:v2+s30+$0x0], $0xffff;
	[tilespmem:s18+$0x10] =	vst v6;
	v4 =	vadd.f32 v4, v8  }
0x235: {  	v6 =	vld [tilespmem:s25+$0x90];
	[tilespmem:s18+$0x20] =	vst v7;
	v5 =	vadd.f32 v5, v10  }
0x236: {  	v7 =	vld [tilespmem:s25+$0xA0];
	[tilespmem:s18+$0x30] =	vst v4;
	v1 =	vadd.f32 v1, v9  }
0x237: {  	v3 =	vadd.f32 v3, v11;
	v4 =	vld [tilespmem:s25+$0xB0];
	[tilespmem:s18+$0x40] =	vst v5  }
0x238: {  	[tilespmem:s18+$0x50] =	vst v1;
	v17 =	vld [tilespmem:s25+$0xC0]  }
0x239: {  	[tilespmem:s18+$0x0] =	vst v3;
	v1 =	vadd.f32 v2, v0;
	v18 =	vld [tilespmem:s25+$0xD0]  }
0x23a: {  	v19 =	vld [tilespmem:s25+$0x80]  }
0x23b: {  	[tilespmem:s18+$0x60] =	vst v1;
	v16 =	vld.idx.msk [tilespmem:v15+s30+$0x0], $0xffff  }
0x23c: {  	v15 =	vld [tilespmem:s25+$0xE0]  }
0x23d: {  	v20 =	vld.idx.msk [tilespmem:v6+s30+$0x0], $0xffff  }
0x23e: {  	s25 =	simm.s32 $0x300;
	v21 =	vld.idx.msk [tilespmem:v7+s30+$0x0], $0xffff  }
0x23f: {  	v1 =	vld [tilespmem:s25+$0xFFFFFF70]  }
0x240: {  	v2 =	vld [tilespmem:s25+$0xFFFFFF00]  }
0x241: {  	v3 =	vld [tilespmem:s25+$0xFFFFFF10]  }
0x242: {  	v5 =	vld [tilespmem:s25+$0xFFFFFF30]  }
0x243: {  	v6 =	vld [tilespmem:s25+$0xFFFFFF40]  }
0x244: {  	v7 =	vld [tilespmem:s25+$0xFFFFFF50]  }
0x245: {  	v23 =	vld [tilespmem:s25+$0xFFFFFF60]  }
0x246: {  	v22 =	vld.idx.msk [tilespmem:v4+s30+$0x0], $0xffff  }
0x247: {  	v4 =	vld [tilespmem:s25+$0xFFFFFF20]  }
0x248: {  	v19 =	vld.idx.msk [tilespmem:v19+s30+$0x0], $0xffff  }
0x249: {  	v17 =	vld.idx.msk [tilespmem:v17+s30+$0x0], $0xffff  }
0x24a: {  	v1 =	vld.idx.msk [tilespmem:v1+s30+$0x0], $0xffff  }
0x24b: {  	v25 =	vld.idx.msk [tilespmem:v2+s30+$0x0], $0xffff  }
0x24c: {  	v3 =	vld.idx.msk [tilespmem:v3+s30+$0x0], $0xffff  }
0x24d: {  	v27 =	vld.idx.msk [tilespmem:v5+s30+$0x0], $0xffff  }
0x24e: {  	v28 =	vld.idx.msk [tilespmem:v6+s30+$0x0], $0xffff  }
0x24f: {  	v29 =	vld.idx.msk [tilespmem:v7+s30+$0x0], $0xffff  }
0x250: {  	v23 =	vld.idx.msk [tilespmem:v23+s30+$0x0], $0xffff  }
0x251: {  	v6 =	vld [tilespmem:s7+$0xFFFFFFD0]  }
0x252: {  	v5 =	vld [tilespmem:s7+$0xFFFFFFE0]  }
0x253: {  	v2 =	vld [tilespmem:s7+$0x0]  }
0x254: {  	v26 =	vld.idx.msk [tilespmem:v4+s30+$0x0], $0xffff;
	v1 =	vadd.f32 v1, v24  }
0x255: {  	s23 =	simm.s32 $0x1B200;
	v4 =	vld [tilespmem:s7+$0xFFFFFFF0]  }
0x256: {  	v31 =	vadd.f32 v3, v6;
	v3 =	vld [tilespmem:s7+$0xFFFFFFC0];
	[tilespmem:s23+$0xFFFFFF70] =	vst v1  }
0x257: {  	v30 =	vld [tilespmem:s25+$0xFFFFFFF0]  }
0x258: {  	v50 =	vadd.f32 v28, v2;
	v1 =	vld [tilespmem:s7+$0x10]  }
0x259: {  	v7 =	vld [tilespmem:s7+$0x20];
	v26 =	vadd.f32 v26, v5;
	[tilespmem:s23+$0xFFFFFF10] =	vst v31  }
0x25a: {  	v27 =	vadd.f32 v27, v4;
	[tilespmem:s23+$0xFFFFFF40] =	vst v50;
	v31 =	vld [tilespmem:s25+$0xFFFFFF90]  }
0x25b: {  	[tilespmem:s23+$0xFFFFFF20] =	vst v26;
	v26 =	vld [tilespmem:s25+$0xFFFFFFC0];
	v25 =	vadd.f32 v25, v3  }
0x25c: {  	[tilespmem:s23+$0xFFFFFF30] =	vst v27;
	v51 =	vld [tilespmem:s25+$0xFFFFFFA0]  }
0x25d: {  	v53 =	vld [tilespmem:s25+$0xFFFFFFB0];
	v52 =	vadd.f32 v29, v1;
	[tilespmem:s23+$0xFFFFFF00] =	vst v25  }
0x25e: {  	v23 =	vadd.f32 v23, v7;
	v55 =	vld [tilespmem:s25+$0xFFFFFF80]  }
0x25f: {  	[tilespmem:s23+$0xFFFFFF50] =	vst v52;
	v30 =	vld.idx.msk [tilespmem:v30+s30+$0x0], $0xffff  }
0x260: {  	[tilespmem:s23+$0xFFFFFF60] =	vst v23;
	v27 =	vld [tilespmem:s25+$0xFFFFFFD0]  }
0x261: {  	v23 =	vld [tilespmem:s25+$0xFFFFFFE0]  }
0x262: {  	v31 =	vld.idx.msk [tilespmem:v31+s30+$0x0], $0xffff  }
0x263: {  	v26 =	vld.idx.msk [tilespmem:v26+s30+$0x0], $0xffff  }
0x264: {  	v28 =	vld.idx.msk [tilespmem:v51+s30+$0x0], $0xffff;
	v54 =	vadd.f32 v30, v24  }
0x265: {  	v29 =	vld.idx.msk [tilespmem:v53+s30+$0x0], $0xffff  }
0x266: {  	v30 =	vld.idx.msk [tilespmem:v55+s30+$0x0], $0xffff;
	[tilespmem:s23+$0xFFFFFFF0] =	vst v54  }
0x267: {  	v31 =	vadd.f32 v31, v6;
	v25 =	vld [tilespmem:s25+$0x70]  }
0x268: {  	v26 =	vadd.f32 v26, v2;
	v27 =	vld.idx.msk [tilespmem:v27+s30+$0x0], $0xffff  }
0x269: {  	v23 =	vld.idx.msk [tilespmem:v23+s30+$0x0], $0xffff;
	v28 =	vadd.f32 v28, v5;
	[tilespmem:s23+$0xFFFFFF90] =	vst v31  }
0x26a: {  	v29 =	vadd.f32 v29, v4;
	[tilespmem:s23+$0xFFFFFFC0] =	vst v26;
	v31 =	vld [tilespmem:s25+$0x10]  }
0x26b: {  	[tilespmem:s23+$0xFFFFFFA0] =	vst v28;
	v26 =	vld [tilespmem:s25+$0x40];
	v56 =	vadd.f32 v30, v3  }
0x26c: {  	[tilespmem:s23+$0xFFFFFFB0] =	vst v29;
	v28 =	vld [tilespmem:s25+$0x20]  }
0x26d: {  	v57 =	vld [tilespmem:s25+$0x30];
	v27 =	vadd.f32 v27, v1;
	[tilespmem:s23+$0xFFFFFF80] =	vst v56  }
0x26e: {  	v23 =	vadd.f32 v23, v7;
	v29 =	vld [tilespmem:s25+$0x0]  }
0x26f: {  	[tilespmem:s23+$0xFFFFFFD0] =	vst v27;
	v25 =	vld.idx.msk [tilespmem:v25+s30+$0x0], $0xffff  }
0x270: {  	[tilespmem:s23+$0xFFFFFFE0] =	vst v23;
	v27 =	vld [tilespmem:s25+$0x50]  }
0x271: {  	v23 =	vld [tilespmem:s25+$0x60]  }
0x272: {  	v31 =	vld.idx.msk [tilespmem:v31+s30+$0x0], $0xffff  }
0x273: {  	v12 =	vadd.f32 v16, v12;
	v16 =	vld.idx.msk [tilespmem:v26+s30+$0x0], $0xffff  }
0x274: {  	v28 =	vld.idx.msk [tilespmem:v28+s30+$0x0], $0xffff;
	v25 =	vadd.f32 v25, v24  }
0x275: {  	[tilespmem:s18+$0xF0] =	vst v12;
	v30 =	vld.idx.msk [tilespmem:v57+s30+$0x0], $0xffff  }
0x276: {  	v14 =	vadd.f32 v20, v14;
	v12 =	vadd.f32 v21, v13;
	v13 =	vld.idx.msk [tilespmem:v29+s30+$0x0], $0xffff;
	[tilespmem:s23+$0x70] =	vst v25  }
0x277: {  	v25 =	vld [tilespmem:s25+$0xF0]  }
0x278: {  	[tilespmem:s18+$0x90] =	vst v14;
	v14 =	vadd.f32 v31, v6;
	v58 =	vld.idx.msk [tilespmem:v27+s30+$0x0], $0xffff  }
0x279: {  	v18 =	vld.idx.msk [tilespmem:v18+s30+$0x0], $0xffff;
	[tilespmem:s18+$0xA0] =	vst v12;
	v12 =	vadd.f32 v28, v5  }
0x27a: {  	v59 =	vld.idx.msk [tilespmem:v23+s30+$0x0], $0xffff;
	[tilespmem:s23+$0x10] =	vst v14;
	v14 =	vadd.f32 v30, v4  }
0x27b: {  	[tilespmem:s23+$0x20] =	vst v12;
	v61 =	vld [tilespmem:s25+$0x90];
	v12 =	vadd.f32 v16, v2  }
0x27c: {  	[tilespmem:s23+$0x30] =	vst v14;
	v14 =	vld [tilespmem:s25+$0xA0];
	v13 =	vadd.f32 v13, v3  }
0x27d: {  	[tilespmem:s23+$0x40] =	vst v12;
	v62 =	vld [tilespmem:s25+$0xB0];
	v16 =	vadd.f32 v58, v1  }
0x27e: {  	v12 =	vld [tilespmem:s25+$0xC0];
	[tilespmem:s23+$0x0] =	vst v13  }
0x27f: {  	[tilespmem:s23+$0x50] =	vst v16;
	v16 =	vadd.f32 v59, v7;
	v60 =	vld.idx.msk [tilespmem:v25+s30+$0x0], $0xffff  }
0x280: {  	v63 =	vadd.f32 v22, v8;
	v13 =	vld [tilespmem:s25+$0x80]  }
0x281: {  	v11 =	vadd.f32 v19, v11;
	v8 =	vld [tilespmem:s25+$0xD0];
	[tilespmem:s23+$0x60] =	vst v16  }
0x282: {  	[tilespmem:s18+$0xB0] =	vst v63;
	v17 =	vadd.f32 v17, v10;
	v10 =	vld [tilespmem:s25+$0xE0]  }
0x283: {  	v9 =	vadd.f32 v18, v9;
	[tilespmem:s18+$0x80] =	vst v11;
	v16 =	vld.idx.msk [tilespmem:v15+s30+$0x0], $0xffff  }
0x284: {  	[tilespmem:s18+$0xC0] =	vst v17;
	v15 =	vld.idx.msk [tilespmem:v61+s30+$0x0], $0xffff;
	v11 =	vadd.f32 v60, v24  }
0x285: {  	[tilespmem:s18+$0xD0] =	vst v9;
	v14 =	vld.idx.msk [tilespmem:v14+s30+$0x0], $0xffff  }
0x286: {  	s8 =	simm.s32 $0x8;
	s25 =	simm.s32 $0x500;
	[tilespmem:s23+$0xF0] =	vst v11;
	v11 =	vld.idx.msk [tilespmem:v62+s30+$0x0], $0xffff  }
.LBB2_4:
0x287: {  	v17 =	vld [tilespmem:s25+$0xFFFFFF70];
	s8 =	sadd.s32 $0x8, s8;
	v9 =	vmov v10  }
0x288: {  	v18 =	vld [tilespmem:s25+$0xFFFFFF00];
	p0 =	slt.u32 s8, $0x78  }
0x289: {  	v10 =	vadd.f32 v16, v0;
	v0 =	vmov v7;
	v19 =	vld [tilespmem:s25+$0xFFFFFF10]  }
0x28a: {  	v6 =	vadd.f32 v15, v6;
	v7 =	vld [tilespmem:s25+$0xFFFFFF20]  }
0x28b: {  	v5 =	vadd.f32 v14, v5;
	v15 =	vld [tilespmem:s25+$0xFFFFFF30];
	[tilespmem:s18+$0xE0] =	vst v10;
	s18 =	smov.u32 s23  }
0x28c: {  	v4 =	vadd.f32 v11, v4;
	v14 =	vld [tilespmem:s25+$0xFFFFFF40];
	[tilespmem:s23+$0x90] =	vst v6  }
0x28d: {  	v6 =	vld [tilespmem:s25+$0xFFFFFF50];
	[tilespmem:s23+$0xA0] =	vst v5  }
0x28e: {  	v5 =	vld [tilespmem:s25+$0xFFFFFF60];
	[tilespmem:s23+$0xB0] =	vst v4  }
0x28f: {  	s7 =	sadd.s32 $0x80, s7;
	v4 =	vld.idx.msk [tilespmem:v17+s30+$0x0], $0xffff  }
0x290: {  	v10 =	vld [tilespmem:s7+$0x30]  }
0x291: {  	v16 =	vld.idx.msk [tilespmem:v18+s30+$0x0], $0xffff  }
0x292: {  	v17 =	vld.idx.msk [tilespmem:v19+s30+$0x0], $0xffff  }
0x293: {  	v18 =	vld.idx.msk [tilespmem:v7+s30+$0x0], $0xffff  }
0x294: {  	v15 =	vld.idx.msk [tilespmem:v15+s30+$0x0], $0xffff  }
0x295: {  	v14 =	vld.idx.msk [tilespmem:v14+s30+$0x0], $0xffff;
	v4 =	vadd.f32 v4, v10  }
0x296: {  	s23 =	sadd.s32 $0x200, s23;
	v19 =	vld.idx.msk [tilespmem:v6+s30+$0x0], $0xffff  }
0x297: {  	v20 =	vld.idx.msk [tilespmem:v5+s30+$0x0], $0xffff;
	[tilespmem:s23+$0xFFFFFF70] =	vst v4  }
0x298: {  	v21 =	vld [tilespmem:s25+$0xFFFFFFF0]  }
0x299: {  	v6 =	vld [tilespmem:s7+$0xFFFFFFD0]  }
0x29a: {  	v5 =	vld [tilespmem:s7+$0xFFFFFFE0]  }
0x29b: {  	v4 =	vld [tilespmem:s7+$0xFFFFFFF0]  }
0x29c: {  	v22 =	vld [tilespmem:s7+$0x0]  }
0x29d: {  	v11 =	vld [tilespmem:s7+$0x10]  }
0x29e: {  	v17 =	vadd.f32 v17, v6;
	v7 =	vld [tilespmem:s7+$0x20]  }
0x29f: {  	v23 =	vld [tilespmem:s7+$0xFFFFFFC0];
	v18 =	vadd.f32 v18, v5  }
0x2a0: {  	[tilespmem:s23+$0xFFFFFF10] =	vst v17;
	v15 =	vadd.f32 v15, v4;
	v17 =	vld.idx.msk [tilespmem:v21+s30+$0x0], $0xffff  }
0x2a1: {  	v21 =	vld [tilespmem:s25+$0xFFFFFF90];
	[tilespmem:s23+$0xFFFFFF20] =	vst v18;
	v14 =	vadd.f32 v14, v22  }
0x2a2: {  	v18 =	vld [tilespmem:s25+$0xFFFFFFA0];
	[tilespmem:s23+$0xFFFFFF30] =	vst v15;
	v15 =	vadd.f32 v19, v11  }
0x2a3: {  	v19 =	vld [tilespmem:s25+$0xFFFFFFB0];
	[tilespmem:s23+$0xFFFFFF40] =	vst v14;
	v14 =	vadd.f32 v20, v7  }
0x2a4: {  	v16 =	vadd.f32 v16, v23;
	v20 =	vld [tilespmem:s25+$0xFFFFFFC0];
	[tilespmem:s23+$0xFFFFFF50] =	vst v15  }
0x2a5: {  	v15 =	vld [tilespmem:s25+$0xFFFFFFD0];
	[tilespmem:s23+$0xFFFFFF60] =	vst v14  }
0x2a6: {  	[tilespmem:s23+$0xFFFFFF00] =	vst v16;
	v14 =	vld [tilespmem:s25+$0xFFFFFFE0];
	v16 =	vadd.f32 v17, v10  }
0x2a7: {  	v17 =	vld [tilespmem:s25+$0xFFFFFF80]  }
0x2a8: {  	[tilespmem:s23+$0xFFFFFFF0] =	vst v16;
	v13 =	vld.idx.msk [tilespmem:v13+s30+$0x0], $0xffff  }
0x2a9: {  	v16 =	vld [tilespmem:s25+$0x70]  }
0x2aa: {  	v21 =	vld.idx.msk [tilespmem:v21+s30+$0x0], $0xffff  }
0x2ab: {  	v18 =	vld.idx.msk [tilespmem:v18+s30+$0x0], $0xffff  }
0x2ac: {  	v19 =	vld.idx.msk [tilespmem:v19+s30+$0x0], $0xffff  }
0x2ad: {  	v20 =	vld.idx.msk [tilespmem:v20+s30+$0x0], $0xffff  }
0x2ae: {  	v13 =	vadd.f32 v13, v3;
	v3 =	vmov v23;
	v15 =	vld.idx.msk [tilespmem:v15+s30+$0x0], $0xffff  }
0x2af: {  	v17 =	vld.idx.msk [tilespmem:v17+s30+$0x0], $0xffff  }
0x2b0: {  	v21 =	vadd.f32 v21, v6;
	v14 =	vld.idx.msk [tilespmem:v14+s30+$0x0], $0xffff;
	[tilespmem:s18+$0x80] =	vst v13  }
0x2b1: {  	v13 =	vadd.f32 v18, v5;
	v16 =	vld.idx.msk [tilespmem:v16+s30+$0x0], $0xffff  }
0x2b2: {  	v18 =	vadd.f32 v19, v4;
	[tilespmem:s23+$0xFFFFFF90] =	vst v21;
	v12 =	vld.idx.msk [tilespmem:v12+s30+$0x0], $0xffff  }
0x2b3: {  	v19 =	vld [tilespmem:s25+$0x10];
	[tilespmem:s23+$0xFFFFFFA0] =	vst v13;
	v13 =	vadd.f32 v20, v22  }
0x2b4: {  	v15 =	vadd.f32 v15, v11;
	v20 =	vld [tilespmem:s25+$0x20];
	[tilespmem:s23+$0xFFFFFFB0] =	vst v18  }
0x2b5: {  	v17 =	vadd.f32 v17, v3;
	v18 =	vld [tilespmem:s25+$0x30];
	[tilespmem:s23+$0xFFFFFFC0] =	vst v13  }
0x2b6: {  	v14 =	vadd.f32 v14, v7;
	v13 =	vld [tilespmem:s25+$0x40];
	[tilespmem:s23+$0xFFFFFFD0] =	vst v15  }
0x2b7: {  	v16 =	vadd.f32 v16, v10;
	[tilespmem:s23+$0xFFFFFF80] =	vst v17;
	v15 =	vld [tilespmem:s25+$0x50]  }
0x2b8: {  	v12 =	vadd.f32 v12, v2;
	v2 =	vmov v22;
	v17 =	vld [tilespmem:s25+$0x0];
	[tilespmem:s23+$0xFFFFFFE0] =	vst v14  }
0x2b9: {  	v14 =	vld [tilespmem:s25+$0x60];
	[tilespmem:s23+$0x70] =	vst v16  }
0x2ba: {  	v16 =	vld [tilespmem:s25+$0xF0];
	[tilespmem:s18+$0xC0] =	vst v12  }
0x2bb: {  	v12 =	vld.idx.msk [tilespmem:v19+s30+$0x0], $0xffff  }
0x2bc: {  	v19 =	vld.idx.msk [tilespmem:v20+s30+$0x0], $0xffff  }
0x2bd: {  	v18 =	vld.idx.msk [tilespmem:v18+s30+$0x0], $0xffff  }
0x2be: {  	v13 =	vld.idx.msk [tilespmem:v13+s30+$0x0], $0xffff  }
0x2bf: {  	v15 =	vld.idx.msk [tilespmem:v15+s30+$0x0], $0xffff  }
0x2c0: {  	v17 =	vld.idx.msk [tilespmem:v17+s30+$0x0], $0xffff  }
0x2c1: {  	v12 =	vadd.f32 v12, v6;
	v14 =	vld.idx.msk [tilespmem:v14+s30+$0x0], $0xffff  }
0x2c2: {  	v19 =	vadd.f32 v19, v5;
	v16 =	vld.idx.msk [tilespmem:v16+s30+$0x0], $0xffff  }
0x2c3: {  	[tilespmem:s23+$0x10] =	vst v12;
	v12 =	vadd.f32 v18, v4;
	v18 =	vld.idx.msk [tilespmem:v8+s30+$0x0], $0xffff  }
0x2c4: {  	v8 =	vadd.f32 v13, v2;
	v20 =	vld [tilespmem:s25+$0x90];
	[tilespmem:s23+$0x20] =	vst v19  }
0x2c5: {  	v13 =	vadd.f32 v15, v11;
	v19 =	vld [tilespmem:s25+$0xA0];
	[tilespmem:s23+$0x30] =	vst v12  }
0x2c6: {  	v15 =	vadd.f32 v17, v3;
	v17 =	vld [tilespmem:s25+$0xB0];
	[tilespmem:s23+$0x40] =	vst v8  }
0x2c7: {  	v14 =	vadd.f32 v14, v7;
	v12 =	vld [tilespmem:s25+$0xC0];
	[tilespmem:s23+$0x50] =	vst v13  }
0x2c8: {  	[tilespmem:s23+$0x0] =	vst v15;
	v8 =	vld [tilespmem:s25+$0xD0];
	v15 =	vadd.f32 v16, v10  }
0x2c9: {  	v13 =	vld [tilespmem:s25+$0x80];
	[tilespmem:s23+$0x60] =	vst v14;
	v14 =	vadd.f32 v18, v1;
	v1 =	vmov v11  }
.Ltmp1:
0x2ca: {  	v10 =	vld [tilespmem:s25+$0xE0];
	[tilespmem:s23+$0xF0] =	vst v15;
	(pc) =	sbr.rel @p0 .LBB2_4-.Ltmp1, $4  }
0x2cb: {  	[tilespmem:s18+$0xD0] =	vst v14;
	v16 =	vld.idx.msk [tilespmem:v9+s30+$0x0], $0xffff  }
0x2cc: {  	v15 =	vld.idx.msk [tilespmem:v20+s30+$0x0], $0xffff  }
0x2cd: {  	v14 =	vld.idx.msk [tilespmem:v19+s30+$0x0], $0xffff  }
0x2ce: {  	s25 =	sadd.s32 $0x200, s25;
	v11 =	vld.idx.msk [tilespmem:v17+s30+$0x0], $0xffff  }
0x2cf: {  	_ =	sdelay $0x3  }
0x2d0: {  	v9 =	vld.idx.msk [tilespmem:v13+s30+$0x0], $0xffff  }
0x2d1: {  	v12 =	vld.idx.msk [tilespmem:v12+s30+$0x0], $0xffff;
	v0 =	vadd.f32 v16, v0  }
0x2d2: {  	v8 =	vld.idx.msk [tilespmem:v8+s30+$0x0], $0xffff;
	v6 =	vadd.f32 v15, v6  }
0x2d3: {  	v60 =	vld.idx.msk [tilespmem:v10+s30+$0x0], $0xffff;
	[tilespmem:s18+$0xE0] =	vst v0;
	v59 =	vadd.f32 v14, v5  }
0x2d4: {  	[tilespmem:s23+$0x90] =	vst v6;
	v4 =	vadd.f32 v11, v4  }
0x2d5: {  	[tilespmem:s23+$0xA0] =	vst v59;
	v61 =	vadd.f32 v9, v3  }
0x2d6: {  	v2 =	vadd.f32 v12, v2;
	[tilespmem:s23+$0xB0] =	vst v4  }
0x2d7: {  	v62 =	vadd.f32 v8, v1;
	[tilespmem:s23+$0x80] =	vst v61  }
0x2d8: {  	v63 =	vadd.f32 v60, v7;
	[tilespmem:s23+$0xC0] =	vst v2  }
0x2d9: {  	[tilespmem:s23+$0xD0] =	vst v62  }
0x2da: {  	s7 =	simm.s32 $0x1AF00;
	[tilespmem:s23+$0xE0] =	vst v63  }
0x2db: {  	[hbm4b:s19+s4] =	stream.linear.scatter [tilespmem:s7], [sflag:$0x3], $0x80, $0x38;
	[tilespmem:$0x1D300] =	vst v63  }
0x2dc: {  	s25 =	sadd.s32 $0x80, s19;
	s8 =	simm.s32 $0x1B100  }
0x2dd: {  	[hbm4b:s25+s4] =	stream.linear.scatter [tilespmem:s8], [sflag:$0x3], $0x80, $0x38;
	[tilespmem:$0x1D300] =	vst v63  }
0x2de: {  	s18 =	simm.s32 $0x1B300;
	s8 =	sadd.s32 $0x100, s19  }
0x2df: {  	[hbm4b:s8+s4] =	stream.linear.scatter [tilespmem:s18], [sflag:$0x3], $0x80, $0x38;
	[tilespmem:$0x1D300] =	vst v63  }
0x2e0: {  	s23 =	sadd.s32 $0x180, s19;
	s25 =	simm.s32 $0x1B500  }
0x2e1: {  	[hbm4b:s23+s4] =	stream.linear.scatter [tilespmem:s25], [sflag:$0x3], $0x80, $0x38;
	[tilespmem:$0x1D300] =	vst v63  }
0x2e2: {  	s8 =	sadd.s32 $0x200, s19;
	s18 =	simm.s32 $0x1B700  }
0x2e3: {  	[hbm4b:s8+s4] =	stream.linear.scatter [tilespmem:s18], [sflag:$0x3], $0x80, $0x38;
	[tilespmem:$0x1D300] =	vst v63  }
0x2e4: {  	s23 =	sadd.s32 $0x280, s19;
	s25 =	simm.s32 $0x1B900  }
0x2e5: {  	[hbm4b:s23+s4] =	stream.linear.scatter [tilespmem:s25], [sflag:$0x3], $0x80, $0x38;
	[tilespmem:$0x1D300] =	vst v63  }
0x2e6: {  	s8 =	sadd.s32 $0x300, s19;
	s18 =	simm.s32 $0x1BB00  }
0x2e7: {  	[hbm4b:s8+s4] =	stream.linear.scatter [tilespmem:s18], [sflag:$0x3], $0x80, $0x38;
	[tilespmem:$0x1D300] =	vst v63  }
0x2e8: {  	s23 =	sadd.s32 $0x380, s19;
	s25 =	simm.s32 $0x1BD00  }
0x2e9: {  	[hbm4b:s23+s4] =	stream.linear.scatter [tilespmem:s25], [sflag:$0x3], $0x80, $0x38;
	[tilespmem:$0x1D300] =	vst v63  }
0x2ea: {  	s8 =	sadd.s32 $0x400, s19;
	s18 =	simm.s32 $0x1BF00  }
0x2eb: {  	[hbm4b:s8+s4] =	stream.linear.scatter [tilespmem:s18], [sflag:$0x3], $0x80, $0x38;
	[tilespmem:$0x1D300] =	vst v63  }
0x2ec: {  	s23 =	sadd.s32 $0x480, s19;
	s25 =	simm.s32 $0x1C100  }
0x2ed: {  	[hbm4b:s23+s4] =	stream.linear.scatter [tilespmem:s25], [sflag:$0x3], $0x80, $0x38;
	[tilespmem:$0x1D300] =	vst v63  }
0x2ee: {  	s8 =	sadd.s32 $0x500, s19;
	s18 =	simm.s32 $0x1C300  }
0x2ef: {  	[hbm4b:s8+s4] =	stream.linear.scatter [tilespmem:s18], [sflag:$0x3], $0x80, $0x38;
	[tilespmem:$0x1D300] =	vst v63  }
0x2f0: {  	s23 =	sadd.s32 $0x580, s19;
	s25 =	simm.s32 $0x1C500  }
0x2f1: {  	[hbm4b:s23+s4] =	stream.linear.scatter [tilespmem:s25], [sflag:$0x3], $0x80, $0x38;
	[tilespmem:$0x1D300] =	vst v63  }
0x2f2: {  	s8 =	sadd.s32 $0x600, s19;
	s18 =	simm.s32 $0x1C700  }
0x2f3: {  	[hbm4b:s8+s4] =	stream.linear.scatter [tilespmem:s18], [sflag:$0x3], $0x80, $0x38;
	[tilespmem:$0x1D300] =	vst v63  }
0x2f4: {  	s23 =	sadd.s32 $0x680, s19;
	s25 =	simm.s32 $0x1C900  }
0x2f5: {  	[hbm4b:s23+s4] =	stream.linear.scatter [tilespmem:s25], [sflag:$0x3], $0x80, $0x38;
	[tilespmem:$0x1D300] =	vst v63  }
0x2f6: {  	s8 =	sadd.s32 $0x700, s19;
	s18 =	simm.s32 $0x1CB00  }
0x2f7: {  	[hbm4b:s8+s4] =	stream.linear.scatter [tilespmem:s18], [sflag:$0x3], $0x80, $0x38;
	[tilespmem:$0x1D300] =	vst v63  }
0x2f8: {  	s23 =	sadd.s32 $0x780, s19;
	s25 =	simm.s32 $0x1CD00  }
0x2f9: {  	[hbm4b:s23+s4] =	stream.linear.scatter [tilespmem:s25], [sflag:$0x3], $0x80, $0x38;
	[tilespmem:$0x1D300] =	vst v63  }
0x2fa: {  	s18 =	simm.s32 $0x1AF80  }
0x2fb: {  	[hbm4b:s20+s4] =	stream.linear.scatter [tilespmem:s18], [sflag:$0x3], $0x80, $0x38;
	[tilespmem:$0x1D300] =	vst v63  }
0x2fc: {  	s23 =	sadd.s32 $0x80, s20;
	s25 =	simm.s32 $0x1B180  }
0x2fd: {  	[hbm4b:s23+s4] =	stream.linear.scatter [tilespmem:s25], [sflag:$0x3], $0x80, $0x38;
	[tilespmem:$0x1D300] =	vst v63  }
0x2fe: {  	s8 =	sadd.s32 $0x100, s20;
	s18 =	simm.s32 $0x1B380  }
0x2ff: {  	[hbm4b:s8+s4] =	stream.linear.scatter [tilespmem:s18], [sflag:$0x3], $0x80, $0x38;
	[tilespmem:$0x1D300] =	vst v63  }
0x300: {  	s23 =	sadd.s32 $0x180, s20;
	s25 =	simm.s32 $0x1B580  }
0x301: {  	[hbm4b:s23+s4] =	stream.linear.scatter [tilespmem:s25], [sflag:$0x3], $0x80, $0x38;
	[tilespmem:$0x1D300] =	vst v63  }
0x302: {  	s8 =	sadd.s32 $0x200, s20;
	s18 =	simm.s32 $0x1B780  }
0x303: {  	[hbm4b:s8+s4] =	stream.linear.scatter [tilespmem:s18], [sflag:$0x3], $0x80, $0x38;
	[tilespmem:$0x1D300] =	vst v63  }
0x304: {  	s23 =	sadd.s32 $0x280, s20;
	s25 =	simm.s32 $0x1B980  }
0x305: {  	[hbm4b:s23+s4] =	stream.linear.scatter [tilespmem:s25], [sflag:$0x3], $0x80, $0x38;
	[tilespmem:$0x1D300] =	vst v63  }
0x306: {  	s8 =	sadd.s32 $0x300, s20;
	s18 =	simm.s32 $0x1BB80  }
0x307: {  	[hbm4b:s8+s4] =	stream.linear.scatter [tilespmem:s18], [sflag:$0x3], $0x80, $0x38;
	[tilespmem:$0x1D300] =	vst v63  }
0x308: {  	s23 =	sadd.s32 $0x380, s20;
	s25 =	simm.s32 $0x1BD80  }
0x309: {  	[hbm4b:s23+s4] =	stream.linear.scatter [tilespmem:s25], [sflag:$0x3], $0x80, $0x38;
	[tilespmem:$0x1D300] =	vst v63  }
0x30a: {  	s8 =	sadd.s32 $0x400, s20;
	s18 =	simm.s32 $0x1BF80  }
0x30b: {  	[hbm4b:s8+s4] =	stream.linear.scatter [tilespmem:s18], [sflag:$0x3], $0x80, $0x38;
	[tilespmem:$0x1D300] =	vst v63  }
0x30c: {  	s23 =	sadd.s32 $0x480, s20;
	s25 =	simm.s32 $0x1C180  }
0x30d: {  	[hbm4b:s23+s4] =	stream.linear.scatter [tilespmem:s25], [sflag:$0x3], $0x80, $0x38;
	[tilespmem:$0x1D300] =	vst v63  }
0x30e: {  	s8 =	sadd.s32 $0x500, s20;
	s18 =	simm.s32 $0x1C380  }
0x30f: {  	[hbm4b:s8+s4] =	stream.linear.scatter [tilespmem:s18], [sflag:$0x3], $0x80, $0x38;
	[tilespmem:$0x1D300] =	vst v63  }
0x310: {  	s23 =	sadd.s32 $0x580, s20;
	s25 =	simm.s32 $0x1C580  }
0x311: {  	[hbm4b:s23+s4] =	stream.linear.scatter [tilespmem:s25], [sflag:$0x3], $0x80, $0x38;
	[tilespmem:$0x1D300] =	vst v63  }
0x312: {  	s8 =	sadd.s32 $0x600, s20;
	s18 =	simm.s32 $0x1C780  }
0x313: {  	[hbm4b:s8+s4] =	stream.linear.scatter [tilespmem:s18], [sflag:$0x3], $0x80, $0x38;
	[tilespmem:$0x1D300] =	vst v63  }
0x314: {  	s23 =	sadd.s32 $0x680, s20;
	s25 =	simm.s32 $0x1C980  }
0x315: {  	[hbm4b:s23+s4] =	stream.linear.scatter [tilespmem:s25], [sflag:$0x3], $0x80, $0x38;
	[tilespmem:$0x1D300] =	vst v63  }
0x316: {  	s8 =	sadd.s32 $0x700, s20;
	s18 =	simm.s32 $0x1CB80  }
0x317: {  	[hbm4b:s8+s4] =	stream.linear.scatter [tilespmem:s18], [sflag:$0x3], $0x80, $0x38;
	[tilespmem:$0x1D300] =	vst v63  }
0x318: {  	s23 =	sadd.s32 $0x780, s20;
	s25 =	simm.s32 $0x1CD80  }
0x319: {  	[hbm4b:s23+s4] =	stream.linear.scatter [tilespmem:s25], [sflag:$0x3], $0x80, $0x38;
	[tilespmem:$0x1D300] =	vst v63  }
0x31a: {  	_ = 	snop  }
0x31b: {  	[hbm4b:s21+s4] =	stream.linear.scatter [tilespmem:s0], [sflag:$0x3], $0x80, $0x38;
	[tilespmem:$0x1D300] =	vst v63  }
0x31c: {  	s8 =	sadd.s32 $0x80, s21;
	s18 =	simm.s32 $0x1B200  }
0x31d: {  	[hbm4b:s8+s4] =	stream.linear.scatter [tilespmem:s18], [sflag:$0x3], $0x80, $0x38;
	[tilespmem:$0x1D300] =	vst v63  }
0x31e: {  	s23 =	sadd.s32 $0x100, s21;
	s25 =	simm.s32 $0x1B400  }
0x31f: {  	[hbm4b:s23+s4] =	stream.linear.scatter [tilespmem:s25], [sflag:$0x3], $0x80, $0x38;
	[tilespmem:$0x1D300] =	vst v63  }
0x320: {  	s8 =	sadd.s32 $0x180, s21;
	s18 =	simm.s32 $0x1B600  }
0x321: {  	[hbm4b:s8+s4] =	stream.linear.scatter [tilespmem:s18], [sflag:$0x3], $0x80, $0x38;
	[tilespmem:$0x1D300] =	vst v63  }
0x322: {  	s23 =	sadd.s32 $0x200, s21;
	s25 =	simm.s32 $0x1B800  }
0x323: {  	[hbm4b:s23+s4] =	stream.linear.scatter [tilespmem:s25], [sflag:$0x3], $0x80, $0x38;
	[tilespmem:$0x1D300] =	vst v63  }
0x324: {  	s8 =	sadd.s32 $0x280, s21;
	s18 =	simm.s32 $0x1BA00  }
0x325: {  	[hbm4b:s8+s4] =	stream.linear.scatter [tilespmem:s18], [sflag:$0x3], $0x80, $0x38;
	[tilespmem:$0x1D300] =	vst v63  }
0x326: {  	s23 =	sadd.s32 $0x300, s21;
	s25 =	simm.s32 $0x1BC00  }
0x327: {  	[hbm4b:s23+s4] =	stream.linear.scatter [tilespmem:s25], [sflag:$0x3], $0x80, $0x38;
	[tilespmem:$0x1D300] =	vst v63  }
0x328: {  	s8 =	sadd.s32 $0x380, s21;
	s18 =	simm.s32 $0x1BE00  }
0x329: {  	[hbm4b:s8+s4] =	stream.linear.scatter [tilespmem:s18], [sflag:$0x3], $0x80, $0x38;
	[tilespmem:$0x1D300] =	vst v63  }
0x32a: {  	s23 =	sadd.s32 $0x400, s21;
	s25 =	simm.s32 $0x1C000  }
0x32b: {  	[hbm4b:s23+s4] =	stream.linear.scatter [tilespmem:s25], [sflag:$0x3], $0x80, $0x38;
	[tilespmem:$0x1D300] =	vst v63  }
0x32c: {  	s8 =	sadd.s32 $0x480, s21;
	s18 =	simm.s32 $0x1C200  }
0x32d: {  	[hbm4b:s8+s4] =	stream.linear.scatter [tilespmem:s18], [sflag:$0x3], $0x80, $0x38;
	[tilespmem:$0x1D300] =	vst v63  }
0x32e: {  	s23 =	sadd.s32 $0x500, s21;
	s25 =	simm.s32 $0x1C400  }
0x32f: {  	[hbm4b:s23+s4] =	stream.linear.scatter [tilespmem:s25], [sflag:$0x3], $0x80, $0x38;
	[tilespmem:$0x1D300] =	vst v63  }
0x330: {  	s8 =	sadd.s32 $0x580, s21;
	s18 =	simm.s32 $0x1C600  }
0x331: {  	[hbm4b:s8+s4] =	stream.linear.scatter [tilespmem:s18], [sflag:$0x3], $0x80, $0x38;
	[tilespmem:$0x1D300] =	vst v63  }
0x332: {  	s23 =	sadd.s32 $0x600, s21;
	s25 =	simm.s32 $0x1C800  }
0x333: {  	[hbm4b:s23+s4] =	stream.linear.scatter [tilespmem:s25], [sflag:$0x3], $0x80, $0x38;
	[tilespmem:$0x1D300] =	vst v63  }
0x334: {  	s8 =	sadd.s32 $0x680, s21;
	s18 =	simm.s32 $0x1CA00  }
0x335: {  	[hbm4b:s8+s4] =	stream.linear.scatter [tilespmem:s18], [sflag:$0x3], $0x80, $0x38;
	[tilespmem:$0x1D300] =	vst v63  }
0x336: {  	s23 =	sadd.s32 $0x700, s21;
	s25 =	simm.s32 $0x1CC00  }
0x337: {  	[hbm4b:s23+s4] =	stream.linear.scatter [tilespmem:s25], [sflag:$0x3], $0x80, $0x38;
	[tilespmem:$0x1D300] =	vst v63  }
0x338: {  	s18 =	sadd.s32 $0x780, s21;
	s23 =	simm.s32 $0x1CE00  }
0x339: {  	[hbm4b:s18+s4] =	stream.linear.scatter [tilespmem:s23], [sflag:$0x3], $0x80, $0x38;
	[tilespmem:$0x1D300] =	vst v63  }
0x33a: {  	s25 =	simm.s32 $0x1B080  }
0x33b: {  	[hbm4b:s22+s4] =	stream.linear.scatter [tilespmem:s25], [sflag:$0x3], $0x80, $0x38;
	[tilespmem:$0x1D300] =	vst v63  }
0x33c: {  	s8 =	sadd.s32 $0x80, s22;
	s18 =	simm.s32 $0x1B280  }
0x33d: {  	[hbm4b:s8+s4] =	stream.linear.scatter [tilespmem:s18], [sflag:$0x3], $0x80, $0x38;
	[tilespmem:$0x1D300] =	vst v63  }
0x33e: {  	s23 =	sadd.s32 $0x100, s22;
	s25 =	simm.s32 $0x1B480  }
0x33f: {  	[hbm4b:s23+s4] =	stream.linear.scatter [tilespmem:s25], [sflag:$0x3], $0x80, $0x38;
	[tilespmem:$0x1D300] =	vst v63  }
0x340: {  	s8 =	sadd.s32 $0x180, s22;
	s18 =	simm.s32 $0x1B680  }
0x341: {  	[hbm4b:s8+s4] =	stream.linear.scatter [tilespmem:s18], [sflag:$0x3], $0x80, $0x38;
	[tilespmem:$0x1D300] =	vst v63  }
0x342: {  	s23 =	sadd.s32 $0x200, s22;
	s25 =	simm.s32 $0x1B880  }
0x343: {  	[hbm4b:s23+s4] =	stream.linear.scatter [tilespmem:s25], [sflag:$0x3], $0x80, $0x38;
	[tilespmem:$0x1D300] =	vst v63  }
0x344: {  	s8 =	sadd.s32 $0x280, s22;
	s18 =	simm.s32 $0x1BA80  }
0x345: {  	[hbm4b:s8+s4] =	stream.linear.scatter [tilespmem:s18], [sflag:$0x3], $0x80, $0x38;
	[tilespmem:$0x1D300] =	vst v63  }
0x346: {  	s23 =	sadd.s32 $0x300, s22;
	s25 =	simm.s32 $0x1BC80  }
0x347: {  	[hbm4b:s23+s4] =	stream.linear.scatter [tilespmem:s25], [sflag:$0x3], $0x80, $0x38;
	[tilespmem:$0x1D300] =	vst v63  }
0x348: {  	s8 =	sadd.s32 $0x380, s22;
	s18 =	simm.s32 $0x1BE80  }
0x349: {  	[hbm4b:s8+s4] =	stream.linear.scatter [tilespmem:s18], [sflag:$0x3], $0x80, $0x38;
	[tilespmem:$0x1D300] =	vst v63  }
0x34a: {  	s23 =	sadd.s32 $0x400, s22;
	s25 =	simm.s32 $0x1C080  }
0x34b: {  	[hbm4b:s23+s4] =	stream.linear.scatter [tilespmem:s25], [sflag:$0x3], $0x80, $0x38;
	[tilespmem:$0x1D300] =	vst v63  }
0x34c: {  	s8 =	sadd.s32 $0x480, s22;
	s18 =	simm.s32 $0x1C280  }
0x34d: {  	[hbm4b:s8+s4] =	stream.linear.scatter [tilespmem:s18], [sflag:$0x3], $0x80, $0x38;
	[tilespmem:$0x1D300] =	vst v63  }
0x34e: {  	s23 =	sadd.s32 $0x500, s22;
	s25 =	simm.s32 $0x1C480  }
0x34f: {  	[hbm4b:s23+s4] =	stream.linear.scatter [tilespmem:s25], [sflag:$0x3], $0x80, $0x38;
	[tilespmem:$0x1D300] =	vst v63  }
0x350: {  	s8 =	sadd.s32 $0x580, s22;
	s18 =	simm.s32 $0x1C680  }
0x351: {  	[hbm4b:s8+s4] =	stream.linear.scatter [tilespmem:s18], [sflag:$0x3], $0x80, $0x38;
	[tilespmem:$0x1D300] =	vst v63  }
0x352: {  	s23 =	sadd.s32 $0x600, s22;
	s25 =	simm.s32 $0x1C880  }
0x353: {  	[hbm4b:s23+s4] =	stream.linear.scatter [tilespmem:s25], [sflag:$0x3], $0x80, $0x38;
	[tilespmem:$0x1D300] =	vst v63  }
0x354: {  	s8 =	sadd.s32 $0x680, s22  }
0x355: {  	[hbm4b:s8+s4] =	stream.linear.scatter [tilespmem:s9], [sflag:$0x3], $0x80, $0x38;
	[tilespmem:$0x1D300] =	vst v63  }
0x356: {  	s18 =	sadd.s32 $0x700, s22  }
0x357: {  	[hbm4b:s18+s4] =	stream.linear.scatter [tilespmem:s26], [sflag:$0x3], $0x80, $0x38;
	[tilespmem:$0x1D300] =	vst v63  }
0x358: {  	s23 =	sadd.s32 $0x780, s22  }
0x359: {  	[hbm4b:s23+s4] =	stream.linear.scatter [tilespmem:s10], [sflag:$0x3], $0x80, $0x38;
	[tilespmem:$0x1D300] =	vst v63  }
0x35a: {  	_ =	swait.ge [sflag:s1], $0x800  }
0x35b: {  	[sflag:s1] =	ssyncset.done $0x0  }
0x35c: {  	[sflag:s1] =	ssyncadd.s32 $0xFFFFF800  }
0x35d: {  	_ =	swait.ge [sflag:s1], $0x800  }
0x35e: {  	[sflag:s1] =	ssyncset.done $0x0  }
0x35f: {  	[sflag:s1] =	ssyncadd.s32 $0xFFFFF800  }
0x360: {  	_ =	swait.ge [sflag:s1], $0x800  }
0x361: {  	[sflag:s1] =	ssyncset.done $0x0  }
0x362: {  	[sflag:s1] =	ssyncadd.s32 $0xFFFFF800  }
0x363: {  	_ =	swait.ge [sflag:s1], $0x800  }
0x364: {  	s6 =	sadd.s32 $0x1, s6;
	s25 =	rddreg [dreg:$0xd]  }
0x365: {  	p0 =	sne.s32 s6, s25  }
.Ltmp2:
0x366: {  	_ = 	snop;
	(pc) =	sbr.rel @p0 .LBB2_1-.Ltmp2, $3  }
0x367: {  	_ =	sdelay $0x1  }
0x368: {  	[sflag:s1] =	ssyncset.done $0x0  }
0x369: {  	[sflag:s1] =	ssyncadd.s32 $0xFFFFF800  }
0x36a: {  	_ =	sfence.sel $0x180000  }
0x36b: {  	[bflag:$0x0] =	sbarrier.arrive $0xFFFF  }
0x36c: {  	_ =	strace $0x90000047  }
0x36d: {  	s0 =	stileid.u32;
	[bflag:$0x2] =	sbarrier.arrive $0xFFFF  }
0x36e: {  	p0 =	sne.s32 s0, $0x0;
	s0 =	rddreg [dreg:$0x4]  }
0x36f: {  	s0 =	sadd.s32 @!p0 $0x100000, s0  }
0x370: {  	[sflag:s0] =	ssyncadd.tile.s32 @!p0 $0x1;
	_ =	shalt  }
.Lfunc_end2:
_tile_overlayer_lowered:
.L_overlay_start_2:
0x371: {  	(tag) =	ssettag $0x2  }
0x372: {  	s0 =	rddreg [dreg:$0x0];
	s2 =	stileid.u32  }
0x373: {  	s1 =	rddreg [dreg:$0x1];
	p0 =	sne.s32 s2, $0x0  }
0x374: {  	s3 =	rddreg [dreg:$0x2];
	[bflag:$0x3] =	sbarrier.arrive $0xFFFF;
	s2 =	simm.s32 @!p0 $0x1C04  }
0x375: {  	[timem:s3], [sflag:s2] =	dma.local @!p0 [hbm:s0], s1  }
0x376: {  	s0 =	simm.s32 @!p0 $0x4  }
0x377: {  	_ =	swait.ge @!p0 [sflag:s0], s1  }
0x378: {  	s1 =	ssub.s32 @!p0 $0x0, s1;
	[sflag:s0] =	ssyncset.done @!p0 $0x0  }
0x379: {  	[sflag:s0] =	ssyncadd.s32 @!p0 s1  }
0x37a: {  	[bflag:$0x3] =	sbarrier.arrive $0xFFFF  }
0x37b: {  	_ =	shalt  }

</sc_bundles>
